<compile_context>
chip_gen: v7x
topology: tpu7x:2x2x1
jax: 0.10.2.dev20260603
libtpu: 0.0.44.dev20260713+nightly
codegen_flags: <defaults>
</compile_context>

<pallas_src>
import functools

import jax
import jax.numpy as jnp
from jax import lax
from jax.experimental import pallas as pl
from jax.experimental.pallas import tpu as pltpu
from jax.experimental.pallas import tpu_sc as plsc

N = 10000
E = 320000
D = 128
NT = 64

NC = 2
NS = 16
NW = NC * NS

HALF = 4992
H_ROWS = 5016
H_TRASH = 5008

KB = 32
PER_W = 20480
PAD_SC = NS * PER_W
STAGE_E = 320
STAGE_CH = STAGE_E // KB
NSTAGES = PER_W // STAGE_E

ROWS_PER_TILE = 632
ACC_ROWS = NS * ROWS_PER_TILE
TRASH = N

_R = 1000


def _make_sc_segsum():
    mesh = plsc.VectorSubcoreMesh(core_axis_name="c", subcore_axis_name="s")

    @functools.partial(
        pl.kernel,
        out_type=jax.ShapeDtypeStruct((NC * ACC_ROWS, D), jnp.float32),
        mesh=mesh,
        scratch_types=[
            pltpu.VMEM((STAGE_E,), jnp.int32),
            pltpu.VMEM((STAGE_E,), jnp.int32),
            pltpu.VMEM((STAGE_E,), jnp.int32),
            pltpu.VMEM((STAGE_E,), jnp.int32),
            pltpu.VMEM((2, KB, D), jnp.float32),
            pltpu.VMEM_SHARED((H_ROWS, D), jnp.float32),
            pltpu.VMEM_SHARED((ACC_ROWS, D), jnp.float32),
            pltpu.SemaphoreType.DMA,
            pltpu.SemaphoreType.DMA,
            pltpu.SemaphoreType.DMA,
            pltpu.SemaphoreType.DMA,
        ],
    )
    def segsum(h_hbm, src_hbm, dst_hbm, zeros_hbm, out_hbm,
               src_a, dst_a, src_b, dst_b, rows, hsp, acc,
               sem_a, sem_b, sem_ia, sem_ib):
        c = lax.axis_index("c")
        s = lax.axis_index("s")
        sems = (sem_a, sem_b)

        pltpu.sync_copy(zeros_hbm, acc.at[pl.ds(s * ROWS_PER_TILE, ROWS_PER_TILE)])
        base_h = c * HALF
        pltpu.sync_copy(h_hbm.at[pl.ds(base_h + s * 312, 312)],
                        hsp.at[pl.ds(s * 312, 312)])

        @pl.when(s == 0)
        def _tail():
            pltpu.sync_copy(h_hbm.at[pl.ds(base_h + 4992, 16)],
                            hsp.at[pl.ds(4992, 16)])

        plsc.subcore_barrier()

        ebase = c * PAD_SC + s * PER_W
        idx_sets = ((src_a, dst_a, sem_ia), (src_b, dst_b, sem_ib))

        def load_idx(st, sset):
            sv, dv, sem = sset
            off = ebase + st * STAGE_E
            pltpu.async_copy(src_hbm.at[pl.ds(off, STAGE_E)], sv, sem)
            pltpu.async_copy(dst_hbm.at[pl.ds(off, STAGE_E)], dv, sem)

        def wait_idx(st, sset):
            sv, dv, sem = sset
            off = ebase + st * STAGE_E
            pltpu.make_async_copy(src_hbm.at[pl.ds(off, STAGE_E)], sv, sem).wait()
            pltpu.make_async_copy(dst_hbm.at[pl.ds(off, STAGE_E)], dv, sem).wait()

        def run_stage(sset):
            sv, dv, _ = sset
            pltpu.async_copy(hsp.at[sv.at[pl.ds(0, KB)]], rows.at[0], sem_a)

            def body(g, carry2):
                for b in range(2):
                    j = 2 * g + b
                    pltpu.make_async_copy(
                        hsp.at[sv.at[pl.ds(j * KB, KB)]],
                        rows.at[b], sems[b]).wait()
                    pltpu.sync_copy(
                        rows.at[b], acc.at[dv.at[pl.ds(j * KB, KB)]],
                        add=True)
                    nxt = j + 1
                    bn = (b + 1) % 2

                    @pl.when(nxt < STAGE_CH)
                    def _():
                        pltpu.async_copy(
                            hsp.at[sv.at[pl.ds(nxt * KB, KB)]],
                            rows.at[bn], sems[bn])
                return carry2

            lax.fori_loop(0, STAGE_CH // 2, body, 0)

        load_idx(0, idx_sets[0])

        def pair_body(t, carry):
            st0 = 2 * t
            wait_idx(st0, idx_sets[0])
            load_idx(st0 + 1, idx_sets[1])
            run_stage(idx_sets[0])
            wait_idx(st0 + 1, idx_sets[1])

            @pl.when(st0 + 2 < NSTAGES)
            def _():
                load_idx(st0 + 2, idx_sets[0])

            run_stage(idx_sets[1])
            return carry

        lax.fori_loop(0, NSTAGES // 2, pair_body, 0)
        plsc.subcore_barrier()

        pltpu.sync_copy(
            acc.at[pl.ds(s * ROWS_PER_TILE, ROWS_PER_TILE)],
            out_hbm.at[pl.ds((c * ACC_ROWS + s * ROWS_PER_TILE), ROWS_PER_TILE)])

    return segsum


_sc_segsum = _make_sc_segsum()


def _tc_layer_body(p0, p1, h, wr, ws, b, o):
    agg = p0[...] + p1[...]
    acc = jnp.dot(agg, wr[...], preferred_element_type=jnp.float32)
    acc += jnp.dot(h[...], ws[...], preferred_element_type=jnp.float32)
    o[...] = jnp.maximum(acc + b[...], 0.0)


_tc_layer = pl.pallas_call(
    _tc_layer_body,
    grid=(N // _R,),
    in_specs=[
        pl.BlockSpec((_R, D), lambda i: (i, 0)),
        pl.BlockSpec((_R, D), lambda i: (i, 0)),
        pl.BlockSpec((_R, D), lambda i: (i, 0)),
        pl.BlockSpec((D, D), lambda i: (0, 0)),
        pl.BlockSpec((D, D), lambda i: (0, 0)),
        pl.BlockSpec((1, D), lambda i: (0, 0)),
    ],
    out_specs=pl.BlockSpec((_R, D), lambda i: (i, 0)),
    out_shape=jax.ShapeDtypeStruct((N, D), jnp.float32),
)


def _tc_final_body(p0, p1, h, wr, ws, b, wc1, bc1, wc2, bc2, o):
    agg = p0[...] + p1[...]
    acc = jnp.dot(agg, wr[...], preferred_element_type=jnp.float32)
    acc += jnp.dot(h[...], ws[...], preferred_element_type=jnp.float32)
    h3 = jnp.maximum(acc + b[...], 0.0)
    hc = jnp.maximum(
        jnp.dot(h3, wc1[...], preferred_element_type=jnp.float32) + bc1[...], 0.0)
    o[...] = jnp.dot(hc, wc2[...], preferred_element_type=jnp.float32) + bc2[...]


_tc_final = pl.pallas_call(
    _tc_final_body,
    grid=(N // _R,),
    in_specs=[
        pl.BlockSpec((_R, D), lambda i: (i, 0)),
        pl.BlockSpec((_R, D), lambda i: (i, 0)),
        pl.BlockSpec((_R, D), lambda i: (i, 0)),
        pl.BlockSpec((D, D), lambda i: (0, 0)),
        pl.BlockSpec((D, D), lambda i: (0, 0)),
        pl.BlockSpec((1, D), lambda i: (0, 0)),
        pl.BlockSpec((D, D), lambda i: (0, 0)),
        pl.BlockSpec((1, D), lambda i: (0, 0)),
        pl.BlockSpec((D, NT), lambda i: (0, 0)),
        pl.BlockSpec((1, NT), lambda i: (0, 0)),
    ],
    out_specs=pl.BlockSpec((_R, NT), lambda i: (i, 0)),
    out_shape=jax.ShapeDtypeStruct((N, NT), jnp.float32),
)


def _prep_indices(edge_index):
    src = edge_index[0].astype(jnp.int32)
    dst = edge_index[1].astype(jnp.int32)

    def mask_for(cid):
        if cid == 0:
            hit = src < HALF
            lsrc = src
        else:
            hit = src >= HALF
            lsrc = src - HALF
        eid = jnp.arange(E, dtype=jnp.int32)
        ms = jnp.where(hit, lsrc, H_TRASH + (eid % (H_ROWS - H_TRASH)))
        md = jnp.where(hit, dst, TRASH + (eid % (ACC_ROWS - TRASH)))
        ms = jnp.concatenate(
            [ms.reshape(NS, E // NS),
             jnp.full((NS, PER_W - E // NS), H_TRASH, jnp.int32)], axis=1)
        md = jnp.concatenate(
            [md.reshape(NS, E // NS),
             jnp.full((NS, PER_W - E // NS), TRASH, jnp.int32)], axis=1)
        return ms.reshape(-1), md.reshape(-1)

    s0, d0 = mask_for(0)
    s1, d1 = mask_for(1)
    return jnp.concatenate([s0, s1]), jnp.concatenate([d0, d1])


def kernel(x, edge_index, Wr0, Ws0, b0, Wr1, Ws1, b1, Wr2, Ws2, b2,
           Wc1, bc1, Wc2, bc2):
    src_p, dst_p = _prep_indices(edge_index)
    zeros = jnp.zeros((ROWS_PER_TILE, D), jnp.float32)

    b0r = b0.reshape(1, D)
    b1r = b1.reshape(1, D)
    b2r = b2.reshape(1, D)
    bc1r = bc1.reshape(1, D)
    bc2r = bc2.reshape(1, NT)

    h = x
    for (wr, ws, br) in ((Wr0, Ws0, b0r), (Wr1, Ws1, b1r)):
        parts = _sc_segsum(h, src_p, dst_p, zeros)
        p0 = parts[:N]
        p1 = parts[ACC_ROWS:ACC_ROWS + N]
        h = _tc_layer(p0, p1, h, wr, ws, br)

    parts = _sc_segsum(h, src_p, dst_p, zeros)
    p0 = parts[:N]
    p1 = parts[ACC_ROWS:ACC_ROWS + N]
    return _tc_final(p0, p1, h, Wr2, Ws2, b2r, Wc1, bc1r, Wc2, bc2r)

# --- scband reference (transcript-rebuilt; emitter-appended) ---
"""Pipeline reference for scband-edge-assignment-line-gnn-1520418422913 (READ-ONLY COPY).

The authoritative reference and input builder live on the scoring server;
editing this copy changes nothing except your own understanding.
"""

import jax, jax.numpy as jnp
import numpy as np

N_NODES = 10000
N_EDGES = 320000
D_IN = 128
D_H = 128
N_TRUCKS = 64


def setup_inputs(seed: int = 0) -> dict:
    key = jax.random.key(seed)
    ks = jax.random.split(key, 16)
    x = jax.random.normal(ks[0], (N_NODES, D_IN), dtype=jnp.float32)
    edge_index = jax.random.randint(ks[1], (2, N_EDGES), 0, N_NODES, dtype=jnp.int64)
    s = 1.0 / np.sqrt(D_IN)
    inp = {
        'x': x,
        'edge_index': edge_index,
        'Wr0': jax.random.uniform(ks[2], (D_IN, D_H), jnp.float32, -s, s),
        'Ws0': jax.random.uniform(ks[3], (D_IN, D_H), jnp.float32, -s, s),
        'b0': jnp.zeros((D_H,), jnp.float32),
        'Wr1': jax.random.uniform(ks[4], (D_H, D_H), jnp.float32, -s, s),
        'Ws1': jax.random.uniform(ks[5], (D_H, D_H), jnp.float32, -s, s),
        'b1': jnp.zeros((D_H,), jnp.float32),
        'Wr2': jax.random.uniform(ks[6], (D_H, D_H), jnp.float32, -s, s),
        'Ws2': jax.random.uniform(ks[7], (D_H, D_H), jnp.float32, -s, s),
        'b2': jnp.zeros((D_H,), jnp.float32),
        'Wc1': jax.random.uniform(ks[8], (D_H, D_H), jnp.float32, -s, s),
        'bc1': jnp.zeros((D_H,), jnp.float32),
        'Wc2': jax.random.uniform(ks[9], (D_H, N_TRUCKS), jnp.float32, -s, s),
        'bc2': jnp.zeros((N_TRUCKS,), jnp.float32),
    }
    return inp


def _graph_conv(h, src, dst, Wr, Ws, b):
    # GraphConv (PyG-style, sum aggregation): lin_rel(sum_j x_j) + lin_root(x_i)
    agg = jax.ops.segment_sum(h[src], dst, num_segments=h.shape[0])
    return agg @ Wr + h @ Ws + b


def reference(x, edge_index, Wr0, Ws0, b0, Wr1, Ws1, b1, Wr2, Ws2, b2, Wc1, bc1, Wc2, bc2):
    src = edge_index[0]
    dst = edge_index[1]
    h = x
    # layer 0
    h = jax.nn.relu(_graph_conv(h, src, dst, Wr0, Ws0, b0))
    # dropout is identity in eval mode
    # layer 1
    h = jax.nn.relu(_graph_conv(h, src, dst, Wr1, Ws1, b1))
    # layer 2
    h = jax.nn.relu(_graph_conv(h, src, dst, Wr2, Ws2, b2))
    # edge classifier MLP
    h2 = jax.nn.relu(h @ Wc1 + bc1)
    logits = h2 @ Wc2 + bc2
    return logits

if __name__ == "__main__":
    import jax
    _d = setup_inputs()
    print(jax.jit(kernel)(*tuple(_d.values())))

</pallas_src>

<mosaic_0001>
#map = affine_map<(d0, d1) -> (0, 0)>
#map1 = affine_map<(d0, d1) -> (0)>
module attributes {stable_mosaic.version = 14 : i64} {
  func.func @segsum(%arg0: i32, %arg1: i32, %arg2: memref<10000x128xf32, #tpu.memory_space<hbm>>, %arg3: memref<655360xi32, #tpu.memory_space<hbm>>, %arg4: memref<655360xi32, #tpu.memory_space<hbm>>, %arg5: memref<632x128xf32, #tpu.memory_space<hbm>>, %arg6: memref<20224x128xf32, #tpu.memory_space<hbm>>, %arg7: memref<320xi32, #tpu.memory_space<vmem>>, %arg8: memref<320xi32, #tpu.memory_space<vmem>>, %arg9: memref<320xi32, #tpu.memory_space<vmem>>, %arg10: memref<320xi32, #tpu.memory_space<vmem>>, %arg11: memref<2x32x128xf32, #tpu.memory_space<vmem>>, %arg12: memref<5016x128xf32, #tpu.memory_space<vmem_shared>>, %arg13: memref<10112x128xf32, #tpu.memory_space<vmem_shared>>, %arg14: memref<!tpu.dma_semaphore, #tpu.memory_space<semaphore_mem>>, %arg15: memref<!tpu.dma_semaphore, #tpu.memory_space<semaphore_mem>>, %arg16: memref<!tpu.dma_semaphore, #tpu.memory_space<semaphore_mem>>, %arg17: memref<!tpu.dma_semaphore, #tpu.memory_space<semaphore_mem>>) attributes {dimension_semantics = [#tpu.dimension_semantics<core_parallel>, #tpu.dimension_semantics<subcore_parallel>], iteration_bounds = array<i64: 2, 16>, scalar_prefetch = 0 : i64, scratch_operands = 11 : i64, tpu.core_type = #tpu.core_type<sc_vector_subcore>, window_params = [{transform_indices = #map}, {transform_indices = #map1}, {transform_indices = #map1}, {transform_indices = #map}, {transform_indices = #map}]} {
    %mul3A = arith.constant 632 : i32
    %mul3A_0 = arith.muli %arg1, %mul3A : i32
    "tpu.region"() ({
      %run_scoped3A = tpu.sem_alloc : memref<!tpu.dma_semaphore, #tpu.memory_space<semaphore_mem>>
      %dma_start3A_32 = arith.constant 0 : i32
      %dma_start3A_33 = tpu.memref_slice %arg13[%mul3A_0, %dma_start3A_32] : memref<10112x128xf32, #tpu.memory_space<vmem_shared>> -> memref<632x128xf32, #tpu.memory_space<vmem_shared>>
      tpu.enqueue_dma source(%arg5 : memref<632x128xf32, #tpu.memory_space<hbm>>) target(%dma_start3A_33 : memref<632x128xf32, #tpu.memory_space<vmem_shared>>) target_semaphore(%run_scoped3A : memref<!tpu.dma_semaphore, #tpu.memory_space<semaphore_mem>>)
      %dma_wait3A = arith.constant 0 : i32
      %dma_wait3A_34 = tpu.memref_slice %arg13[%mul3A_0, %dma_wait3A] : memref<10112x128xf32, #tpu.memory_space<vmem_shared>> -> memref<632x128xf32, #tpu.memory_space<vmem_shared>>
      tpu.wait_dma2 semaphore(%run_scoped3A : memref<!tpu.dma_semaphore, #tpu.memory_space<semaphore_mem>>) src(%arg5 : memref<632x128xf32, #tpu.memory_space<hbm>>) dst(%dma_wait3A_34 : memref<632x128xf32, #tpu.memory_space<vmem_shared>>)
      tpu.yield
    }) : () -> ()
    %mul3A_1 = arith.constant 4992 : i32
    %mul3A_2 = arith.muli %arg0, %mul3A_1 : i32
    %mul3A_3 = arith.constant 312 : i32
    %mul3A_4 = arith.muli %arg1, %mul3A_3 : i32
    %add3A = arith.addi %mul3A_2, %mul3A_4 : i32
    %mul3A_5 = arith.constant 312 : i32
    %mul3A_6 = arith.muli %arg1, %mul3A_5 : i32
    "tpu.region"() ({
      %run_scoped3A = tpu.sem_alloc : memref<!tpu.dma_semaphore, #tpu.memory_space<semaphore_mem>>
      %dma_start3A_32 = arith.constant 0 : i32
      %dma_start3A_33 = tpu.memref_slice %arg12[%mul3A_6, %dma_start3A_32] : memref<5016x128xf32, #tpu.memory_space<vmem_shared>> -> memref<312x128xf32, #tpu.memory_space<vmem_shared>>
      %dma_start3A_34 = arith.constant 0 : i32
      %dma_start3A_35 = tpu.memref_slice %arg2[%add3A, %dma_start3A_34] : memref<10000x128xf32, #tpu.memory_space<hbm>> -> memref<312x128xf32, #tpu.memory_space<hbm>>
      tpu.enqueue_dma source(%dma_start3A_35 : memref<312x128xf32, #tpu.memory_space<hbm>>) target(%dma_start3A_33 : memref<312x128xf32, #tpu.memory_space<vmem_shared>>) target_semaphore(%run_scoped3A : memref<!tpu.dma_semaphore, #tpu.memory_space<semaphore_mem>>)
      %dma_wait3A = arith.constant 0 : i32
      %dma_wait3A_36 = tpu.memref_slice %arg12[%mul3A_6, %dma_wait3A] : memref<5016x128xf32, #tpu.memory_space<vmem_shared>> -> memref<312x128xf32, #tpu.memory_space<vmem_shared>>
      %dma_wait3A_37 = arith.constant 0 : i32
      %dma_wait3A_38 = tpu.memref_slice %arg2[%add3A, %dma_wait3A_37] : memref<10000x128xf32, #tpu.memory_space<hbm>> -> memref<312x128xf32, #tpu.memory_space<hbm>>
      tpu.wait_dma2 semaphore(%run_scoped3A : memref<!tpu.dma_semaphore, #tpu.memory_space<semaphore_mem>>) src(%dma_wait3A_38 : memref<312x128xf32, #tpu.memory_space<hbm>>) dst(%dma_wait3A_36 : memref<312x128xf32, #tpu.memory_space<vmem_shared>>)
      tpu.yield
    }) : () -> ()
    %eq3A = arith.constant 0 : i32
    %eq3A_7 = arith.cmpi eq, %arg1, %eq3A : i32
    %convert_element_type3A = arith.extui %eq3A_7 : i1 to i32
    %cond3A = arith.constant 0 : i32
    %cond3A_8 = arith.cmpi ne, %convert_element_type3A, %cond3A : i32
    scf.if %cond3A_8 {
      %add3A_32 = arith.constant 4992 : i32
      %add3A_33 = arith.addi %mul3A_2, %add3A_32 : i32
      "tpu.region"() ({
        %run_scoped3A = tpu.sem_alloc : memref<!tpu.dma_semaphore, #tpu.memory_space<semaphore_mem>>
        %dma_start3A_34 = arith.constant 4992 : i32
        %dma_start3A_35 = arith.constant 0 : i32
        %dma_start3A_36 = tpu.memref_slice %arg12[%dma_start3A_34, %dma_start3A_35] : memref<5016x128xf32, #tpu.memory_space<vmem_shared>> -> memref<16x128xf32, #tpu.memory_space<vmem_shared>>
        %dma_start3A_37 = arith.constant 0 : i32
        %dma_start3A_38 = tpu.memref_slice %arg2[%add3A_33, %dma_start3A_37] : memref<10000x128xf32, #tpu.memory_space<hbm>> -> memref<16x128xf32, #tpu.memory_space<hbm>>
        tpu.enqueue_dma source(%dma_start3A_38 : memref<16x128xf32, #tpu.memory_space<hbm>>) target(%dma_start3A_36 : memref<16x128xf32, #tpu.memory_space<vmem_shared>>) target_semaphore(%run_scoped3A : memref<!tpu.dma_semaphore, #tpu.memory_space<semaphore_mem>>)
        %dma_wait3A = arith.constant 4992 : i32
        %dma_wait3A_39 = arith.constant 0 : i32
        %dma_wait3A_40 = tpu.memref_slice %arg12[%dma_wait3A, %dma_wait3A_39] : memref<5016x128xf32, #tpu.memory_space<vmem_shared>> -> memref<16x128xf32, #tpu.memory_space<vmem_shared>>
        %dma_wait3A_41 = arith.constant 0 : i32
        %dma_wait3A_42 = tpu.memref_slice %arg2[%add3A_33, %dma_wait3A_41] : memref<10000x128xf32, #tpu.memory_space<hbm>> -> memref<16x128xf32, #tpu.memory_space<hbm>>
        tpu.wait_dma2 semaphore(%run_scoped3A : memref<!tpu.dma_semaphore, #tpu.memory_space<semaphore_mem>>) src(%dma_wait3A_42 : memref<16x128xf32, #tpu.memory_space<hbm>>) dst(%dma_wait3A_40 : memref<16x128xf32, #tpu.memory_space<vmem_shared>>)
        tpu.yield
      }) : () -> ()
    } else {
    }
    %barrier3A = arith.constant 0 : index
    tpu.barrier barrier_id(%barrier3A)
    %mul3A_9 = arith.constant 327680 : i32
    %mul3A_10 = arith.muli %arg0, %mul3A_9 : i32
    %mul3A_11 = arith.constant 20480 : i32
    %mul3A_12 = arith.muli %arg1, %mul3A_11 : i32
    %add3A_13 = arith.addi %mul3A_10, %mul3A_12 : i32
    %add3A_14 = arith.constant 0 : i32
    %add3A_15 = arith.addi %add3A_13, %add3A_14 : i32
    %dma_start3A = tpu.memref_slice %arg3[%add3A_15] : memref<655360xi32, #tpu.memory_space<hbm>> -> memref<320xi32, #tpu.memory_space<hbm>>
    %dma_start3A_16 = tpu.memref_slice %arg3[%add3A_15] : memref<655360xi32, #tpu.memory_space<hbm>> -> memref<320xi32, #tpu.memory_space<hbm>>
    tpu.enqueue_dma source(%dma_start3A_16 : memref<320xi32, #tpu.memory_space<hbm>>) target(%arg7 : memref<320xi32, #tpu.memory_space<vmem>>) target_semaphore(%arg16 : memref<!tpu.dma_semaphore, #tpu.memory_space<semaphore_mem>>)
    %dma_start3A_17 = tpu.memref_slice %arg4[%add3A_15] : memref<655360xi32, #tpu.memory_space<hbm>> -> memref<320xi32, #tpu.memory_space<hbm>>
    %dma_start3A_18 = tpu.memref_slice %arg4[%add3A_15] : memref<655360xi32, #tpu.memory_space<hbm>> -> memref<320xi32, #tpu.memory_space<hbm>>
    tpu.enqueue_dma source(%dma_start3A_18 : memref<320xi32, #tpu.memory_space<hbm>>) target(%arg8 : memref<320xi32, #tpu.memory_space<vmem>>) target_semaphore(%arg16 : memref<!tpu.dma_semaphore, #tpu.memory_space<semaphore_mem>>)
    %scan3A = arith.constant 0 : i32
    %scan3A_19 = arith.constant 0 : i32
    %scan3A_20 = arith.constant 32 : i32
    %scan3A_21 = arith.addi %scan3A_19, %scan3A_20 : i32
    %scan3A_22 = arith.constant 1 : i32
    scf.for %scan3A_32 = %scan3A_19 to %scan3A_21 step %scan3A_22  : i32 {
      %mul3A_33 = arith.constant 2 : i32
      %mul3A_34 = arith.muli %mul3A_33, %scan3A_32 : i32
      %mul3A_35 = arith.constant 320 : i32
      %mul3A_36 = arith.muli %mul3A_34, %mul3A_35 : i32
      %add3A_37 = arith.addi %add3A_13, %mul3A_36 : i32
      %dma_wait3A = tpu.memref_slice %arg3[%add3A_37] : memref<655360xi32, #tpu.memory_space<hbm>> -> memref<320xi32, #tpu.memory_space<hbm>>
      %dma_wait3A_38 = tpu.memref_slice %arg3[%add3A_37] : memref<655360xi32, #tpu.memory_space<hbm>> -> memref<320xi32, #tpu.memory_space<hbm>>
      tpu.wait_dma2 semaphore(%arg16 : memref<!tpu.dma_semaphore, #tpu.memory_space<semaphore_mem>>) src(%dma_wait3A_38 : memref<320xi32, #tpu.memory_space<hbm>>) dst(%arg7 : memref<320xi32, #tpu.memory_space<vmem>>)
      %dma_wait3A_39 = tpu.memref_slice %arg4[%add3A_37] : memref<655360xi32, #tpu.memory_space<hbm>> -> memref<320xi32, #tpu.memory_space<hbm>>
      %dma_wait3A_40 = tpu.memref_slice %arg4[%add3A_37] : memref<655360xi32, #tpu.memory_space<hbm>> -> memref<320xi32, #tpu.memory_space<hbm>>
      tpu.wait_dma2 semaphore(%arg16 : memref<!tpu.dma_semaphore, #tpu.memory_space<semaphore_mem>>) src(%dma_wait3A_40 : memref<320xi32, #tpu.memory_space<hbm>>) dst(%arg8 : memref<320xi32, #tpu.memory_space<vmem>>)
      %add3A_41 = arith.constant 1 : i32
      %add3A_42 = arith.addi %mul3A_34, %add3A_41 : i32
      %mul3A_43 = arith.constant 320 : i32
      %mul3A_44 = arith.muli %add3A_42, %mul3A_43 : i32
      %add3A_45 = arith.addi %add3A_13, %mul3A_44 : i32
      %dma_start3A_46 = tpu.memref_slice %arg3[%add3A_45] : memref<655360xi32, #tpu.memory_space<hbm>> -> memref<320xi32, #tpu.memory_space<hbm>>
      %dma_start3A_47 = tpu.memref_slice %arg3[%add3A_45] : memref<655360xi32, #tpu.memory_space<hbm>> -> memref<320xi32, #tpu.memory_space<hbm>>
      tpu.enqueue_dma source(%dma_start3A_47 : memref<320xi32, #tpu.memory_space<hbm>>) target(%arg9 : memref<320xi32, #tpu.memory_space<vmem>>) target_semaphore(%arg17 : memref<!tpu.dma_semaphore, #tpu.memory_space<semaphore_mem>>)
      %dma_start3A_48 = tpu.memref_slice %arg4[%add3A_45] : memref<655360xi32, #tpu.memory_space<hbm>> -> memref<320xi32, #tpu.memory_space<hbm>>
      %dma_start3A_49 = tpu.memref_slice %arg4[%add3A_45] : memref<655360xi32, #tpu.memory_space<hbm>> -> memref<320xi32, #tpu.memory_space<hbm>>
      tpu.enqueue_dma source(%dma_start3A_49 : memref<320xi32, #tpu.memory_space<hbm>>) target(%arg10 : memref<320xi32, #tpu.memory_space<vmem>>) target_semaphore(%arg17 : memref<!tpu.dma_semaphore, #tpu.memory_space<semaphore_mem>>)
      %dma_start3A_50 = arith.constant 0 : i32
      %dma_start3A_51 = arith.constant 0 : i32
      %dma_start3A_52 = arith.constant 0 : i32
      %dma_start3A_53 = tpu.memref_slice %arg11[%dma_start3A_50, %dma_start3A_51, %dma_start3A_52] : memref<2x32x128xf32, #tpu.memory_space<vmem>> -> memref<1x32x128xf32, #tpu.memory_space<vmem>>
      %dma_start3A_54 = tpu.memref_squeeze %dma_start3A_53 : memref<1x32x128xf32, #tpu.memory_space<vmem>> -> memref<32x128xf32, #tpu.memory_space<vmem>>
      %dma_start3A_55 = arith.constant 0 : i32
      %dma_start3A_56 = tpu.memref_slice %arg7[%dma_start3A_55] : memref<320xi32, #tpu.memory_space<vmem>> -> memref<32xi32, #tpu.memory_space<vmem>>
      %dma_start3A_57 = arith.constant 0 : i32
      %dma_start3A_58 = arith.constant 0 : i32
      %dma_start3A_59 = tpu.memref_slice %arg12[%dma_start3A_57, %dma_start3A_58] : memref<5016x128xf32, #tpu.memory_space<vmem_shared>> -> memref<5016x128xf32, #tpu.memory_space<vmem_shared>>
      tpu.enqueue_indirect_dma source(%dma_start3A_59 : memref<5016x128xf32, #tpu.memory_space<vmem_shared>>) target(%dma_start3A_54 : memref<32x128xf32, #tpu.memory_space<vmem>>) offsets(%dma_start3A_56 : memref<32xi32, #tpu.memory_space<vmem>>) semaphore(%arg14 : memref<!tpu.dma_semaphore, #tpu.memory_space<semaphore_mem>>)
      %scan3A_60 = arith.constant 0 : i32
      %scan3A_61 = arith.constant 0 : i32
      %scan3A_62 = arith.constant 5 : i32
      %scan3A_63 = arith.addi %scan3A_61, %scan3A_62 : i32
      %scan3A_64 = arith.constant 1 : i32
      scf.for %scan3A_97 = %scan3A_61 to %scan3A_63 step %scan3A_64  : i32 {
        %mul3A_98 = arith.constant 2 : i32
        %mul3A_99 = arith.muli %mul3A_98, %scan3A_97 : i32
        %add3A_100 = arith.constant 0 : i32
        %add3A_101 = arith.addi %mul3A_99, %add3A_100 : i32
        %mul3A_102 = arith.constant 32 : i32
        %mul3A_103 = arith.muli %add3A_101, %mul3A_102 : i32
        %dma_wait3A_104 = arith.constant 0 : i32
        %dma_wait3A_105 = arith.constant 0 : i32
        %dma_wait3A_106 = arith.constant 0 : i32
        %dma_wait3A_107 = tpu.memref_slice %arg11[%dma_wait3A_104, %dma_wait3A_105, %dma_wait3A_106] : memref<2x32x128xf32, #tpu.memory_space<vmem>> -> memref<1x32x128xf32, #tpu.memory_space<vmem>>
        %dma_wait3A_108 = tpu.memref_squeeze %dma_wait3A_107 : memref<1x32x128xf32, #tpu.memory_space<vmem>> -> memref<32x128xf32, #tpu.memory_space<vmem>>
        %dma_wait3A_109 = tpu.memref_slice %arg7[%mul3A_103] : memref<320xi32, #tpu.memory_space<vmem>> -> memref<32xi32, #tpu.memory_space<vmem>>
        %dma_wait3A_110 = arith.constant 0 : i32
        %dma_wait3A_111 = arith.constant 0 : i32
        %dma_wait3A_112 = tpu.memref_slice %arg12[%dma_wait3A_110, %dma_wait3A_111] : memref<5016x128xf32, #tpu.memory_space<vmem_shared>> -> memref<5016x128xf32, #tpu.memory_space<vmem_shared>>
        tpu.wait_indirect_dma semaphore(%arg14 : memref<!tpu.dma_semaphore, #tpu.memory_space<semaphore_mem>>) src(%dma_wait3A_112 : memref<5016x128xf32, #tpu.memory_space<vmem_shared>>) dst(%dma_wait3A_108 : memref<32x128xf32, #tpu.memory_space<vmem>>)
        %mul3A_113 = arith.constant 32 : i32
        %mul3A_114 = arith.muli %add3A_101, %mul3A_113 : i32
        %run_scoped3A = arith.constant 0 : i32
        "tpu.region"() ({
          %run_scoped3A_147 = tpu.sem_alloc : memref<!tpu.dma_semaphore, #tpu.memory_space<semaphore_mem>>
          %dma_start3A_148 = arith.constant 0 : i32
          %dma_start3A_149 = arith.constant 0 : i32
          %dma_start3A_150 = tpu.memref_slice %arg11[%run_scoped3A, %dma_start3A_148, %dma_start3A_149] : memref<2x32x128xf32, #tpu.memory_space<vmem>> -> memref<1x32x128xf32, #tpu.memory_space<vmem>>
          %dma_start3A_151 = tpu.memref_squeeze %dma_start3A_150 : memref<1x32x128xf32, #tpu.memory_space<vmem>> -> memref<32x128xf32, #tpu.memory_space<vmem>>
          %dma_start3A_152 = tpu.memref_slice %arg8[%mul3A_114] : memref<320xi32, #tpu.memory_space<vmem>> -> memref<32xi32, #tpu.memory_space<vmem>>
          %dma_start3A_153 = arith.constant 0 : i32
          %dma_start3A_154 = arith.constant 0 : i32
          %dma_start3A_155 = tpu.memref_slice %arg13[%dma_start3A_153, %dma_start3A_154] : memref<10112x128xf32, #tpu.memory_space<vmem_shared>> -> memref<10112x128xf32, #tpu.memory_space<vmem_shared>>
          tpu.enqueue_indirect_dma source(%dma_start3A_151 : memref<32x128xf32, #tpu.memory_space<vmem>>) target(%dma_start3A_155 : memref<10112x128xf32, #tpu.memory_space<vmem_shared>>) offsets(%dma_start3A_152 : memref<32xi32, #tpu.memory_space<vmem>>) semaphore(%run_scoped3A_147 : memref<!tpu.dma_semaphore, #tpu.memory_space<semaphore_mem>>) {add = true}
          %dma_wait3A_156 = arith.constant 0 : i32
          %dma_wait3A_157 = arith.constant 0 : i32
          %dma_wait3A_158 = tpu.memref_slice %arg11[%run_scoped3A, %dma_wait3A_156, %dma_wait3A_157] : memref<2x32x128xf32, #tpu.memory_space<vmem>> -> memref<1x32x128xf32, #tpu.memory_space<vmem>>
          %dma_wait3A_159 = tpu.memref_squeeze %dma_wait3A_158 : memref<1x32x128xf32, #tpu.memory_space<vmem>> -> memref<32x128xf32, #tpu.memory_space<vmem>>
          %dma_wait3A_160 = tpu.memref_slice %arg8[%mul3A_114] : memref<320xi32, #tpu.memory_space<vmem>> -> memref<32xi32, #tpu.memory_space<vmem>>
          %dma_wait3A_161 = arith.constant 0 : i32
          %dma_wait3A_162 = arith.constant 0 : i32
          %dma_wait3A_163 = tpu.memref_slice %arg13[%dma_wait3A_161, %dma_wait3A_162] : memref<10112x128xf32, #tpu.memory_space<vmem_shared>> -> memref<10112x128xf32, #tpu.memory_space<vmem_shared>>
          tpu.wait_indirect_dma semaphore(%run_scoped3A_147 : memref<!tpu.dma_semaphore, #tpu.memory_space<semaphore_mem>>) src(%dma_wait3A_159 : memref<32x128xf32, #tpu.memory_space<vmem>>) dst(%dma_wait3A_163 : memref<10112x128xf32, #tpu.memory_space<vmem_shared>>)
          tpu.yield
        }) : () -> ()
        %add3A_115 = arith.constant 1 : i32
        %add3A_116 = arith.addi %add3A_101, %add3A_115 : i32
        %lt3A_117 = arith.constant 10 : i32
        %lt3A_118 = arith.cmpi slt, %add3A_116, %lt3A_117 : i32
        %convert_element_type3A_119 = arith.extui %lt3A_118 : i1 to i32
        %cond3A_120 = arith.constant 0 : i32
        %cond3A_121 = arith.cmpi ne, %convert_element_type3A_119, %cond3A_120 : i32
        scf.if %cond3A_121 {
          %mul3A_147 = arith.constant 32 : i32
          %mul3A_148 = arith.muli %add3A_116, %mul3A_147 : i32
          %dma_start3A_149 = arith.constant 1 : i32
          %dma_start3A_150 = arith.constant 0 : i32
          %dma_start3A_151 = arith.constant 0 : i32
          %dma_start3A_152 = tpu.memref_slice %arg11[%dma_start3A_149, %dma_start3A_150, %dma_start3A_151] : memref<2x32x128xf32, #tpu.memory_space<vmem>> -> memref<1x32x128xf32, #tpu.memory_space<vmem>>
          %dma_start3A_153 = tpu.memref_squeeze %dma_start3A_152 : memref<1x32x128xf32, #tpu.memory_space<vmem>> -> memref<32x128xf32, #tpu.memory_space<vmem>>
          %dma_start3A_154 = tpu.memref_slice %arg7[%mul3A_148] : memref<320xi32, #tpu.memory_space<vmem>> -> memref<32xi32, #tpu.memory_space<vmem>>
          %dma_start3A_155 = arith.constant 0 : i32
          %dma_start3A_156 = arith.constant 0 : i32
          %dma_start3A_157 = tpu.memref_slice %arg12[%dma_start3A_155, %dma_start3A_156] : memref<5016x128xf32, #tpu.memory_space<vmem_shared>> -> memref<5016x128xf32, #tpu.memory_space<vmem_shared>>
          tpu.enqueue_indirect_dma source(%dma_start3A_157 : memref<5016x128xf32, #tpu.memory_space<vmem_shared>>) target(%dma_start3A_153 : memref<32x128xf32, #tpu.memory_space<vmem>>) offsets(%dma_start3A_154 : memref<32xi32, #tpu.memory_space<vmem>>) semaphore(%arg15 : memref<!tpu.dma_semaphore, #tpu.memory_space<semaphore_mem>>)
        } else {
        }
        %mul3A_122 = arith.constant 2 : i32
        %mul3A_123 = arith.muli %mul3A_122, %scan3A_97 : i32
        %add3A_124 = arith.constant 1 : i32
        %add3A_125 = arith.addi %mul3A_123, %add3A_124 : i32
        %mul3A_126 = arith.constant 32 : i32
        %mul3A_127 = arith.muli %add3A_125, %mul3A_126 : i32
        %dma_wait3A_128 = arith.constant 1 : i32
        %dma_wait3A_129 = arith.constant 0 : i32
        %dma_wait3A_130 = arith.constant 0 : i32
        %dma_wait3A_131 = tpu.memref_slice %arg11[%dma_wait3A_128, %dma_wait3A_129, %dma_wait3A_130] : memref<2x32x128xf32, #tpu.memory_space<vmem>> -> memref<1x32x128xf32, #tpu.memory_space<vmem>>
        %dma_wait3A_132 = tpu.memref_squeeze %dma_wait3A_131 : memref<1x32x128xf32, #tpu.memory_space<vmem>> -> memref<32x128xf32, #tpu.memory_space<vmem>>
        %dma_wait3A_133 = tpu.memref_slice %arg7[%mul3A_127] : memref<320xi32, #tpu.memory_space<vmem>> -> memref<32xi32, #tpu.memory_space<vmem>>
        %dma_wait3A_134 = arith.constant 0 : i32
        %dma_wait3A_135 = arith.constant 0 : i32
        %dma_wait3A_136 = tpu.memref_slice %arg12[%dma_wait3A_134, %dma_wait3A_135] : memref<5016x128xf32, #tpu.memory_space<vmem_shared>> -> memref<5016x128xf32, #tpu.memory_space<vmem_shared>>
        tpu.wait_indirect_dma semaphore(%arg15 : memref<!tpu.dma_semaphore, #tpu.memory_space<semaphore_mem>>) src(%dma_wait3A_136 : memref<5016x128xf32, #tpu.memory_space<vmem_shared>>) dst(%dma_wait3A_132 : memref<32x128xf32, #tpu.memory_space<vmem>>)
        %mul3A_137 = arith.constant 32 : i32
        %mul3A_138 = arith.muli %add3A_125, %mul3A_137 : i32
        %run_scoped3A_139 = arith.constant 1 : i32
        "tpu.region"() ({
          %run_scoped3A_147 = tpu.sem_alloc : memref<!tpu.dma_semaphore, #tpu.memory_space<semaphore_mem>>
          %dma_start3A_148 = arith.constant 0 : i32
          %dma_start3A_149 = arith.constant 0 : i32
          %dma_start3A_150 = tpu.memref_slice %arg11[%run_scoped3A_139, %dma_start3A_148, %dma_start3A_149] : memref<2x32x128xf32, #tpu.memory_space<vmem>> -> memref<1x32x128xf32, #tpu.memory_space<vmem>>
          %dma_start3A_151 = tpu.memref_squeeze %dma_start3A_150 : memref<1x32x128xf32, #tpu.memory_space<vmem>> -> memref<32x128xf32, #tpu.memory_space<vmem>>
          %dma_start3A_152 = tpu.memref_slice %arg8[%mul3A_138] : memref<320xi32, #tpu.memory_space<vmem>> -> memref<32xi32, #tpu.memory_space<vmem>>
          %dma_start3A_153 = arith.constant 0 : i32
          %dma_start3A_154 = arith.constant 0 : i32
          %dma_start3A_155 = tpu.memref_slice %arg13[%dma_start3A_153, %dma_start3A_154] : memref<10112x128xf32, #tpu.memory_space<vmem_shared>> -> memref<10112x128xf32, #tpu.memory_space<vmem_shared>>
          tpu.enqueue_indirect_dma source(%dma_start3A_151 : memref<32x128xf32, #tpu.memory_space<vmem>>) target(%dma_start3A_155 : memref<10112x128xf32, #tpu.memory_space<vmem_shared>>) offsets(%dma_start3A_152 : memref<32xi32, #tpu.memory_space<vmem>>) semaphore(%run_scoped3A_147 : memref<!tpu.dma_semaphore, #tpu.memory_space<semaphore_mem>>) {add = true}
          %dma_wait3A_156 = arith.constant 0 : i32
          %dma_wait3A_157 = arith.constant 0 : i32
          %dma_wait3A_158 = tpu.memref_slice %arg11[%run_scoped3A_139, %dma_wait3A_156, %dma_wait3A_157] : memref<2x32x128xf32, #tpu.memory_space<vmem>> -> memref<1x32x128xf32, #tpu.memory_space<vmem>>
          %dma_wait3A_159 = tpu.memref_squeeze %dma_wait3A_158 : memref<1x32x128xf32, #tpu.memory_space<vmem>> -> memref<32x128xf32, #tpu.memory_space<vmem>>
          %dma_wait3A_160 = tpu.memref_slice %arg8[%mul3A_138] : memref<320xi32, #tpu.memory_space<vmem>> -> memref<32xi32, #tpu.memory_space<vmem>>
          %dma_wait3A_161 = arith.constant 0 : i32
          %dma_wait3A_162 = arith.constant 0 : i32
          %dma_wait3A_163 = tpu.memref_slice %arg13[%dma_wait3A_161, %dma_wait3A_162] : memref<10112x128xf32, #tpu.memory_space<vmem_shared>> -> memref<10112x128xf32, #tpu.memory_space<vmem_shared>>
          tpu.wait_indirect_dma semaphore(%run_scoped3A_147 : memref<!tpu.dma_semaphore, #tpu.memory_space<semaphore_mem>>) src(%dma_wait3A_159 : memref<32x128xf32, #tpu.memory_space<vmem>>) dst(%dma_wait3A_163 : memref<10112x128xf32, #tpu.memory_space<vmem_shared>>)
          tpu.yield
        }) : () -> ()
        %add3A_140 = arith.constant 1 : i32
        %add3A_141 = arith.addi %add3A_125, %add3A_140 : i32
        %lt3A_142 = arith.constant 10 : i32
        %lt3A_143 = arith.cmpi slt, %add3A_141, %lt3A_142 : i32
        %convert_element_type3A_144 = arith.extui %lt3A_143 : i1 to i32
        %cond3A_145 = arith.constant 0 : i32
        %cond3A_146 = arith.cmpi ne, %convert_element_type3A_144, %cond3A_145 : i32
        scf.if %cond3A_146 {
          %mul3A_147 = arith.constant 32 : i32
          %mul3A_148 = arith.muli %add3A_141, %mul3A_147 : i32
          %dma_start3A_149 = arith.constant 0 : i32
          %dma_start3A_150 = arith.constant 0 : i32
          %dma_start3A_151 = arith.constant 0 : i32
          %dma_start3A_152 = tpu.memref_slice %arg11[%dma_start3A_149, %dma_start3A_150, %dma_start3A_151] : memref<2x32x128xf32, #tpu.memory_space<vmem>> -> memref<1x32x128xf32, #tpu.memory_space<vmem>>
          %dma_start3A_153 = tpu.memref_squeeze %dma_start3A_152 : memref<1x32x128xf32, #tpu.memory_space<vmem>> -> memref<32x128xf32, #tpu.memory_space<vmem>>
          %dma_start3A_154 = tpu.memref_slice %arg7[%mul3A_148] : memref<320xi32, #tpu.memory_space<vmem>> -> memref<32xi32, #tpu.memory_space<vmem>>
          %dma_start3A_155 = arith.constant 0 : i32
          %dma_start3A_156 = arith.constant 0 : i32
          %dma_start3A_157 = tpu.memref_slice %arg12[%dma_start3A_155, %dma_start3A_156] : memref<5016x128xf32, #tpu.memory_space<vmem_shared>> -> memref<5016x128xf32, #tpu.memory_space<vmem_shared>>
          tpu.enqueue_indirect_dma source(%dma_start3A_157 : memref<5016x128xf32, #tpu.memory_space<vmem_shared>>) target(%dma_start3A_153 : memref<32x128xf32, #tpu.memory_space<vmem>>) offsets(%dma_start3A_154 : memref<32xi32, #tpu.memory_space<vmem>>) semaphore(%arg14 : memref<!tpu.dma_semaphore, #tpu.memory_space<semaphore_mem>>)
        } else {
        }
      }
      %scan3A_65 = arith.constant 5 : i32
      %add3A_66 = arith.constant 1 : i32
      %add3A_67 = arith.addi %mul3A_34, %add3A_66 : i32
      %mul3A_68 = arith.constant 320 : i32
      %mul3A_69 = arith.muli %add3A_67, %mul3A_68 : i32
      %add3A_70 = arith.addi %add3A_13, %mul3A_69 : i32
      %dma_wait3A_71 = tpu.memref_slice %arg3[%add3A_70] : memref<655360xi32, #tpu.memory_space<hbm>> -> memref<320xi32, #tpu.memory_space<hbm>>
      %dma_wait3A_72 = tpu.memref_slice %arg3[%add3A_70] : memref<655360xi32, #tpu.memory_space<hbm>> -> memref<320xi32, #tpu.memory_space<hbm>>
      tpu.wait_dma2 semaphore(%arg17 : memref<!tpu.dma_semaphore, #tpu.memory_space<semaphore_mem>>) src(%dma_wait3A_72 : memref<320xi32, #tpu.memory_space<hbm>>) dst(%arg9 : memref<320xi32, #tpu.memory_space<vmem>>)
      %dma_wait3A_73 = tpu.memref_slice %arg4[%add3A_70] : memref<655360xi32, #tpu.memory_space<hbm>> -> memref<320xi32, #tpu.memory_space<hbm>>
      %dma_wait3A_74 = tpu.memref_slice %arg4[%add3A_70] : memref<655360xi32, #tpu.memory_space<hbm>> -> memref<320xi32, #tpu.memory_space<hbm>>
      tpu.wait_dma2 semaphore(%arg17 : memref<!tpu.dma_semaphore, #tpu.memory_space<semaphore_mem>>) src(%dma_wait3A_74 : memref<320xi32, #tpu.memory_space<hbm>>) dst(%arg10 : memref<320xi32, #tpu.memory_space<vmem>>)
      %add3A_75 = arith.constant 2 : i32
      %add3A_76 = arith.addi %mul3A_34, %add3A_75 : i32
      %lt3A = arith.constant 64 : i32
      %lt3A_77 = arith.cmpi slt, %add3A_76, %lt3A : i32
      %convert_element_type3A_78 = arith.extui %lt3A_77 : i1 to i32
      %cond3A_79 = arith.constant 0 : i32
      %cond3A_80 = arith.cmpi ne, %convert_element_type3A_78, %cond3A_79 : i32
      scf.if %cond3A_80 {
        %add3A_97 = arith.constant 2 : i32
        %add3A_98 = arith.addi %mul3A_34, %add3A_97 : i32
        %mul3A_99 = arith.constant 320 : i32
        %mul3A_100 = arith.muli %add3A_98, %mul3A_99 : i32
        %add3A_101 = arith.addi %add3A_13, %mul3A_100 : i32
        %dma_start3A_102 = tpu.memref_slice %arg3[%add3A_101] : memref<655360xi32, #tpu.memory_space<hbm>> -> memref<320xi32, #tpu.memory_space<hbm>>
        %dma_start3A_103 = tpu.memref_slice %arg3[%add3A_101] : memref<655360xi32, #tpu.memory_space<hbm>> -> memref<320xi32, #tpu.memory_space<hbm>>
        tpu.enqueue_dma source(%dma_start3A_103 : memref<320xi32, #tpu.memory_space<hbm>>) target(%arg7 : memref<320xi32, #tpu.memory_space<vmem>>) target_semaphore(%arg16 : memref<!tpu.dma_semaphore, #tpu.memory_space<semaphore_mem>>)
        %dma_start3A_104 = tpu.memref_slice %arg4[%add3A_101] : memref<655360xi32, #tpu.memory_space<hbm>> -> memref<320xi32, #tpu.memory_space<hbm>>
        %dma_start3A_105 = tpu.memref_slice %arg4[%add3A_101] : memref<655360xi32, #tpu.memory_space<hbm>> -> memref<320xi32, #tpu.memory_space<hbm>>
        tpu.enqueue_dma source(%dma_start3A_105 : memref<320xi32, #tpu.memory_space<hbm>>) target(%arg8 : memref<320xi32, #tpu.memory_space<vmem>>) target_semaphore(%arg16 : memref<!tpu.dma_semaphore, #tpu.memory_space<semaphore_mem>>)
      } else {
      }
      %dma_start3A_81 = arith.constant 0 : i32
      %dma_start3A_82 = arith.constant 0 : i32
      %dma_start3A_83 = arith.constant 0 : i32
      %dma_start3A_84 = tpu.memref_slice %arg11[%dma_start3A_81, %dma_start3A_82, %dma_start3A_83] : memref<2x32x128xf32, #tpu.memory_space<vmem>> -> memref<1x32x128xf32, #tpu.memory_space<vmem>>
      %dma_start3A_85 = tpu.memref_squeeze %dma_start3A_84 : memref<1x32x128xf32, #tpu.memory_space<vmem>> -> memref<32x128xf32, #tpu.memory_space<vmem>>
      %dma_start3A_86 = arith.constant 0 : i32
      %dma_start3A_87 = tpu.memref_slice %arg9[%dma_start3A_86] : memref<320xi32, #tpu.memory_space<vmem>> -> memref<32xi32, #tpu.memory_space<vmem>>
      %dma_start3A_88 = arith.constant 0 : i32
      %dma_start3A_89 = arith.constant 0 : i32
      %dma_start3A_90 = tpu.memref_slice %arg12[%dma_start3A_88, %dma_start3A_89] : memref<5016x128xf32, #tpu.memory_space<vmem_shared>> -> memref<5016x128xf32, #tpu.memory_space<vmem_shared>>
      tpu.enqueue_indirect_dma source(%dma_start3A_90 : memref<5016x128xf32, #tpu.memory_space<vmem_shared>>) target(%dma_start3A_85 : memref<32x128xf32, #tpu.memory_space<vmem>>) offsets(%dma_start3A_87 : memref<32xi32, #tpu.memory_space<vmem>>) semaphore(%arg14 : memref<!tpu.dma_semaphore, #tpu.memory_space<semaphore_mem>>)
      %scan3A_91 = arith.constant 0 : i32
      %scan3A_92 = arith.constant 0 : i32
      %scan3A_93 = arith.constant 5 : i32
      %scan3A_94 = arith.addi %scan3A_92, %scan3A_93 : i32
      %scan3A_95 = arith.constant 1 : i32
      scf.for %scan3A_97 = %scan3A_92 to %scan3A_94 step %scan3A_95  : i32 {
        %mul3A_98 = arith.constant 2 : i32
        %mul3A_99 = arith.muli %mul3A_98, %scan3A_97 : i32
        %add3A_100 = arith.constant 0 : i32
        %add3A_101 = arith.addi %mul3A_99, %add3A_100 : i32
        %mul3A_102 = arith.constant 32 : i32
        %mul3A_103 = arith.muli %add3A_101, %mul3A_102 : i32
        %dma_wait3A_104 = arith.constant 0 : i32
        %dma_wait3A_105 = arith.constant 0 : i32
        %dma_wait3A_106 = arith.constant 0 : i32
        %dma_wait3A_107 = tpu.memref_slice %arg11[%dma_wait3A_104, %dma_wait3A_105, %dma_wait3A_106] : memref<2x32x128xf32, #tpu.memory_space<vmem>> -> memref<1x32x128xf32, #tpu.memory_space<vmem>>
        %dma_wait3A_108 = tpu.memref_squeeze %dma_wait3A_107 : memref<1x32x128xf32, #tpu.memory_space<vmem>> -> memref<32x128xf32, #tpu.memory_space<vmem>>
        %dma_wait3A_109 = tpu.memref_slice %arg9[%mul3A_103] : memref<320xi32, #tpu.memory_space<vmem>> -> memref<32xi32, #tpu.memory_space<vmem>>
        %dma_wait3A_110 = arith.constant 0 : i32
        %dma_wait3A_111 = arith.constant 0 : i32
        %dma_wait3A_112 = tpu.memref_slice %arg12[%dma_wait3A_110, %dma_wait3A_111] : memref<5016x128xf32, #tpu.memory_space<vmem_shared>> -> memref<5016x128xf32, #tpu.memory_space<vmem_shared>>
        tpu.wait_indirect_dma semaphore(%arg14 : memref<!tpu.dma_semaphore, #tpu.memory_space<semaphore_mem>>) src(%dma_wait3A_112 : memref<5016x128xf32, #tpu.memory_space<vmem_shared>>) dst(%dma_wait3A_108 : memref<32x128xf32, #tpu.memory_space<vmem>>)
        %mul3A_113 = arith.constant 32 : i32
        %mul3A_114 = arith.muli %add3A_101, %mul3A_113 : i32
        %run_scoped3A = arith.constant 0 : i32
        "tpu.region"() ({
          %run_scoped3A_147 = tpu.sem_alloc : memref<!tpu.dma_semaphore, #tpu.memory_space<semaphore_mem>>
          %dma_start3A_148 = arith.constant 0 : i32
          %dma_start3A_149 = arith.constant 0 : i32
          %dma_start3A_150 = tpu.memref_slice %arg11[%run_scoped3A, %dma_start3A_148, %dma_start3A_149] : memref<2x32x128xf32, #tpu.memory_space<vmem>> -> memref<1x32x128xf32, #tpu.memory_space<vmem>>
          %dma_start3A_151 = tpu.memref_squeeze %dma_start3A_150 : memref<1x32x128xf32, #tpu.memory_space<vmem>> -> memref<32x128xf32, #tpu.memory_space<vmem>>
          %dma_start3A_152 = tpu.memref_slice %arg10[%mul3A_114] : memref<320xi32, #tpu.memory_space<vmem>> -> memref<32xi32, #tpu.memory_space<vmem>>
          %dma_start3A_153 = arith.constant 0 : i32
          %dma_start3A_154 = arith.constant 0 : i32
          %dma_start3A_155 = tpu.memref_slice %arg13[%dma_start3A_153, %dma_start3A_154] : memref<10112x128xf32, #tpu.memory_space<vmem_shared>> -> memref<10112x128xf32, #tpu.memory_space<vmem_shared>>
          tpu.enqueue_indirect_dma source(%dma_start3A_151 : memref<32x128xf32, #tpu.memory_space<vmem>>) target(%dma_start3A_155 : memref<10112x128xf32, #tpu.memory_space<vmem_shared>>) offsets(%dma_start3A_152 : memref<32xi32, #tpu.memory_space<vmem>>) semaphore(%run_scoped3A_147 : memref<!tpu.dma_semaphore, #tpu.memory_space<semaphore_mem>>) {add = true}
          %dma_wait3A_156 = arith.constant 0 : i32
          %dma_wait3A_157 = arith.constant 0 : i32
          %dma_wait3A_158 = tpu.memref_slice %arg11[%run_scoped3A, %dma_wait3A_156, %dma_wait3A_157] : memref<2x32x128xf32, #tpu.memory_space<vmem>> -> memref<1x32x128xf32, #tpu.memory_space<vmem>>
          %dma_wait3A_159 = tpu.memref_squeeze %dma_wait3A_158 : memref<1x32x128xf32, #tpu.memory_space<vmem>> -> memref<32x128xf32, #tpu.memory_space<vmem>>
          %dma_wait3A_160 = tpu.memref_slice %arg10[%mul3A_114] : memref<320xi32, #tpu.memory_space<vmem>> -> memref<32xi32, #tpu.memory_space<vmem>>
          %dma_wait3A_161 = arith.constant 0 : i32
          %dma_wait3A_162 = arith.constant 0 : i32
          %dma_wait3A_163 = tpu.memref_slice %arg13[%dma_wait3A_161, %dma_wait3A_162] : memref<10112x128xf32, #tpu.memory_space<vmem_shared>> -> memref<10112x128xf32, #tpu.memory_space<vmem_shared>>
          tpu.wait_indirect_dma semaphore(%run_scoped3A_147 : memref<!tpu.dma_semaphore, #tpu.memory_space<semaphore_mem>>) src(%dma_wait3A_159 : memref<32x128xf32, #tpu.memory_space<vmem>>) dst(%dma_wait3A_163 : memref<10112x128xf32, #tpu.memory_space<vmem_shared>>)
          tpu.yield
        }) : () -> ()
        %add3A_115 = arith.constant 1 : i32
        %add3A_116 = arith.addi %add3A_101, %add3A_115 : i32
        %lt3A_117 = arith.constant 10 : i32
        %lt3A_118 = arith.cmpi slt, %add3A_116, %lt3A_117 : i32
        %convert_element_type3A_119 = arith.extui %lt3A_118 : i1 to i32
        %cond3A_120 = arith.constant 0 : i32
        %cond3A_121 = arith.cmpi ne, %convert_element_type3A_119, %cond3A_120 : i32
        scf.if %cond3A_121 {
          %mul3A_147 = arith.constant 32 : i32
          %mul3A_148 = arith.muli %add3A_116, %mul3A_147 : i32
          %dma_start3A_149 = arith.constant 1 : i32
          %dma_start3A_150 = arith.constant 0 : i32
          %dma_start3A_151 = arith.constant 0 : i32
          %dma_start3A_152 = tpu.memref_slice %arg11[%dma_start3A_149, %dma_start3A_150, %dma_start3A_151] : memref<2x32x128xf32, #tpu.memory_space<vmem>> -> memref<1x32x128xf32, #tpu.memory_space<vmem>>
          %dma_start3A_153 = tpu.memref_squeeze %dma_start3A_152 : memref<1x32x128xf32, #tpu.memory_space<vmem>> -> memref<32x128xf32, #tpu.memory_space<vmem>>
          %dma_start3A_154 = tpu.memref_slice %arg9[%mul3A_148] : memref<320xi32, #tpu.memory_space<vmem>> -> memref<32xi32, #tpu.memory_space<vmem>>
          %dma_start3A_155 = arith.constant 0 : i32
          %dma_start3A_156 = arith.constant 0 : i32
          %dma_start3A_157 = tpu.memref_slice %arg12[%dma_start3A_155, %dma_start3A_156] : memref<5016x128xf32, #tpu.memory_space<vmem_shared>> -> memref<5016x128xf32, #tpu.memory_space<vmem_shared>>
          tpu.enqueue_indirect_dma source(%dma_start3A_157 : memref<5016x128xf32, #tpu.memory_space<vmem_shared>>) target(%dma_start3A_153 : memref<32x128xf32, #tpu.memory_space<vmem>>) offsets(%dma_start3A_154 : memref<32xi32, #tpu.memory_space<vmem>>) semaphore(%arg15 : memref<!tpu.dma_semaphore, #tpu.memory_space<semaphore_mem>>)
        } else {
        }
        %mul3A_122 = arith.constant 2 : i32
        %mul3A_123 = arith.muli %mul3A_122, %scan3A_97 : i32
        %add3A_124 = arith.constant 1 : i32
        %add3A_125 = arith.addi %mul3A_123, %add3A_124 : i32
        %mul3A_126 = arith.constant 32 : i32
        %mul3A_127 = arith.muli %add3A_125, %mul3A_126 : i32
        %dma_wait3A_128 = arith.constant 1 : i32
        %dma_wait3A_129 = arith.constant 0 : i32
        %dma_wait3A_130 = arith.constant 0 : i32
        %dma_wait3A_131 = tpu.memref_slice %arg11[%dma_wait3A_128, %dma_wait3A_129, %dma_wait3A_130] : memref<2x32x128xf32, #tpu.memory_space<vmem>> -> memref<1x32x128xf32, #tpu.memory_space<vmem>>
        %dma_wait3A_132 = tpu.memref_squeeze %dma_wait3A_131 : memref<1x32x128xf32, #tpu.memory_space<vmem>> -> memref<32x128xf32, #tpu.memory_space<vmem>>
        %dma_wait3A_133 = tpu.memref_slice %arg9[%mul3A_127] : memref<320xi32, #tpu.memory_space<vmem>> -> memref<32xi32, #tpu.memory_space<vmem>>
        %dma_wait3A_134 = arith.constant 0 : i32
        %dma_wait3A_135 = arith.constant 0 : i32
        %dma_wait3A_136 = tpu.memref_slice %arg12[%dma_wait3A_134, %dma_wait3A_135] : memref<5016x128xf32, #tpu.memory_space<vmem_shared>> -> memref<5016x128xf32, #tpu.memory_space<vmem_shared>>
        tpu.wait_indirect_dma semaphore(%arg15 : memref<!tpu.dma_semaphore, #tpu.memory_space<semaphore_mem>>) src(%dma_wait3A_136 : memref<5016x128xf32, #tpu.memory_space<vmem_shared>>) dst(%dma_wait3A_132 : memref<32x128xf32, #tpu.memory_space<vmem>>)
        %mul3A_137 = arith.constant 32 : i32
        %mul3A_138 = arith.muli %add3A_125, %mul3A_137 : i32
        %run_scoped3A_139 = arith.constant 1 : i32
        "tpu.region"() ({
          %run_scoped3A_147 = tpu.sem_alloc : memref<!tpu.dma_semaphore, #tpu.memory_space<semaphore_mem>>
          %dma_start3A_148 = arith.constant 0 : i32
          %dma_start3A_149 = arith.constant 0 : i32
          %dma_start3A_150 = tpu.memref_slice %arg11[%run_scoped3A_139, %dma_start3A_148, %dma_start3A_149] : memref<2x32x128xf32, #tpu.memory_space<vmem>> -> memref<1x32x128xf32, #tpu.memory_space<vmem>>
          %dma_start3A_151 = tpu.memref_squeeze %dma_start3A_150 : memref<1x32x128xf32, #tpu.memory_space<vmem>> -> memref<32x128xf32, #tpu.memory_space<vmem>>
          %dma_start3A_152 = tpu.memref_slice %arg10[%mul3A_138] : memref<320xi32, #tpu.memory_space<vmem>> -> memref<32xi32, #tpu.memory_space<vmem>>
          %dma_start3A_153 = arith.constant 0 : i32
          %dma_start3A_154 = arith.constant 0 : i32
          %dma_start3A_155 = tpu.memref_slice %arg13[%dma_start3A_153, %dma_start3A_154] : memref<10112x128xf32, #tpu.memory_space<vmem_shared>> -> memref<10112x128xf32, #tpu.memory_space<vmem_shared>>
          tpu.enqueue_indirect_dma source(%dma_start3A_151 : memref<32x128xf32, #tpu.memory_space<vmem>>) target(%dma_start3A_155 : memref<10112x128xf32, #tpu.memory_space<vmem_shared>>) offsets(%dma_start3A_152 : memref<32xi32, #tpu.memory_space<vmem>>) semaphore(%run_scoped3A_147 : memref<!tpu.dma_semaphore, #tpu.memory_space<semaphore_mem>>) {add = true}
          %dma_wait3A_156 = arith.constant 0 : i32
          %dma_wait3A_157 = arith.constant 0 : i32
          %dma_wait3A_158 = tpu.memref_slice %arg11[%run_scoped3A_139, %dma_wait3A_156, %dma_wait3A_157] : memref<2x32x128xf32, #tpu.memory_space<vmem>> -> memref<1x32x128xf32, #tpu.memory_space<vmem>>
          %dma_wait3A_159 = tpu.memref_squeeze %dma_wait3A_158 : memref<1x32x128xf32, #tpu.memory_space<vmem>> -> memref<32x128xf32, #tpu.memory_space<vmem>>
          %dma_wait3A_160 = tpu.memref_slice %arg10[%mul3A_138] : memref<320xi32, #tpu.memory_space<vmem>> -> memref<32xi32, #tpu.memory_space<vmem>>
          %dma_wait3A_161 = arith.constant 0 : i32
          %dma_wait3A_162 = arith.constant 0 : i32
          %dma_wait3A_163 = tpu.memref_slice %arg13[%dma_wait3A_161, %dma_wait3A_162] : memref<10112x128xf32, #tpu.memory_space<vmem_shared>> -> memref<10112x128xf32, #tpu.memory_space<vmem_shared>>
          tpu.wait_indirect_dma semaphore(%run_scoped3A_147 : memref<!tpu.dma_semaphore, #tpu.memory_space<semaphore_mem>>) src(%dma_wait3A_159 : memref<32x128xf32, #tpu.memory_space<vmem>>) dst(%dma_wait3A_163 : memref<10112x128xf32, #tpu.memory_space<vmem_shared>>)
          tpu.yield
        }) : () -> ()
        %add3A_140 = arith.constant 1 : i32
        %add3A_141 = arith.addi %add3A_125, %add3A_140 : i32
        %lt3A_142 = arith.constant 10 : i32
        %lt3A_143 = arith.cmpi slt, %add3A_141, %lt3A_142 : i32
        %convert_element_type3A_144 = arith.extui %lt3A_143 : i1 to i32
        %cond3A_145 = arith.constant 0 : i32
        %cond3A_146 = arith.cmpi ne, %convert_element_type3A_144, %cond3A_145 : i32
        scf.if %cond3A_146 {
          %mul3A_147 = arith.constant 32 : i32
          %mul3A_148 = arith.muli %add3A_141, %mul3A_147 : i32
          %dma_start3A_149 = arith.constant 0 : i32
          %dma_start3A_150 = arith.constant 0 : i32
          %dma_start3A_151 = arith.constant 0 : i32
          %dma_start3A_152 = tpu.memref_slice %arg11[%dma_start3A_149, %dma_start3A_150, %dma_start3A_151] : memref<2x32x128xf32, #tpu.memory_space<vmem>> -> memref<1x32x128xf32, #tpu.memory_space<vmem>>
          %dma_start3A_153 = tpu.memref_squeeze %dma_start3A_152 : memref<1x32x128xf32, #tpu.memory_space<vmem>> -> memref<32x128xf32, #tpu.memory_space<vmem>>
          %dma_start3A_154 = tpu.memref_slice %arg9[%mul3A_148] : memref<320xi32, #tpu.memory_space<vmem>> -> memref<32xi32, #tpu.memory_space<vmem>>
          %dma_start3A_155 = arith.constant 0 : i32
          %dma_start3A_156 = arith.constant 0 : i32
          %dma_start3A_157 = tpu.memref_slice %arg12[%dma_start3A_155, %dma_start3A_156] : memref<5016x128xf32, #tpu.memory_space<vmem_shared>> -> memref<5016x128xf32, #tpu.memory_space<vmem_shared>>
          tpu.enqueue_indirect_dma source(%dma_start3A_157 : memref<5016x128xf32, #tpu.memory_space<vmem_shared>>) target(%dma_start3A_153 : memref<32x128xf32, #tpu.memory_space<vmem>>) offsets(%dma_start3A_154 : memref<32xi32, #tpu.memory_space<vmem>>) semaphore(%arg14 : memref<!tpu.dma_semaphore, #tpu.memory_space<semaphore_mem>>)
        } else {
        }
      }
      %scan3A_96 = arith.constant 5 : i32
    }
    %scan3A_23 = arith.constant 32 : i32
    %barrier3A_24 = arith.constant 0 : index
    tpu.barrier barrier_id(%barrier3A_24)
    %mul3A_25 = arith.constant 632 : i32
    %mul3A_26 = arith.muli %arg1, %mul3A_25 : i32
    %mul3A_27 = arith.constant 10112 : i32
    %mul3A_28 = arith.muli %arg0, %mul3A_27 : i32
    %mul3A_29 = arith.constant 632 : i32
    %mul3A_30 = arith.muli %arg1, %mul3A_29 : i32
    %add3A_31 = arith.addi %mul3A_28, %mul3A_30 : i32
    "tpu.region"() ({
      %run_scoped3A = tpu.sem_alloc : memref<!tpu.dma_semaphore, #tpu.memory_space<semaphore_mem>>
      %dma_start3A_32 = arith.constant 0 : i32
      %dma_start3A_33 = tpu.memref_slice %arg6[%add3A_31, %dma_start3A_32] : memref<20224x128xf32, #tpu.memory_space<hbm>> -> memref<632x128xf32, #tpu.memory_space<hbm>>
      %dma_start3A_34 = arith.constant 0 : i32
      %dma_start3A_35 = tpu.memref_slice %arg13[%mul3A_26, %dma_start3A_34] : memref<10112x128xf32, #tpu.memory_space<vmem_shared>> -> memref<632x128xf32, #tpu.memory_space<vmem_shared>>
      tpu.enqueue_dma source(%dma_start3A_35 : memref<632x128xf32, #tpu.memory_space<vmem_shared>>) target(%dma_start3A_33 : memref<632x128xf32, #tpu.memory_space<hbm>>) target_semaphore(%run_scoped3A : memref<!tpu.dma_semaphore, #tpu.memory_space<semaphore_mem>>)
      %dma_wait3A = arith.constant 0 : i32
      %dma_wait3A_36 = tpu.memref_slice %arg6[%add3A_31, %dma_wait3A] : memref<20224x128xf32, #tpu.memory_space<hbm>> -> memref<632x128xf32, #tpu.memory_space<hbm>>
      %dma_wait3A_37 = arith.constant 0 : i32
      %dma_wait3A_38 = tpu.memref_slice %arg13[%mul3A_26, %dma_wait3A_37] : memref<10112x128xf32, #tpu.memory_space<vmem_shared>> -> memref<632x128xf32, #tpu.memory_space<vmem_shared>>
      tpu.wait_dma2 semaphore(%run_scoped3A : memref<!tpu.dma_semaphore, #tpu.memory_space<semaphore_mem>>) src(%dma_wait3A_38 : memref<632x128xf32, #tpu.memory_space<vmem_shared>>) dst(%dma_wait3A_36 : memref<632x128xf32, #tpu.memory_space<hbm>>)
      tpu.yield
    }) : () -> ()
    return
  }
}

#map = affine_map<(d0, d1) -> (0, 0)>
#map1 = affine_map<(d0, d1) -> (0)>
module attributes {stable_mosaic.version = 14 : i64} {
  func.func @segsum(%arg0: i32, %arg1: i32, %arg2: memref<10000x128xf32, #tpu.memory_space<hbm>>, %arg3: memref<655360xi32, #tpu.memory_space<hbm>>, %arg4: memref<655360xi32, #tpu.memory_space<hbm>>, %arg5: memref<632x128xf32, #tpu.memory_space<hbm>>, %arg6: memref<20224x128xf32, #tpu.memory_space<hbm>>, %arg7: memref<320xi32, #tpu.memory_space<vmem>>, %arg8: memref<320xi32, #tpu.memory_space<vmem>>, %arg9: memref<320xi32, #tpu.memory_space<vmem>>, %arg10: memref<320xi32, #tpu.memory_space<vmem>>, %arg11: memref<2x32x128xf32, #tpu.memory_space<vmem>>, %arg12: memref<5016x128xf32, #tpu.memory_space<vmem_shared>>, %arg13: memref<10112x128xf32, #tpu.memory_space<vmem_shared>>, %arg14: memref<!tpu.dma_semaphore, #tpu.memory_space<semaphore_mem>>, %arg15: memref<!tpu.dma_semaphore, #tpu.memory_space<semaphore_mem>>, %arg16: memref<!tpu.dma_semaphore, #tpu.memory_space<semaphore_mem>>, %arg17: memref<!tpu.dma_semaphore, #tpu.memory_space<semaphore_mem>>) attributes {dimension_semantics = [#tpu.dimension_semantics<core_parallel>, #tpu.dimension_semantics<subcore_parallel>], iteration_bounds = array<i64: 2, 16>, scalar_prefetch = 0 : i64, scratch_operands = 11 : i64, tpu.core_type = #tpu.core_type<sc_vector_subcore>, window_params = [{transform_indices = #map}, {transform_indices = #map1}, {transform_indices = #map1}, {transform_indices = #map}, {transform_indices = #map}]} {
    %mul3A = arith.constant 632 : i32
    %mul3A_0 = arith.muli %arg1, %mul3A : i32
    "tpu.region"() ({
      %run_scoped3A = tpu.sem_alloc : memref<!tpu.dma_semaphore, #tpu.memory_space<semaphore_mem>>
      %dma_start3A_32 = arith.constant 0 : i32
      %dma_start3A_33 = tpu.memref_slice %arg13[%mul3A_0, %dma_start3A_32] : memref<10112x128xf32, #tpu.memory_space<vmem_shared>> -> memref<632x128xf32, #tpu.memory_space<vmem_shared>>
      tpu.enqueue_dma source(%arg5 : memref<632x128xf32, #tpu.memory_space<hbm>>) target(%dma_start3A_33 : memref<632x128xf32, #tpu.memory_space<vmem_shared>>) target_semaphore(%run_scoped3A : memref<!tpu.dma_semaphore, #tpu.memory_space<semaphore_mem>>)
      %dma_wait3A = arith.constant 0 : i32
      %dma_wait3A_34 = tpu.memref_slice %arg13[%mul3A_0, %dma_wait3A] : memref<10112x128xf32, #tpu.memory_space<vmem_shared>> -> memref<632x128xf32, #tpu.memory_space<vmem_shared>>
      tpu.wait_dma2 semaphore(%run_scoped3A : memref<!tpu.dma_semaphore, #tpu.memory_space<semaphore_mem>>) src(%arg5 : memref<632x128xf32, #tpu.memory_space<hbm>>) dst(%dma_wait3A_34 : memref<632x128xf32, #tpu.memory_space<vmem_shared>>)
      tpu.yield
    }) : () -> ()
    %mul3A_1 = arith.constant 4992 : i32
    %mul3A_2 = arith.muli %arg0, %mul3A_1 : i32
    %mul3A_3 = arith.constant 312 : i32
    %mul3A_4 = arith.muli %arg1, %mul3A_3 : i32
    %add3A = arith.addi %mul3A_2, %mul3A_4 : i32
    %mul3A_5 = arith.constant 312 : i32
    %mul3A_6 = arith.muli %arg1, %mul3A_5 : i32
    "tpu.region"() ({
      %run_scoped3A = tpu.sem_alloc : memref<!tpu.dma_semaphore, #tpu.memory_space<semaphore_mem>>
      %dma_start3A_32 = arith.constant 0 : i32
      %dma_start3A_33 = tpu.memref_slice %arg12[%mul3A_6, %dma_start3A_32] : memref<5016x128xf32, #tpu.memory_space<vmem_shared>> -> memref<312x128xf32, #tpu.memory_space<vmem_shared>>
      %dma_start3A_34 = arith.constant 0 : i32
      %dma_start3A_35 = tpu.memref_slice %arg2[%add3A, %dma_start3A_34] : memref<10000x128xf32, #tpu.memory_space<hbm>> -> memref<312x128xf32, #tpu.memory_space<hbm>>
      tpu.enqueue_dma source(%dma_start3A_35 : memref<312x128xf32, #tpu.memory_space<hbm>>) target(%dma_start3A_33 : memref<312x128xf32, #tpu.memory_space<vmem_shared>>) target_semaphore(%run_scoped3A : memref<!tpu.dma_semaphore, #tpu.memory_space<semaphore_mem>>)
      %dma_wait3A = arith.constant 0 : i32
      %dma_wait3A_36 = tpu.memref_slice %arg12[%mul3A_6, %dma_wait3A] : memref<5016x128xf32, #tpu.memory_space<vmem_shared>> -> memref<312x128xf32, #tpu.memory_space<vmem_shared>>
      %dma_wait3A_37 = arith.constant 0 : i32
      %dma_wait3A_38 = tpu.memref_slice %arg2[%add3A, %dma_wait3A_37] : memref<10000x128xf32, #tpu.memory_space<hbm>> -> memref<312x128xf32, #tpu.memory_space<hbm>>
      tpu.wait_dma2 semaphore(%run_scoped3A : memref<!tpu.dma_semaphore, #tpu.memory_space<semaphore_mem>>) src(%dma_wait3A_38 : memref<312x128xf32, #tpu.memory_space<hbm>>) dst(%dma_wait3A_36 : memref<312x128xf32, #tpu.memory_space<vmem_shared>>)
      tpu.yield
    }) : () -> ()
    %eq3A = arith.constant 0 : i32
    %eq3A_7 = arith.cmpi eq, %arg1, %eq3A : i32
    %convert_element_type3A = arith.extui %eq3A_7 : i1 to i32
    %cond3A = arith.constant 0 : i32
    %cond3A_8 = arith.cmpi ne, %convert_element_type3A, %cond3A : i32
    scf.if %cond3A_8 {
      %add3A_32 = arith.constant 4992 : i32
      %add3A_33 = arith.addi %mul3A_2, %add3A_32 : i32
      "tpu.region"() ({
        %run_scoped3A = tpu.sem_alloc : memref<!tpu.dma_semaphore, #tpu.memory_space<semaphore_mem>>
        %dma_start3A_34 = arith.constant 4992 : i32
        %dma_start3A_35 = arith.constant 0 : i32
        %dma_start3A_36 = tpu.memref_slice %arg12[%dma_start3A_34, %dma_start3A_35] : memref<5016x128xf32, #tpu.memory_space<vmem_shared>> -> memref<16x128xf32, #tpu.memory_space<vmem_shared>>
        %dma_start3A_37 = arith.constant 0 : i32
        %dma_start3A_38 = tpu.memref_slice %arg2[%add3A_33, %dma_start3A_37] : memref<10000x128xf32, #tpu.memory_space<hbm>> -> memref<16x128xf32, #tpu.memory_space<hbm>>
        tpu.enqueue_dma source(%dma_start3A_38 : memref<16x128xf32, #tpu.memory_space<hbm>>) target(%dma_start3A_36 : memref<16x128xf32, #tpu.memory_space<vmem_shared>>) target_semaphore(%run_scoped3A : memref<!tpu.dma_semaphore, #tpu.memory_space<semaphore_mem>>)
        %dma_wait3A = arith.constant 4992 : i32
        %dma_wait3A_39 = arith.constant 0 : i32
        %dma_wait3A_40 = tpu.memref_slice %arg12[%dma_wait3A, %dma_wait3A_39] : memref<5016x128xf32, #tpu.memory_space<vmem_shared>> -> memref<16x128xf32, #tpu.memory_space<vmem_shared>>
        %dma_wait3A_41 = arith.constant 0 : i32
        %dma_wait3A_42 = tpu.memref_slice %arg2[%add3A_33, %dma_wait3A_41] : memref<10000x128xf32, #tpu.memory_space<hbm>> -> memref<16x128xf32, #tpu.memory_space<hbm>>
        tpu.wait_dma2 semaphore(%run_scoped3A : memref<!tpu.dma_semaphore, #tpu.memory_space<semaphore_mem>>) src(%dma_wait3A_42 : memref<16x128xf32, #tpu.memory_space<hbm>>) dst(%dma_wait3A_40 : memref<16x128xf32, #tpu.memory_space<vmem_shared>>)
        tpu.yield
      }) : () -> ()
    } else {
    }
    %barrier3A = arith.constant 0 : index
    tpu.barrier barrier_id(%barrier3A)
    %mul3A_9 = arith.constant 327680 : i32
    %mul3A_10 = arith.muli %arg0, %mul3A_9 : i32
    %mul3A_11 = arith.constant 20480 : i32
    %mul3A_12 = arith.muli %arg1, %mul3A_11 : i32
    %add3A_13 = arith.addi %mul3A_10, %mul3A_12 : i32
    %add3A_14 = arith.constant 0 : i32
    %add3A_15 = arith.addi %add3A_13, %add3A_14 : i32
    %dma_start3A = tpu.memref_slice %arg3[%add3A_15] : memref<655360xi32, #tpu.memory_space<hbm>> -> memref<320xi32, #tpu.memory_space<hbm>>
    %dma_start3A_16 = tpu.memref_slice %arg3[%add3A_15] : memref<655360xi32, #tpu.memory_space<hbm>> -> memref<320xi32, #tpu.memory_space<hbm>>
    tpu.enqueue_dma source(%dma_start3A_16 : memref<320xi32, #tpu.memory_space<hbm>>) target(%arg7 : memref<320xi32, #tpu.memory_space<vmem>>) target_semaphore(%arg16 : memref<!tpu.dma_semaphore, #tpu.memory_space<semaphore_mem>>)
    %dma_start3A_17 = tpu.memref_slice %arg4[%add3A_15] : memref<655360xi32, #tpu.memory_space<hbm>> -> memref<320xi32, #tpu.memory_space<hbm>>
    %dma_start3A_18 = tpu.memref_slice %arg4[%add3A_15] : memref<655360xi32, #tpu.memory_space<hbm>> -> memref<320xi32, #tpu.memory_space<hbm>>
    tpu.enqueue_dma source(%dma_start3A_18 : memref<320xi32, #tpu.memory_space<hbm>>) target(%arg8 : memref<320xi32, #tpu.memory_space<vmem>>) target_semaphore(%arg16 : memref<!tpu.dma_semaphore, #tpu.memory_space<semaphore_mem>>)
    %scan3A = arith.constant 0 : i32
    %scan3A_19 = arith.constant 0 : i32
    %scan3A_20 = arith.constant 32 : i32
    %scan3A_21 = arith.addi %scan3A_19, %scan3A_20 : i32
    %scan3A_22 = arith.constant 1 : i32
    scf.for %scan3A_32 = %scan3A_19 to %scan3A_21 step %scan3A_22  : i32 {
      %mul3A_33 = arith.constant 2 : i32
      %mul3A_34 = arith.muli %mul3A_33, %scan3A_32 : i32
      %mul3A_35 = arith.constant 320 : i32
      %mul3A_36 = arith.muli %mul3A_34, %mul3A_35 : i32
      %add3A_37 = arith.addi %add3A_13, %mul3A_36 : i32
      %dma_wait3A = tpu.memref_slice %arg3[%add3A_37] : memref<655360xi32, #tpu.memory_space<hbm>> -> memref<320xi32, #tpu.memory_space<hbm>>
      %dma_wait3A_38 = tpu.memref_slice %arg3[%add3A_37] : memref<655360xi32, #tpu.memory_space<hbm>> -> memref<320xi32, #tpu.memory_space<hbm>>
      tpu.wait_dma2 semaphore(%arg16 : memref<!tpu.dma_semaphore, #tpu.memory_space<semaphore_mem>>) src(%dma_wait3A_38 : memref<320xi32, #tpu.memory_space<hbm>>) dst(%arg7 : memref<320xi32, #tpu.memory_space<vmem>>)
      %dma_wait3A_39 = tpu.memref_slice %arg4[%add3A_37] : memref<655360xi32, #tpu.memory_space<hbm>> -> memref<320xi32, #tpu.memory_space<hbm>>
      %dma_wait3A_40 = tpu.memref_slice %arg4[%add3A_37] : memref<655360xi32, #tpu.memory_space<hbm>> -> memref<320xi32, #tpu.memory_space<hbm>>
      tpu.wait_dma2 semaphore(%arg16 : memref<!tpu.dma_semaphore, #tpu.memory_space<semaphore_mem>>) src(%dma_wait3A_40 : memref<320xi32, #tpu.memory_space<hbm>>) dst(%arg8 : memref<320xi32, #tpu.memory_space<vmem>>)
      %add3A_41 = arith.constant 1 : i32
      %add3A_42 = arith.addi %mul3A_34, %add3A_41 : i32
      %mul3A_43 = arith.constant 320 : i32
      %mul3A_44 = arith.muli %add3A_42, %mul3A_43 : i32
      %add3A_45 = arith.addi %add3A_13, %mul3A_44 : i32
      %dma_start3A_46 = tpu.memref_slice %arg3[%add3A_45] : memref<655360xi32, #tpu.memory_space<hbm>> -> memref<320xi32, #tpu.memory_space<hbm>>
      %dma_start3A_47 = tpu.memref_slice %arg3[%add3A_45] : memref<655360xi32, #tpu.memory_space<hbm>> -> memref<320xi32, #tpu.memory_space<hbm>>
      tpu.enqueue_dma source(%dma_start3A_47 : memref<320xi32, #tpu.memory_space<hbm>>) target(%arg9 : memref<320xi32, #tpu.memory_space<vmem>>) target_semaphore(%arg17 : memref<!tpu.dma_semaphore, #tpu.memory_space<semaphore_mem>>)
      %dma_start3A_48 = tpu.memref_slice %arg4[%add3A_45] : memref<655360xi32, #tpu.memory_space<hbm>> -> memref<320xi32, #tpu.memory_space<hbm>>
      %dma_start3A_49 = tpu.memref_slice %arg4[%add3A_45] : memref<655360xi32, #tpu.memory_space<hbm>> -> memref<320xi32, #tpu.memory_space<hbm>>
      tpu.enqueue_dma source(%dma_start3A_49 : memref<320xi32, #tpu.memory_space<hbm>>) target(%arg10 : memref<320xi32, #tpu.memory_space<vmem>>) target_semaphore(%arg17 : memref<!tpu.dma_semaphore, #tpu.memory_space<semaphore_mem>>)
      %dma_start3A_50 = arith.constant 0 : i32
      %dma_start3A_51 = arith.constant 0 : i32
      %dma_start3A_52 = arith.constant 0 : i32
      %dma_start3A_53 = tpu.memref_slice %arg11[%dma_start3A_50, %dma_start3A_51, %dma_start3A_52] : memref<2x32x128xf32, #tpu.memory_space<vmem>> -> memref<1x32x128xf32, #tpu.memory_space<vmem>>
      %dma_start3A_54 = tpu.memref_squeeze %dma_start3A_53 : memref<1x32x128xf32, #tpu.memory_space<vmem>> -> memref<32x128xf32, #tpu.memory_space<vmem>>
      %dma_start3A_55 = arith.constant 0 : i32
      %dma_start3A_56 = tpu.memref_slice %arg7[%dma_start3A_55] : memref<320xi32, #tpu.memory_space<vmem>> -> memref<32xi32, #tpu.memory_space<vmem>>
      %dma_start3A_57 = arith.constant 0 : i32
      %dma_start3A_58 = arith.constant 0 : i32
      %dma_start3A_59 = tpu.memref_slice %arg12[%dma_start3A_57, %dma_start3A_58] : memref<5016x128xf32, #tpu.memory_space<vmem_shared>> -> memref<5016x128xf32, #tpu.memory_space<vmem_shared>>
      tpu.enqueue_indirect_dma source(%dma_start3A_59 : memref<5016x128xf32, #tpu.memory_space<vmem_shared>>) target(%dma_start3A_54 : memref<32x128xf32, #tpu.memory_space<vmem>>) offsets(%dma_start3A_56 : memref<32xi32, #tpu.memory_space<vmem>>) semaphore(%arg14 : memref<!tpu.dma_semaphore, #tpu.memory_space<semaphore_mem>>)
      %scan3A_60 = arith.constant 0 : i32
      %scan3A_61 = arith.constant 0 : i32
      %scan3A_62 = arith.constant 5 : i32
      %scan3A_63 = arith.addi %scan3A_61, %scan3A_62 : i32
      %scan3A_64 = arith.constant 1 : i32
      scf.for %scan3A_97 = %scan3A_61 to %scan3A_63 step %scan3A_64  : i32 {
        %mul3A_98 = arith.constant 2 : i32
        %mul3A_99 = arith.muli %mul3A_98, %scan3A_97 : i32
        %add3A_100 = arith.constant 0 : i32
        %add3A_101 = arith.addi %mul3A_99, %add3A_100 : i32
        %mul3A_102 = arith.constant 32 : i32
        %mul3A_103 = arith.muli %add3A_101, %mul3A_102 : i32
        %dma_wait3A_104 = arith.constant 0 : i32
        %dma_wait3A_105 = arith.constant 0 : i32
        %dma_wait3A_106 = arith.constant 0 : i32
        %dma_wait3A_107 = tpu.memref_slice %arg11[%dma_wait3A_104, %dma_wait3A_105, %dma_wait3A_106] : memref<2x32x128xf32, #tpu.memory_space<vmem>> -> memref<1x32x128xf32, #tpu.memory_space<vmem>>
        %dma_wait3A_108 = tpu.memref_squeeze %dma_wait3A_107 : memref<1x32x128xf32, #tpu.memory_space<vmem>> -> memref<32x128xf32, #tpu.memory_space<vmem>>
        %dma_wait3A_109 = tpu.memref_slice %arg7[%mul3A_103] : memref<320xi32, #tpu.memory_space<vmem>> -> memref<32xi32, #tpu.memory_space<vmem>>
        %dma_wait3A_110 = arith.constant 0 : i32
        %dma_wait3A_111 = arith.constant 0 : i32
        %dma_wait3A_112 = tpu.memref_slice %arg12[%dma_wait3A_110, %dma_wait3A_111] : memref<5016x128xf32, #tpu.memory_space<vmem_shared>> -> memref<5016x128xf32, #tpu.memory_space<vmem_shared>>
        tpu.wait_indirect_dma semaphore(%arg14 : memref<!tpu.dma_semaphore, #tpu.memory_space<semaphore_mem>>) src(%dma_wait3A_112 : memref<5016x128xf32, #tpu.memory_space<vmem_shared>>) dst(%dma_wait3A_108 : memref<32x128xf32, #tpu.memory_space<vmem>>)
        %mul3A_113 = arith.constant 32 : i32
        %mul3A_114 = arith.muli %add3A_101, %mul3A_113 : i32
        %run_scoped3A = arith.constant 0 : i32
        "tpu.region"() ({
          %run_scoped3A_147 = tpu.sem_alloc : memref<!tpu.dma_semaphore, #tpu.memory_space<semaphore_mem>>
          %dma_start3A_148 = arith.constant 0 : i32
          %dma_start3A_149 = arith.constant 0 : i32
          %dma_start3A_150 = tpu.memref_slice %arg11[%run_scoped3A, %dma_start3A_148, %dma_start3A_149] : memref<2x32x128xf32, #tpu.memory_space<vmem>> -> memref<1x32x128xf32, #tpu.memory_space<vmem>>
          %dma_start3A_151 = tpu.memref_squeeze %dma_start3A_150 : memref<1x32x128xf32, #tpu.memory_space<vmem>> -> memref<32x128xf32, #tpu.memory_space<vmem>>
          %dma_start3A_152 = tpu.memref_slice %arg8[%mul3A_114] : memref<320xi32, #tpu.memory_space<vmem>> -> memref<32xi32, #tpu.memory_space<vmem>>
          %dma_start3A_153 = arith.constant 0 : i32
          %dma_start3A_154 = arith.constant 0 : i32
          %dma_start3A_155 = tpu.memref_slice %arg13[%dma_start3A_153, %dma_start3A_154] : memref<10112x128xf32, #tpu.memory_space<vmem_shared>> -> memref<10112x128xf32, #tpu.memory_space<vmem_shared>>
          tpu.enqueue_indirect_dma source(%dma_start3A_151 : memref<32x128xf32, #tpu.memory_space<vmem>>) target(%dma_start3A_155 : memref<10112x128xf32, #tpu.memory_space<vmem_shared>>) offsets(%dma_start3A_152 : memref<32xi32, #tpu.memory_space<vmem>>) semaphore(%run_scoped3A_147 : memref<!tpu.dma_semaphore, #tpu.memory_space<semaphore_mem>>) {add = true}
          %dma_wait3A_156 = arith.constant 0 : i32
          %dma_wait3A_157 = arith.constant 0 : i32
          %dma_wait3A_158 = tpu.memref_slice %arg11[%run_scoped3A, %dma_wait3A_156, %dma_wait3A_157] : memref<2x32x128xf32, #tpu.memory_space<vmem>> -> memref<1x32x128xf32, #tpu.memory_space<vmem>>
          %dma_wait3A_159 = tpu.memref_squeeze %dma_wait3A_158 : memref<1x32x128xf32, #tpu.memory_space<vmem>> -> memref<32x128xf32, #tpu.memory_space<vmem>>
          %dma_wait3A_160 = tpu.memref_slice %arg8[%mul3A_114] : memref<320xi32, #tpu.memory_space<vmem>> -> memref<32xi32, #tpu.memory_space<vmem>>
          %dma_wait3A_161 = arith.constant 0 : i32
          %dma_wait3A_162 = arith.constant 0 : i32
          %dma_wait3A_163 = tpu.memref_slice %arg13[%dma_wait3A_161, %dma_wait3A_162] : memref<10112x128xf32, #tpu.memory_space<vmem_shared>> -> memref<10112x128xf32, #tpu.memory_space<vmem_shared>>
          tpu.wait_indirect_dma semaphore(%run_scoped3A_147 : memref<!tpu.dma_semaphore, #tpu.memory_space<semaphore_mem>>) src(%dma_wait3A_159 : memref<32x128xf32, #tpu.memory_space<vmem>>) dst(%dma_wait3A_163 : memref<10112x128xf32, #tpu.memory_space<vmem_shared>>)
          tpu.yield
        }) : () -> ()
        %add3A_115 = arith.constant 1 : i32
        %add3A_116 = arith.addi %add3A_101, %add3A_115 : i32
        %lt3A_117 = arith.constant 10 : i32
        %lt3A_118 = arith.cmpi slt, %add3A_116, %lt3A_117 : i32
        %convert_element_type3A_119 = arith.extui %lt3A_118 : i1 to i32
        %cond3A_120 = arith.constant 0 : i32
        %cond3A_121 = arith.cmpi ne, %convert_element_type3A_119, %cond3A_120 : i32
        scf.if %cond3A_121 {
          %mul3A_147 = arith.constant 32 : i32
          %mul3A_148 = arith.muli %add3A_116, %mul3A_147 : i32
          %dma_start3A_149 = arith.constant 1 : i32
          %dma_start3A_150 = arith.constant 0 : i32
          %dma_start3A_151 = arith.constant 0 : i32
          %dma_start3A_152 = tpu.memref_slice %arg11[%dma_start3A_149, %dma_start3A_150, %dma_start3A_151] : memref<2x32x128xf32, #tpu.memory_space<vmem>> -> memref<1x32x128xf32, #tpu.memory_space<vmem>>
          %dma_start3A_153 = tpu.memref_squeeze %dma_start3A_152 : memref<1x32x128xf32, #tpu.memory_space<vmem>> -> memref<32x128xf32, #tpu.memory_space<vmem>>
          %dma_start3A_154 = tpu.memref_slice %arg7[%mul3A_148] : memref<320xi32, #tpu.memory_space<vmem>> -> memref<32xi32, #tpu.memory_space<vmem>>
          %dma_start3A_155 = arith.constant 0 : i32
          %dma_start3A_156 = arith.constant 0 : i32
          %dma_start3A_157 = tpu.memref_slice %arg12[%dma_start3A_155, %dma_start3A_156] : memref<5016x128xf32, #tpu.memory_space<vmem_shared>> -> memref<5016x128xf32, #tpu.memory_space<vmem_shared>>
          tpu.enqueue_indirect_dma source(%dma_start3A_157 : memref<5016x128xf32, #tpu.memory_space<vmem_shared>>) target(%dma_start3A_153 : memref<32x128xf32, #tpu.memory_space<vmem>>) offsets(%dma_start3A_154 : memref<32xi32, #tpu.memory_space<vmem>>) semaphore(%arg15 : memref<!tpu.dma_semaphore, #tpu.memory_space<semaphore_mem>>)
        } else {
        }
        %mul3A_122 = arith.constant 2 : i32
        %mul3A_123 = arith.muli %mul3A_122, %scan3A_97 : i32
        %add3A_124 = arith.constant 1 : i32
        %add3A_125 = arith.addi %mul3A_123, %add3A_124 : i32
        %mul3A_126 = arith.constant 32 : i32
        %mul3A_127 = arith.muli %add3A_125, %mul3A_126 : i32
        %dma_wait3A_128 = arith.constant 1 : i32
        %dma_wait3A_129 = arith.constant 0 : i32
        %dma_wait3A_130 = arith.constant 0 : i32
        %dma_wait3A_131 = tpu.memref_slice %arg11[%dma_wait3A_128, %dma_wait3A_129, %dma_wait3A_130] : memref<2x32x128xf32, #tpu.memory_space<vmem>> -> memref<1x32x128xf32, #tpu.memory_space<vmem>>
        %dma_wait3A_132 = tpu.memref_squeeze %dma_wait3A_131 : memref<1x32x128xf32, #tpu.memory_space<vmem>> -> memref<32x128xf32, #tpu.memory_space<vmem>>
        %dma_wait3A_133 = tpu.memref_slice %arg7[%mul3A_127] : memref<320xi32, #tpu.memory_space<vmem>> -> memref<32xi32, #tpu.memory_space<vmem>>
        %dma_wait3A_134 = arith.constant 0 : i32
        %dma_wait3A_135 = arith.constant 0 : i32
        %dma_wait3A_136 = tpu.memref_slice %arg12[%dma_wait3A_134, %dma_wait3A_135] : memref<5016x128xf32, #tpu.memory_space<vmem_shared>> -> memref<5016x128xf32, #tpu.memory_space<vmem_shared>>
        tpu.wait_indirect_dma semaphore(%arg15 : memref<!tpu.dma_semaphore, #tpu.memory_space<semaphore_mem>>) src(%dma_wait3A_136 : memref<5016x128xf32, #tpu.memory_space<vmem_shared>>) dst(%dma_wait3A_132 : memref<32x128xf32, #tpu.memory_space<vmem>>)
        %mul3A_137 = arith.constant 32 : i32
        %mul3A_138 = arith.muli %add3A_125, %mul3A_137 : i32
        %run_scoped3A_139 = arith.constant 1 : i32
        "tpu.region"() ({
          %run_scoped3A_147 = tpu.sem_alloc : memref<!tpu.dma_semaphore, #tpu.memory_space<semaphore_mem>>
          %dma_start3A_148 = arith.constant 0 : i32
          %dma_start3A_149 = arith.constant 0 : i32
          %dma_start3A_150 = tpu.memref_slice %arg11[%run_scoped3A_139, %dma_start3A_148, %dma_start3A_149] : memref<2x32x128xf32, #tpu.memory_space<vmem>> -> memref<1x32x128xf32, #tpu.memory_space<vmem>>
          %dma_start3A_151 = tpu.memref_squeeze %dma_start3A_150 : memref<1x32x128xf32, #tpu.memory_space<vmem>> -> memref<32x128xf32, #tpu.memory_space<vmem>>
          %dma_start3A_152 = tpu.memref_slice %arg8[%mul3A_138] : memref<320xi32, #tpu.memory_space<vmem>> -> memref<32xi32, #tpu.memory_space<vmem>>
          %dma_start3A_153 = arith.constant 0 : i32
          %dma_start3A_154 = arith.constant 0 : i32
          %dma_start3A_155 = tpu.memref_slice %arg13[%dma_start3A_153, %dma_start3A_154] : memref<10112x128xf32, #tpu.memory_space<vmem_shared>> -> memref<10112x128xf32, #tpu.memory_space<vmem_shared>>
          tpu.enqueue_indirect_dma source(%dma_start3A_151 : memref<32x128xf32, #tpu.memory_space<vmem>>) target(%dma_start3A_155 : memref<10112x128xf32, #tpu.memory_space<vmem_shared>>) offsets(%dma_start3A_152 : memref<32xi32, #tpu.memory_space<vmem>>) semaphore(%run_scoped3A_147 : memref<!tpu.dma_semaphore, #tpu.memory_space<semaphore_mem>>) {add = true}
          %dma_wait3A_156 = arith.constant 0 : i32
          %dma_wait3A_157 = arith.constant 0 : i32
          %dma_wait3A_158 = tpu.memref_slice %arg11[%run_scoped3A_139, %dma_wait3A_156, %dma_wait3A_157] : memref<2x32x128xf32, #tpu.memory_space<vmem>> -> memref<1x32x128xf32, #tpu.memory_space<vmem>>
          %dma_wait3A_159 = tpu.memref_squeeze %dma_wait3A_158 : memref<1x32x128xf32, #tpu.memory_space<vmem>> -> memref<32x128xf32, #tpu.memory_space<vmem>>
          %dma_wait3A_160 = tpu.memref_slice %arg8[%mul3A_138] : memref<320xi32, #tpu.memory_space<vmem>> -> memref<32xi32, #tpu.memory_space<vmem>>
          %dma_wait3A_161 = arith.constant 0 : i32
          %dma_wait3A_162 = arith.constant 0 : i32
          %dma_wait3A_163 = tpu.memref_slice %arg13[%dma_wait3A_161, %dma_wait3A_162] : memref<10112x128xf32, #tpu.memory_space<vmem_shared>> -> memref<10112x128xf32, #tpu.memory_space<vmem_shared>>
          tpu.wait_indirect_dma semaphore(%run_scoped3A_147 : memref<!tpu.dma_semaphore, #tpu.memory_space<semaphore_mem>>) src(%dma_wait3A_159 : memref<32x128xf32, #tpu.memory_space<vmem>>) dst(%dma_wait3A_163 : memref<10112x128xf32, #tpu.memory_space<vmem_shared>>)
          tpu.yield
        }) : () -> ()
        %add3A_140 = arith.constant 1 : i32
        %add3A_141 = arith.addi %add3A_125, %add3A_140 : i32
        %lt3A_142 = arith.constant 10 : i32
        %lt3A_143 = arith.cmpi slt, %add3A_141, %lt3A_142 : i32
        %convert_element_type3A_144 = arith.extui %lt3A_143 : i1 to i32
        %cond3A_145 = arith.constant 0 : i32
        %cond3A_146 = arith.cmpi ne, %convert_element_type3A_144, %cond3A_145 : i32
        scf.if %cond3A_146 {
          %mul3A_147 = arith.constant 32 : i32
          %mul3A_148 = arith.muli %add3A_141, %mul3A_147 : i32
          %dma_start3A_149 = arith.constant 0 : i32
          %dma_start3A_150 = arith.constant 0 : i32
          %dma_start3A_151 = arith.constant 0 : i32
          %dma_start3A_152 = tpu.memref_slice %arg11[%dma_start3A_149, %dma_start3A_150, %dma_start3A_151] : memref<2x32x128xf32, #tpu.memory_space<vmem>> -> memref<1x32x128xf32, #tpu.memory_space<vmem>>
          %dma_start3A_153 = tpu.memref_squeeze %dma_start3A_152 : memref<1x32x128xf32, #tpu.memory_space<vmem>> -> memref<32x128xf32, #tpu.memory_space<vmem>>
          %dma_start3A_154 = tpu.memref_slice %arg7[%mul3A_148] : memref<320xi32, #tpu.memory_space<vmem>> -> memref<32xi32, #tpu.memory_space<vmem>>
          %dma_start3A_155 = arith.constant 0 : i32
          %dma_start3A_156 = arith.constant 0 : i32
          %dma_start3A_157 = tpu.memref_slice %arg12[%dma_start3A_155, %dma_start3A_156] : memref<5016x128xf32, #tpu.memory_space<vmem_shared>> -> memref<5016x128xf32, #tpu.memory_space<vmem_shared>>
          tpu.enqueue_indirect_dma source(%dma_start3A_157 : memref<5016x128xf32, #tpu.memory_space<vmem_shared>>) target(%dma_start3A_153 : memref<32x128xf32, #tpu.memory_space<vmem>>) offsets(%dma_start3A_154 : memref<32xi32, #tpu.memory_space<vmem>>) semaphore(%arg14 : memref<!tpu.dma_semaphore, #tpu.memory_space<semaphore_mem>>)
        } else {
        }
      }
      %scan3A_65 = arith.constant 5 : i32
      %add3A_66 = arith.constant 1 : i32
      %add3A_67 = arith.addi %mul3A_34, %add3A_66 : i32
      %mul3A_68 = arith.constant 320 : i32
      %mul3A_69 = arith.muli %add3A_67, %mul3A_68 : i32
      %add3A_70 = arith.addi %add3A_13, %mul3A_69 : i32
      %dma_wait3A_71 = tpu.memref_slice %arg3[%add3A_70] : memref<655360xi32, #tpu.memory_space<hbm>> -> memref<320xi32, #tpu.memory_space<hbm>>
      %dma_wait3A_72 = tpu.memref_slice %arg3[%add3A_70] : memref<655360xi32, #tpu.memory_space<hbm>> -> memref<320xi32, #tpu.memory_space<hbm>>
      tpu.wait_dma2 semaphore(%arg17 : memref<!tpu.dma_semaphore, #tpu.memory_space<semaphore_mem>>) src(%dma_wait3A_72 : memref<320xi32, #tpu.memory_space<hbm>>) dst(%arg9 : memref<320xi32, #tpu.memory_space<vmem>>)
      %dma_wait3A_73 = tpu.memref_slice %arg4[%add3A_70] : memref<655360xi32, #tpu.memory_space<hbm>> -> memref<320xi32, #tpu.memory_space<hbm>>
      %dma_wait3A_74 = tpu.memref_slice %arg4[%add3A_70] : memref<655360xi32, #tpu.memory_space<hbm>> -> memref<320xi32, #tpu.memory_space<hbm>>
      tpu.wait_dma2 semaphore(%arg17 : memref<!tpu.dma_semaphore, #tpu.memory_space<semaphore_mem>>) src(%dma_wait3A_74 : memref<320xi32, #tpu.memory_space<hbm>>) dst(%arg10 : memref<320xi32, #tpu.memory_space<vmem>>)
      %add3A_75 = arith.constant 2 : i32
      %add3A_76 = arith.addi %mul3A_34, %add3A_75 : i32
      %lt3A = arith.constant 64 : i32
      %lt3A_77 = arith.cmpi slt, %add3A_76, %lt3A : i32
      %convert_element_type3A_78 = arith.extui %lt3A_77 : i1 to i32
      %cond3A_79 = arith.constant 0 : i32
      %cond3A_80 = arith.cmpi ne, %convert_element_type3A_78, %cond3A_79 : i32
      scf.if %cond3A_80 {
        %add3A_97 = arith.constant 2 : i32
        %add3A_98 = arith.addi %mul3A_34, %add3A_97 : i32
        %mul3A_99 = arith.constant 320 : i32
        %mul3A_100 = arith.muli %add3A_98, %mul3A_99 : i32
        %add3A_101 = arith.addi %add3A_13, %mul3A_100 : i32
        %dma_start3A_102 = tpu.memref_slice %arg3[%add3A_101] : memref<655360xi32, #tpu.memory_space<hbm>> -> memref<320xi32, #tpu.memory_space<hbm>>
        %dma_start3A_103 = tpu.memref_slice %arg3[%add3A_101] : memref<655360xi32, #tpu.memory_space<hbm>> -> memref<320xi32, #tpu.memory_space<hbm>>
        tpu.enqueue_dma source(%dma_start3A_103 : memref<320xi32, #tpu.memory_space<hbm>>) target(%arg7 : memref<320xi32, #tpu.memory_space<vmem>>) target_semaphore(%arg16 : memref<!tpu.dma_semaphore, #tpu.memory_space<semaphore_mem>>)
        %dma_start3A_104 = tpu.memref_slice %arg4[%add3A_101] : memref<655360xi32, #tpu.memory_space<hbm>> -> memref<320xi32, #tpu.memory_space<hbm>>
        %dma_start3A_105 = tpu.memref_slice %arg4[%add3A_101] : memref<655360xi32, #tpu.memory_space<hbm>> -> memref<320xi32, #tpu.memory_space<hbm>>
        tpu.enqueue_dma source(%dma_start3A_105 : memref<320xi32, #tpu.memory_space<hbm>>) target(%arg8 : memref<320xi32, #tpu.memory_space<vmem>>) target_semaphore(%arg16 : memref<!tpu.dma_semaphore, #tpu.memory_space<semaphore_mem>>)
      } else {
      }
      %dma_start3A_81 = arith.constant 0 : i32
      %dma_start3A_82 = arith.constant 0 : i32
      %dma_start3A_83 = arith.constant 0 : i32
      %dma_start3A_84 = tpu.memref_slice %arg11[%dma_start3A_81, %dma_start3A_82, %dma_start3A_83] : memref<2x32x128xf32, #tpu.memory_space<vmem>> -> memref<1x32x128xf32, #tpu.memory_space<vmem>>
      %dma_start3A_85 = tpu.memref_squeeze %dma_start3A_84 : memref<1x32x128xf32, #tpu.memory_space<vmem>> -> memref<32x128xf32, #tpu.memory_space<vmem>>
      %dma_start3A_86 = arith.constant 0 : i32
      %dma_start3A_87 = tpu.memref_slice %arg9[%dma_start3A_86] : memref<320xi32, #tpu.memory_space<vmem>> -> memref<32xi32, #tpu.memory_space<vmem>>
      %dma_start3A_88 = arith.constant 0 : i32
      %dma_start3A_89 = arith.constant 0 : i32
      %dma_start3A_90 = tpu.memref_slice %arg12[%dma_start3A_88, %dma_start3A_89] : memref<5016x128xf32, #tpu.memory_space<vmem_shared>> -> memref<5016x128xf32, #tpu.memory_space<vmem_shared>>
      tpu.enqueue_indirect_dma source(%dma_start3A_90 : memref<5016x128xf32, #tpu.memory_space<vmem_shared>>) target(%dma_start3A_85 : memref<32x128xf32, #tpu.memory_space<vmem>>) offsets(%dma_start3A_87 : memref<32xi32, #tpu.memory_space<vmem>>) semaphore(%arg14 : memref<!tpu.dma_semaphore, #tpu.memory_space<semaphore_mem>>)
      %scan3A_91 = arith.constant 0 : i32
      %scan3A_92 = arith.constant 0 : i32
      %scan3A_93 = arith.constant 5 : i32
      %scan3A_94 = arith.addi %scan3A_92, %scan3A_93 : i32
      %scan3A_95 = arith.constant 1 : i32
      scf.for %scan3A_97 = %scan3A_92 to %scan3A_94 step %scan3A_95  : i32 {
        %mul3A_98 = arith.constant 2 : i32
        %mul3A_99 = arith.muli %mul3A_98, %scan3A_97 : i32
        %add3A_100 = arith.constant 0 : i32
        %add3A_101 = arith.addi %mul3A_99, %add3A_100 : i32
        %mul3A_102 = arith.constant 32 : i32
        %mul3A_103 = arith.muli %add3A_101, %mul3A_102 : i32
        %dma_wait3A_104 = arith.constant 0 : i32
        %dma_wait3A_105 = arith.constant 0 : i32
        %dma_wait3A_106 = arith.constant 0 : i32
        %dma_wait3A_107 = tpu.memref_slice %arg11[%dma_wait3A_104, %dma_wait3A_105, %dma_wait3A_106] : memref<2x32x128xf32, #tpu.memory_space<vmem>> -> memref<1x32x128xf32, #tpu.memory_space<vmem>>
        %dma_wait3A_108 = tpu.memref_squeeze %dma_wait3A_107 : memref<1x32x128xf32, #tpu.memory_space<vmem>> -> memref<32x128xf32, #tpu.memory_space<vmem>>
        %dma_wait3A_109 = tpu.memref_slice %arg9[%mul3A_103] : memref<320xi32, #tpu.memory_space<vmem>> -> memref<32xi32, #tpu.memory_space<vmem>>
        %dma_wait3A_110 = arith.constant 0 : i32
        %dma_wait3A_111 = arith.constant 0 : i32
        %dma_wait3A_112 = tpu.memref_slice %arg12[%dma_wait3A_110, %dma_wait3A_111] : memref<5016x128xf32, #tpu.memory_space<vmem_shared>> -> memref<5016x128xf32, #tpu.memory_space<vmem_shared>>
        tpu.wait_indirect_dma semaphore(%arg14 : memref<!tpu.dma_semaphore, #tpu.memory_space<semaphore_mem>>) src(%dma_wait3A_112 : memref<5016x128xf32, #tpu.memory_space<vmem_shared>>) dst(%dma_wait3A_108 : memref<32x128xf32, #tpu.memory_space<vmem>>)
        %mul3A_113 = arith.constant 32 : i32
        %mul3A_114 = arith.muli %add3A_101, %mul3A_113 : i32
        %run_scoped3A = arith.constant 0 : i32
        "tpu.region"() ({
          %run_scoped3A_147 = tpu.sem_alloc : memref<!tpu.dma_semaphore, #tpu.memory_space<semaphore_mem>>
          %dma_start3A_148 = arith.constant 0 : i32
          %dma_start3A_149 = arith.constant 0 : i32
          %dma_start3A_150 = tpu.memref_slice %arg11[%run_scoped3A, %dma_start3A_148, %dma_start3A_149] : memref<2x32x128xf32, #tpu.memory_space<vmem>> -> memref<1x32x128xf32, #tpu.memory_space<vmem>>
          %dma_start3A_151 = tpu.memref_squeeze %dma_start3A_150 : memref<1x32x128xf32, #tpu.memory_space<vmem>> -> memref<32x128xf32, #tpu.memory_space<vmem>>
          %dma_start3A_152 = tpu.memref_slice %arg10[%mul3A_114] : memref<320xi32, #tpu.memory_space<vmem>> -> memref<32xi32, #tpu.memory_space<vmem>>
          %dma_start3A_153 = arith.constant 0 : i32
          %dma_start3A_154 = arith.constant 0 : i32
          %dma_start3A_155 = tpu.memref_slice %arg13[%dma_start3A_153, %dma_start3A_154] : memref<10112x128xf32, #tpu.memory_space<vmem_shared>> -> memref<10112x128xf32, #tpu.memory_space<vmem_shared>>
          tpu.enqueue_indirect_dma source(%dma_start3A_151 : memref<32x128xf32, #tpu.memory_space<vmem>>) target(%dma_start3A_155 : memref<10112x128xf32, #tpu.memory_space<vmem_shared>>) offsets(%dma_start3A_152 : memref<32xi32, #tpu.memory_space<vmem>>) semaphore(%run_scoped3A_147 : memref<!tpu.dma_semaphore, #tpu.memory_space<semaphore_mem>>) {add = true}
          %dma_wait3A_156 = arith.constant 0 : i32
          %dma_wait3A_157 = arith.constant 0 : i32
          %dma_wait3A_158 = tpu.memref_slice %arg11[%run_scoped3A, %dma_wait3A_156, %dma_wait3A_157] : memref<2x32x128xf32, #tpu.memory_space<vmem>> -> memref<1x32x128xf32, #tpu.memory_space<vmem>>
          %dma_wait3A_159 = tpu.memref_squeeze %dma_wait3A_158 : memref<1x32x128xf32, #tpu.memory_space<vmem>> -> memref<32x128xf32, #tpu.memory_space<vmem>>
          %dma_wait3A_160 = tpu.memref_slice %arg10[%mul3A_114] : memref<320xi32, #tpu.memory_space<vmem>> -> memref<32xi32, #tpu.memory_space<vmem>>
          %dma_wait3A_161 = arith.constant 0 : i32
          %dma_wait3A_162 = arith.constant 0 : i32
          %dma_wait3A_163 = tpu.memref_slice %arg13[%dma_wait3A_161, %dma_wait3A_162] : memref<10112x128xf32, #tpu.memory_space<vmem_shared>> -> memref<10112x128xf32, #tpu.memory_space<vmem_shared>>
          tpu.wait_indirect_dma semaphore(%run_scoped3A_147 : memref<!tpu.dma_semaphore, #tpu.memory_space<semaphore_mem>>) src(%dma_wait3A_159 : memref<32x128xf32, #tpu.memory_space<vmem>>) dst(%dma_wait3A_163 : memref<10112x128xf32, #tpu.memory_space<vmem_shared>>)
          tpu.yield
        }) : () -> ()
        %add3A_115 = arith.constant 1 : i32
        %add3A_116 = arith.addi %add3A_101, %add3A_115 : i32
        %lt3A_117 = arith.constant 10 : i32
        %lt3A_118 = arith.cmpi slt, %add3A_116, %lt3A_117 : i32
        %convert_element_type3A_119 = arith.extui %lt3A_118 : i1 to i32
        %cond3A_120 = arith.constant 0 : i32
        %cond3A_121 = arith.cmpi ne, %convert_element_type3A_119, %cond3A_120 : i32
        scf.if %cond3A_121 {
          %mul3A_147 = arith.constant 32 : i32
          %mul3A_148 = arith.muli %add3A_116, %mul3A_147 : i32
          %dma_start3A_149 = arith.constant 1 : i32
          %dma_start3A_150 = arith.constant 0 : i32
          %dma_start3A_151 = arith.constant 0 : i32
          %dma_start3A_152 = tpu.memref_slice %arg11[%dma_start3A_149, %dma_start3A_150, %dma_start3A_151] : memref<2x32x128xf32, #tpu.memory_space<vmem>> -> memref<1x32x128xf32, #tpu.memory_space<vmem>>
          %dma_start3A_153 = tpu.memref_squeeze %dma_start3A_152 : memref<1x32x128xf32, #tpu.memory_space<vmem>> -> memref<32x128xf32, #tpu.memory_space<vmem>>
          %dma_start3A_154 = tpu.memref_slice %arg9[%mul3A_148] : memref<320xi32, #tpu.memory_space<vmem>> -> memref<32xi32, #tpu.memory_space<vmem>>
          %dma_start3A_155 = arith.constant 0 : i32
          %dma_start3A_156 = arith.constant 0 : i32
          %dma_start3A_157 = tpu.memref_slice %arg12[%dma_start3A_155, %dma_start3A_156] : memref<5016x128xf32, #tpu.memory_space<vmem_shared>> -> memref<5016x128xf32, #tpu.memory_space<vmem_shared>>
          tpu.enqueue_indirect_dma source(%dma_start3A_157 : memref<5016x128xf32, #tpu.memory_space<vmem_shared>>) target(%dma_start3A_153 : memref<32x128xf32, #tpu.memory_space<vmem>>) offsets(%dma_start3A_154 : memref<32xi32, #tpu.memory_space<vmem>>) semaphore(%arg15 : memref<!tpu.dma_semaphore, #tpu.memory_space<semaphore_mem>>)
        } else {
        }
        %mul3A_122 = arith.constant 2 : i32
        %mul3A_123 = arith.muli %mul3A_122, %scan3A_97 : i32
        %add3A_124 = arith.constant 1 : i32
        %add3A_125 = arith.addi %mul3A_123, %add3A_124 : i32
        %mul3A_126 = arith.constant 32 : i32
        %mul3A_127 = arith.muli %add3A_125, %mul3A_126 : i32
        %dma_wait3A_128 = arith.constant 1 : i32
        %dma_wait3A_129 = arith.constant 0 : i32
        %dma_wait3A_130 = arith.constant 0 : i32
        %dma_wait3A_131 = tpu.memref_slice %arg11[%dma_wait3A_128, %dma_wait3A_129, %dma_wait3A_130] : memref<2x32x128xf32, #tpu.memory_space<vmem>> -> memref<1x32x128xf32, #tpu.memory_space<vmem>>
        %dma_wait3A_132 = tpu.memref_squeeze %dma_wait3A_131 : memref<1x32x128xf32, #tpu.memory_space<vmem>> -> memref<32x128xf32, #tpu.memory_space<vmem>>
        %dma_wait3A_133 = tpu.memref_slice %arg9[%mul3A_127] : memref<320xi32, #tpu.memory_space<vmem>> -> memref<32xi32, #tpu.memory_space<vmem>>
        %dma_wait3A_134 = arith.constant 0 : i32
        %dma_wait3A_135 = arith.constant 0 : i32
        %dma_wait3A_136 = tpu.memref_slice %arg12[%dma_wait3A_134, %dma_wait3A_135] : memref<5016x128xf32, #tpu.memory_space<vmem_shared>> -> memref<5016x128xf32, #tpu.memory_space<vmem_shared>>
        tpu.wait_indirect_dma semaphore(%arg15 : memref<!tpu.dma_semaphore, #tpu.memory_space<semaphore_mem>>) src(%dma_wait3A_136 : memref<5016x128xf32, #tpu.memory_space<vmem_shared>>) dst(%dma_wait3A_132 : memref<32x128xf32, #tpu.memory_space<vmem>>)
        %mul3A_137 = arith.constant 32 : i32
        %mul3A_138 = arith.muli %add3A_125, %mul3A_137 : i32
        %run_scoped3A_139 = arith.constant 1 : i32
        "tpu.region"() ({
          %run_scoped3A_147 = tpu.sem_alloc : memref<!tpu.dma_semaphore, #tpu.memory_space<semaphore_mem>>
          %dma_start3A_148 = arith.constant 0 : i32
          %dma_start3A_149 = arith.constant 0 : i32
          %dma_start3A_150 = tpu.memref_slice %arg11[%run_scoped3A_139, %dma_start3A_148, %dma_start3A_149] : memref<2x32x128xf32, #tpu.memory_space<vmem>> -> memref<1x32x128xf32, #tpu.memory_space<vmem>>
          %dma_start3A_151 = tpu.memref_squeeze %dma_start3A_150 : memref<1x32x128xf32, #tpu.memory_space<vmem>> -> memref<32x128xf32, #tpu.memory_space<vmem>>
          %dma_start3A_152 = tpu.memref_slice %arg10[%mul3A_138] : memref<320xi32, #tpu.memory_space<vmem>> -> memref<32xi32, #tpu.memory_space<vmem>>
          %dma_start3A_153 = arith.constant 0 : i32
          %dma_start3A_154 = arith.constant 0 : i32
          %dma_start3A_155 = tpu.memref_slice %arg13[%dma_start3A_153, %dma_start3A_154] : memref<10112x128xf32, #tpu.memory_space<vmem_shared>> -> memref<10112x128xf32, #tpu.memory_space<vmem_shared>>
          tpu.enqueue_indirect_dma source(%dma_start3A_151 : memref<32x128xf32, #tpu.memory_space<vmem>>) target(%dma_start3A_155 : memref<10112x128xf32, #tpu.memory_space<vmem_shared>>) offsets(%dma_start3A_152 : memref<32xi32, #tpu.memory_space<vmem>>) semaphore(%run_scoped3A_147 : memref<!tpu.dma_semaphore, #tpu.memory_space<semaphore_mem>>) {add = true}
          %dma_wait3A_156 = arith.constant 0 : i32
          %dma_wait3A_157 = arith.constant 0 : i32
          %dma_wait3A_158 = tpu.memref_slice %arg11[%run_scoped3A_139, %dma_wait3A_156, %dma_wait3A_157] : memref<2x32x128xf32, #tpu.memory_space<vmem>> -> memref<1x32x128xf32, #tpu.memory_space<vmem>>
          %dma_wait3A_159 = tpu.memref_squeeze %dma_wait3A_158 : memref<1x32x128xf32, #tpu.memory_space<vmem>> -> memref<32x128xf32, #tpu.memory_space<vmem>>
          %dma_wait3A_160 = tpu.memref_slice %arg10[%mul3A_138] : memref<320xi32, #tpu.memory_space<vmem>> -> memref<32xi32, #tpu.memory_space<vmem>>
          %dma_wait3A_161 = arith.constant 0 : i32
          %dma_wait3A_162 = arith.constant 0 : i32
          %dma_wait3A_163 = tpu.memref_slice %arg13[%dma_wait3A_161, %dma_wait3A_162] : memref<10112x128xf32, #tpu.memory_space<vmem_shared>> -> memref<10112x128xf32, #tpu.memory_space<vmem_shared>>
          tpu.wait_indirect_dma semaphore(%run_scoped3A_147 : memref<!tpu.dma_semaphore, #tpu.memory_space<semaphore_mem>>) src(%dma_wait3A_159 : memref<32x128xf32, #tpu.memory_space<vmem>>) dst(%dma_wait3A_163 : memref<10112x128xf32, #tpu.memory_space<vmem_shared>>)
          tpu.yield
        }) : () -> ()
        %add3A_140 = arith.constant 1 : i32
        %add3A_141 = arith.addi %add3A_125, %add3A_140 : i32
        %lt3A_142 = arith.constant 10 : i32
        %lt3A_143 = arith.cmpi slt, %add3A_141, %lt3A_142 : i32
        %convert_element_type3A_144 = arith.extui %lt3A_143 : i1 to i32
        %cond3A_145 = arith.constant 0 : i32
        %cond3A_146 = arith.cmpi ne, %convert_element_type3A_144, %cond3A_145 : i32
        scf.if %cond3A_146 {
          %mul3A_147 = arith.constant 32 : i32
          %mul3A_148 = arith.muli %add3A_141, %mul3A_147 : i32
          %dma_start3A_149 = arith.constant 0 : i32
          %dma_start3A_150 = arith.constant 0 : i32
          %dma_start3A_151 = arith.constant 0 : i32
          %dma_start3A_152 = tpu.memref_slice %arg11[%dma_start3A_149, %dma_start3A_150, %dma_start3A_151] : memref<2x32x128xf32, #tpu.memory_space<vmem>> -> memref<1x32x128xf32, #tpu.memory_space<vmem>>
          %dma_start3A_153 = tpu.memref_squeeze %dma_start3A_152 : memref<1x32x128xf32, #tpu.memory_space<vmem>> -> memref<32x128xf32, #tpu.memory_space<vmem>>
          %dma_start3A_154 = tpu.memref_slice %arg9[%mul3A_148] : memref<320xi32, #tpu.memory_space<vmem>> -> memref<32xi32, #tpu.memory_space<vmem>>
          %dma_start3A_155 = arith.constant 0 : i32
          %dma_start3A_156 = arith.constant 0 : i32
          %dma_start3A_157 = tpu.memref_slice %arg12[%dma_start3A_155, %dma_start3A_156] : memref<5016x128xf32, #tpu.memory_space<vmem_shared>> -> memref<5016x128xf32, #tpu.memory_space<vmem_shared>>
          tpu.enqueue_indirect_dma source(%dma_start3A_157 : memref<5016x128xf32, #tpu.memory_space<vmem_shared>>) target(%dma_start3A_153 : memref<32x128xf32, #tpu.memory_space<vmem>>) offsets(%dma_start3A_154 : memref<32xi32, #tpu.memory_space<vmem>>) semaphore(%arg14 : memref<!tpu.dma_semaphore, #tpu.memory_space<semaphore_mem>>)
        } else {
        }
      }
      %scan3A_96 = arith.constant 5 : i32
    }
    %scan3A_23 = arith.constant 32 : i32
    %barrier3A_24 = arith.constant 0 : index
    tpu.barrier barrier_id(%barrier3A_24)
    %mul3A_25 = arith.constant 632 : i32
    %mul3A_26 = arith.muli %arg1, %mul3A_25 : i32
    %mul3A_27 = arith.constant 10112 : i32
    %mul3A_28 = arith.muli %arg0, %mul3A_27 : i32
    %mul3A_29 = arith.constant 632 : i32
    %mul3A_30 = arith.muli %arg1, %mul3A_29 : i32
    %add3A_31 = arith.addi %mul3A_28, %mul3A_30 : i32
    "tpu.region"() ({
      %run_scoped3A = tpu.sem_alloc : memref<!tpu.dma_semaphore, #tpu.memory_space<semaphore_mem>>
      %dma_start3A_32 = arith.constant 0 : i32
      %dma_start3A_33 = tpu.memref_slice %arg6[%add3A_31, %dma_start3A_32] : memref<20224x128xf32, #tpu.memory_space<hbm>> -> memref<632x128xf32, #tpu.memory_space<hbm>>
      %dma_start3A_34 = arith.constant 0 : i32
      %dma_start3A_35 = tpu.memref_slice %arg13[%mul3A_26, %dma_start3A_34] : memref<10112x128xf32, #tpu.memory_space<vmem_shared>> -> memref<632x128xf32, #tpu.memory_space<vmem_shared>>
      tpu.enqueue_dma source(%dma_start3A_35 : memref<632x128xf32, #tpu.memory_space<vmem_shared>>) target(%dma_start3A_33 : memref<632x128xf32, #tpu.memory_space<hbm>>) target_semaphore(%run_scoped3A : memref<!tpu.dma_semaphore, #tpu.memory_space<semaphore_mem>>)
      %dma_wait3A = arith.constant 0 : i32
      %dma_wait3A_36 = tpu.memref_slice %arg6[%add3A_31, %dma_wait3A] : memref<20224x128xf32, #tpu.memory_space<hbm>> -> memref<632x128xf32, #tpu.memory_space<hbm>>
      %dma_wait3A_37 = arith.constant 0 : i32
      %dma_wait3A_38 = tpu.memref_slice %arg13[%mul3A_26, %dma_wait3A_37] : memref<10112x128xf32, #tpu.memory_space<vmem_shared>> -> memref<632x128xf32, #tpu.memory_space<vmem_shared>>
      tpu.wait_dma2 semaphore(%run_scoped3A : memref<!tpu.dma_semaphore, #tpu.memory_space<semaphore_mem>>) src(%dma_wait3A_38 : memref<632x128xf32, #tpu.memory_space<vmem_shared>>) dst(%dma_wait3A_36 : memref<632x128xf32, #tpu.memory_space<hbm>>)
      tpu.yield
    }) : () -> ()
    return
  }
}

#map = affine_map<(d0, d1) -> (0, 0)>
#map1 = affine_map<(d0, d1) -> (0)>
module attributes {stable_mosaic.version = 14 : i64} {
  func.func @segsum(%arg0: i32, %arg1: i32, %arg2: memref<10000x128xf32, #tpu.memory_space<hbm>>, %arg3: memref<655360xi32, #tpu.memory_space<hbm>>, %arg4: memref<655360xi32, #tpu.memory_space<hbm>>, %arg5: memref<632x128xf32, #tpu.memory_space<hbm>>, %arg6: memref<20224x128xf32, #tpu.memory_space<hbm>>, %arg7: memref<320xi32, #tpu.memory_space<vmem>>, %arg8: memref<320xi32, #tpu.memory_space<vmem>>, %arg9: memref<320xi32, #tpu.memory_space<vmem>>, %arg10: memref<320xi32, #tpu.memory_space<vmem>>, %arg11: memref<2x32x128xf32, #tpu.memory_space<vmem>>, %arg12: memref<5016x128xf32, #tpu.memory_space<vmem_shared>>, %arg13: memref<10112x128xf32, #tpu.memory_space<vmem_shared>>, %arg14: memref<!tpu.dma_semaphore, #tpu.memory_space<semaphore_mem>>, %arg15: memref<!tpu.dma_semaphore, #tpu.memory_space<semaphore_mem>>, %arg16: memref<!tpu.dma_semaphore, #tpu.memory_space<semaphore_mem>>, %arg17: memref<!tpu.dma_semaphore, #tpu.memory_space<semaphore_mem>>) attributes {dimension_semantics = [#tpu.dimension_semantics<core_parallel>, #tpu.dimension_semantics<subcore_parallel>], iteration_bounds = array<i64: 2, 16>, scalar_prefetch = 0 : i64, scratch_operands = 11 : i64, tpu.core_type = #tpu.core_type<sc_vector_subcore>, window_params = [{transform_indices = #map}, {transform_indices = #map1}, {transform_indices = #map1}, {transform_indices = #map}, {transform_indices = #map}]} {
    %mul3A = arith.constant 632 : i32
    %mul3A_0 = arith.muli %arg1, %mul3A : i32
    "tpu.region"() ({
      %run_scoped3A = tpu.sem_alloc : memref<!tpu.dma_semaphore, #tpu.memory_space<semaphore_mem>>
      %dma_start3A_32 = arith.constant 0 : i32
      %dma_start3A_33 = tpu.memref_slice %arg13[%mul3A_0, %dma_start3A_32] : memref<10112x128xf32, #tpu.memory_space<vmem_shared>> -> memref<632x128xf32, #tpu.memory_space<vmem_shared>>
      tpu.enqueue_dma source(%arg5 : memref<632x128xf32, #tpu.memory_space<hbm>>) target(%dma_start3A_33 : memref<632x128xf32, #tpu.memory_space<vmem_shared>>) target_semaphore(%run_scoped3A : memref<!tpu.dma_semaphore, #tpu.memory_space<semaphore_mem>>)
      %dma_wait3A = arith.constant 0 : i32
      %dma_wait3A_34 = tpu.memref_slice %arg13[%mul3A_0, %dma_wait3A] : memref<10112x128xf32, #tpu.memory_space<vmem_shared>> -> memref<632x128xf32, #tpu.memory_space<vmem_shared>>
      tpu.wait_dma2 semaphore(%run_scoped3A : memref<!tpu.dma_semaphore, #tpu.memory_space<semaphore_mem>>) src(%arg5 : memref<632x128xf32, #tpu.memory_space<hbm>>) dst(%dma_wait3A_34 : memref<632x128xf32, #tpu.memory_space<vmem_shared>>)
      tpu.yield
    }) : () -> ()
    %mul3A_1 = arith.constant 4992 : i32
    %mul3A_2 = arith.muli %arg0, %mul3A_1 : i32
    %mul3A_3 = arith.constant 312 : i32
    %mul3A_4 = arith.muli %arg1, %mul3A_3 : i32
    %add3A = arith.addi %mul3A_2, %mul3A_4 : i32
    %mul3A_5 = arith.constant 312 : i32
    %mul3A_6 = arith.muli %arg1, %mul3A_5 : i32
    "tpu.region"() ({
      %run_scoped3A = tpu.sem_alloc : memref<!tpu.dma_semaphore, #tpu.memory_space<semaphore_mem>>
      %dma_start3A_32 = arith.constant 0 : i32
      %dma_start3A_33 = tpu.memref_slice %arg12[%mul3A_6, %dma_start3A_32] : memref<5016x128xf32, #tpu.memory_space<vmem_shared>> -> memref<312x128xf32, #tpu.memory_space<vmem_shared>>
      %dma_start3A_34 = arith.constant 0 : i32
      %dma_start3A_35 = tpu.memref_slice %arg2[%add3A, %dma_start3A_34] : memref<10000x128xf32, #tpu.memory_space<hbm>> -> memref<312x128xf32, #tpu.memory_space<hbm>>
      tpu.enqueue_dma source(%dma_start3A_35 : memref<312x128xf32, #tpu.memory_space<hbm>>) target(%dma_start3A_33 : memref<312x128xf32, #tpu.memory_space<vmem_shared>>) target_semaphore(%run_scoped3A : memref<!tpu.dma_semaphore, #tpu.memory_space<semaphore_mem>>)
      %dma_wait3A = arith.constant 0 : i32
      %dma_wait3A_36 = tpu.memref_slice %arg12[%mul3A_6, %dma_wait3A] : memref<5016x128xf32, #tpu.memory_space<vmem_shared>> -> memref<312x128xf32, #tpu.memory_space<vmem_shared>>
      %dma_wait3A_37 = arith.constant 0 : i32
      %dma_wait3A_38 = tpu.memref_slice %arg2[%add3A, %dma_wait3A_37] : memref<10000x128xf32, #tpu.memory_space<hbm>> -> memref<312x128xf32, #tpu.memory_space<hbm>>
      tpu.wait_dma2 semaphore(%run_scoped3A : memref<!tpu.dma_semaphore, #tpu.memory_space<semaphore_mem>>) src(%dma_wait3A_38 : memref<312x128xf32, #tpu.memory_space<hbm>>) dst(%dma_wait3A_36 : memref<312x128xf32, #tpu.memory_space<vmem_shared>>)
      tpu.yield
    }) : () -> ()
    %eq3A = arith.constant 0 : i32
    %eq3A_7 = arith.cmpi eq, %arg1, %eq3A : i32
    %convert_element_type3A = arith.extui %eq3A_7 : i1 to i32
    %cond3A = arith.constant 0 : i32
    %cond3A_8 = arith.cmpi ne, %convert_element_type3A, %cond3A : i32
    scf.if %cond3A_8 {
      %add3A_32 = arith.constant 4992 : i32
      %add3A_33 = arith.addi %mul3A_2, %add3A_32 : i32
      "tpu.region"() ({
        %run_scoped3A = tpu.sem_alloc : memref<!tpu.dma_semaphore, #tpu.memory_space<semaphore_mem>>
        %dma_start3A_34 = arith.constant 4992 : i32
        %dma_start3A_35 = arith.constant 0 : i32
        %dma_start3A_36 = tpu.memref_slice %arg12[%dma_start3A_34, %dma_start3A_35] : memref<5016x128xf32, #tpu.memory_space<vmem_shared>> -> memref<16x128xf32, #tpu.memory_space<vmem_shared>>
        %dma_start3A_37 = arith.constant 0 : i32
        %dma_start3A_38 = tpu.memref_slice %arg2[%add3A_33, %dma_start3A_37] : memref<10000x128xf32, #tpu.memory_space<hbm>> -> memref<16x128xf32, #tpu.memory_space<hbm>>
        tpu.enqueue_dma source(%dma_start3A_38 : memref<16x128xf32, #tpu.memory_space<hbm>>) target(%dma_start3A_36 : memref<16x128xf32, #tpu.memory_space<vmem_shared>>) target_semaphore(%run_scoped3A : memref<!tpu.dma_semaphore, #tpu.memory_space<semaphore_mem>>)
        %dma_wait3A = arith.constant 4992 : i32
        %dma_wait3A_39 = arith.constant 0 : i32
        %dma_wait3A_40 = tpu.memref_slice %arg12[%dma_wait3A, %dma_wait3A_39] : memref<5016x128xf32, #tpu.memory_space<vmem_shared>> -> memref<16x128xf32, #tpu.memory_space<vmem_shared>>
        %dma_wait3A_41 = arith.constant 0 : i32
        %dma_wait3A_42 = tpu.memref_slice %arg2[%add3A_33, %dma_wait3A_41] : memref<10000x128xf32, #tpu.memory_space<hbm>> -> memref<16x128xf32, #tpu.memory_space<hbm>>
        tpu.wait_dma2 semaphore(%run_scoped3A : memref<!tpu.dma_semaphore, #tpu.memory_space<semaphore_mem>>) src(%dma_wait3A_42 : memref<16x128xf32, #tpu.memory_space<hbm>>) dst(%dma_wait3A_40 : memref<16x128xf32, #tpu.memory_space<vmem_shared>>)
        tpu.yield
      }) : () -> ()
    } else {
    }
    %barrier3A = arith.constant 0 : index
    tpu.barrier barrier_id(%barrier3A)
    %mul3A_9 = arith.constant 327680 : i32
    %mul3A_10 = arith.muli %arg0, %mul3A_9 : i32
    %mul3A_11 = arith.constant 20480 : i32
    %mul3A_12 = arith.muli %arg1, %mul3A_11 : i32
    %add3A_13 = arith.addi %mul3A_10, %mul3A_12 : i32
    %add3A_14 = arith.constant 0 : i32
    %add3A_15 = arith.addi %add3A_13, %add3A_14 : i32
    %dma_start3A = tpu.memref_slice %arg3[%add3A_15] : memref<655360xi32, #tpu.memory_space<hbm>> -> memref<320xi32, #tpu.memory_space<hbm>>
    %dma_start3A_16 = tpu.memref_slice %arg3[%add3A_15] : memref<655360xi32, #tpu.memory_space<hbm>> -> memref<320xi32, #tpu.memory_space<hbm>>
    tpu.enqueue_dma source(%dma_start3A_16 : memref<320xi32, #tpu.memory_space<hbm>>) target(%arg7 : memref<320xi32, #tpu.memory_space<vmem>>) target_semaphore(%arg16 : memref<!tpu.dma_semaphore, #tpu.memory_space<semaphore_mem>>)
    %dma_start3A_17 = tpu.memref_slice %arg4[%add3A_15] : memref<655360xi32, #tpu.memory_space<hbm>> -> memref<320xi32, #tpu.memory_space<hbm>>
    %dma_start3A_18 = tpu.memref_slice %arg4[%add3A_15] : memref<655360xi32, #tpu.memory_space<hbm>> -> memref<320xi32, #tpu.memory_space<hbm>>
    tpu.enqueue_dma source(%dma_start3A_18 : memref<320xi32, #tpu.memory_space<hbm>>) target(%arg8 : memref<320xi32, #tpu.memory_space<vmem>>) target_semaphore(%arg16 : memref<!tpu.dma_semaphore, #tpu.memory_space<semaphore_mem>>)
    %scan3A = arith.constant 0 : i32
    %scan3A_19 = arith.constant 0 : i32
    %scan3A_20 = arith.constant 32 : i32
    %scan3A_21 = arith.addi %scan3A_19, %scan3A_20 : i32
    %scan3A_22 = arith.constant 1 : i32
    scf.for %scan3A_32 = %scan3A_19 to %scan3A_21 step %scan3A_22  : i32 {
      %mul3A_33 = arith.constant 2 : i32
      %mul3A_34 = arith.muli %mul3A_33, %scan3A_32 : i32
      %mul3A_35 = arith.constant 320 : i32
      %mul3A_36 = arith.muli %mul3A_34, %mul3A_35 : i32
      %add3A_37 = arith.addi %add3A_13, %mul3A_36 : i32
      %dma_wait3A = tpu.memref_slice %arg3[%add3A_37] : memref<655360xi32, #tpu.memory_space<hbm>> -> memref<320xi32, #tpu.memory_space<hbm>>
      %dma_wait3A_38 = tpu.memref_slice %arg3[%add3A_37] : memref<655360xi32, #tpu.memory_space<hbm>> -> memref<320xi32, #tpu.memory_space<hbm>>
      tpu.wait_dma2 semaphore(%arg16 : memref<!tpu.dma_semaphore, #tpu.memory_space<semaphore_mem>>) src(%dma_wait3A_38 : memref<320xi32, #tpu.memory_space<hbm>>) dst(%arg7 : memref<320xi32, #tpu.memory_space<vmem>>)
      %dma_wait3A_39 = tpu.memref_slice %arg4[%add3A_37] : memref<655360xi32, #tpu.memory_space<hbm>> -> memref<320xi32, #tpu.memory_space<hbm>>
      %dma_wait3A_40 = tpu.memref_slice %arg4[%add3A_37] : memref<655360xi32, #tpu.memory_space<hbm>> -> memref<320xi32, #tpu.memory_space<hbm>>
      tpu.wait_dma2 semaphore(%arg16 : memref<!tpu.dma_semaphore, #tpu.memory_space<semaphore_mem>>) src(%dma_wait3A_40 : memref<320xi32, #tpu.memory_space<hbm>>) dst(%arg8 : memref<320xi32, #tpu.memory_space<vmem>>)
      %add3A_41 = arith.constant 1 : i32
      %add3A_42 = arith.addi %mul3A_34, %add3A_41 : i32
      %mul3A_43 = arith.constant 320 : i32
      %mul3A_44 = arith.muli %add3A_42, %mul3A_43 : i32
      %add3A_45 = arith.addi %add3A_13, %mul3A_44 : i32
      %dma_start3A_46 = tpu.memref_slice %arg3[%add3A_45] : memref<655360xi32, #tpu.memory_space<hbm>> -> memref<320xi32, #tpu.memory_space<hbm>>
      %dma_start3A_47 = tpu.memref_slice %arg3[%add3A_45] : memref<655360xi32, #tpu.memory_space<hbm>> -> memref<320xi32, #tpu.memory_space<hbm>>
      tpu.enqueue_dma source(%dma_start3A_47 : memref<320xi32, #tpu.memory_space<hbm>>) target(%arg9 : memref<320xi32, #tpu.memory_space<vmem>>) target_semaphore(%arg17 : memref<!tpu.dma_semaphore, #tpu.memory_space<semaphore_mem>>)
      %dma_start3A_48 = tpu.memref_slice %arg4[%add3A_45] : memref<655360xi32, #tpu.memory_space<hbm>> -> memref<320xi32, #tpu.memory_space<hbm>>
      %dma_start3A_49 = tpu.memref_slice %arg4[%add3A_45] : memref<655360xi32, #tpu.memory_space<hbm>> -> memref<320xi32, #tpu.memory_space<hbm>>
      tpu.enqueue_dma source(%dma_start3A_49 : memref<320xi32, #tpu.memory_space<hbm>>) target(%arg10 : memref<320xi32, #tpu.memory_space<vmem>>) target_semaphore(%arg17 : memref<!tpu.dma_semaphore, #tpu.memory_space<semaphore_mem>>)
      %dma_start3A_50 = arith.constant 0 : i32
      %dma_start3A_51 = arith.constant 0 : i32
      %dma_start3A_52 = arith.constant 0 : i32
      %dma_start3A_53 = tpu.memref_slice %arg11[%dma_start3A_50, %dma_start3A_51, %dma_start3A_52] : memref<2x32x128xf32, #tpu.memory_space<vmem>> -> memref<1x32x128xf32, #tpu.memory_space<vmem>>
      %dma_start3A_54 = tpu.memref_squeeze %dma_start3A_53 : memref<1x32x128xf32, #tpu.memory_space<vmem>> -> memref<32x128xf32, #tpu.memory_space<vmem>>
      %dma_start3A_55 = arith.constant 0 : i32
      %dma_start3A_56 = tpu.memref_slice %arg7[%dma_start3A_55] : memref<320xi32, #tpu.memory_space<vmem>> -> memref<32xi32, #tpu.memory_space<vmem>>
      %dma_start3A_57 = arith.constant 0 : i32
      %dma_start3A_58 = arith.constant 0 : i32
      %dma_start3A_59 = tpu.memref_slice %arg12[%dma_start3A_57, %dma_start3A_58] : memref<5016x128xf32, #tpu.memory_space<vmem_shared>> -> memref<5016x128xf32, #tpu.memory_space<vmem_shared>>
      tpu.enqueue_indirect_dma source(%dma_start3A_59 : memref<5016x128xf32, #tpu.memory_space<vmem_shared>>) target(%dma_start3A_54 : memref<32x128xf32, #tpu.memory_space<vmem>>) offsets(%dma_start3A_56 : memref<32xi32, #tpu.memory_space<vmem>>) semaphore(%arg14 : memref<!tpu.dma_semaphore, #tpu.memory_space<semaphore_mem>>)
      %scan3A_60 = arith.constant 0 : i32
      %scan3A_61 = arith.constant 0 : i32
      %scan3A_62 = arith.constant 5 : i32
      %scan3A_63 = arith.addi %scan3A_61, %scan3A_62 : i32
      %scan3A_64 = arith.constant 1 : i32
      scf.for %scan3A_97 = %scan3A_61 to %scan3A_63 step %scan3A_64  : i32 {
        %mul3A_98 = arith.constant 2 : i32
        %mul3A_99 = arith.muli %mul3A_98, %scan3A_97 : i32
        %add3A_100 = arith.constant 0 : i32
        %add3A_101 = arith.addi %mul3A_99, %add3A_100 : i32
        %mul3A_102 = arith.constant 32 : i32
        %mul3A_103 = arith.muli %add3A_101, %mul3A_102 : i32
        %dma_wait3A_104 = arith.constant 0 : i32
        %dma_wait3A_105 = arith.constant 0 : i32
        %dma_wait3A_106 = arith.constant 0 : i32
        %dma_wait3A_107 = tpu.memref_slice %arg11[%dma_wait3A_104, %dma_wait3A_105, %dma_wait3A_106] : memref<2x32x128xf32, #tpu.memory_space<vmem>> -> memref<1x32x128xf32, #tpu.memory_space<vmem>>
        %dma_wait3A_108 = tpu.memref_squeeze %dma_wait3A_107 : memref<1x32x128xf32, #tpu.memory_space<vmem>> -> memref<32x128xf32, #tpu.memory_space<vmem>>
        %dma_wait3A_109 = tpu.memref_slice %arg7[%mul3A_103] : memref<320xi32, #tpu.memory_space<vmem>> -> memref<32xi32, #tpu.memory_space<vmem>>
        %dma_wait3A_110 = arith.constant 0 : i32
        %dma_wait3A_111 = arith.constant 0 : i32
        %dma_wait3A_112 = tpu.memref_slice %arg12[%dma_wait3A_110, %dma_wait3A_111] : memref<5016x128xf32, #tpu.memory_space<vmem_shared>> -> memref<5016x128xf32, #tpu.memory_space<vmem_shared>>
        tpu.wait_indirect_dma semaphore(%arg14 : memref<!tpu.dma_semaphore, #tpu.memory_space<semaphore_mem>>) src(%dma_wait3A_112 : memref<5016x128xf32, #tpu.memory_space<vmem_shared>>) dst(%dma_wait3A_108 : memref<32x128xf32, #tpu.memory_space<vmem>>)
        %mul3A_113 = arith.constant 32 : i32
        %mul3A_114 = arith.muli %add3A_101, %mul3A_113 : i32
        %run_scoped3A = arith.constant 0 : i32
        "tpu.region"() ({
          %run_scoped3A_147 = tpu.sem_alloc : memref<!tpu.dma_semaphore, #tpu.memory_space<semaphore_mem>>
          %dma_start3A_148 = arith.constant 0 : i32
          %dma_start3A_149 = arith.constant 0 : i32
          %dma_start3A_150 = tpu.memref_slice %arg11[%run_scoped3A, %dma_start3A_148, %dma_start3A_149] : memref<2x32x128xf32, #tpu.memory_space<vmem>> -> memref<1x32x128xf32, #tpu.memory_space<vmem>>
          %dma_start3A_151 = tpu.memref_squeeze %dma_start3A_150 : memref<1x32x128xf32, #tpu.memory_space<vmem>> -> memref<32x128xf32, #tpu.memory_space<vmem>>
          %dma_start3A_152 = tpu.memref_slice %arg8[%mul3A_114] : memref<320xi32, #tpu.memory_space<vmem>> -> memref<32xi32, #tpu.memory_space<vmem>>
          %dma_start3A_153 = arith.constant 0 : i32
          %dma_start3A_154 = arith.constant 0 : i32
          %dma_start3A_155 = tpu.memref_slice %arg13[%dma_start3A_153, %dma_start3A_154] : memref<10112x128xf32, #tpu.memory_space<vmem_shared>> -> memref<10112x128xf32, #tpu.memory_space<vmem_shared>>
          tpu.enqueue_indirect_dma source(%dma_start3A_151 : memref<32x128xf32, #tpu.memory_space<vmem>>) target(%dma_start3A_155 : memref<10112x128xf32, #tpu.memory_space<vmem_shared>>) offsets(%dma_start3A_152 : memref<32xi32, #tpu.memory_space<vmem>>) semaphore(%run_scoped3A_147 : memref<!tpu.dma_semaphore, #tpu.memory_space<semaphore_mem>>) {add = true}
          %dma_wait3A_156 = arith.constant 0 : i32
          %dma_wait3A_157 = arith.constant 0 : i32
          %dma_wait3A_158 = tpu.memref_slice %arg11[%run_scoped3A, %dma_wait3A_156, %dma_wait3A_157] : memref<2x32x128xf32, #tpu.memory_space<vmem>> -> memref<1x32x128xf32, #tpu.memory_space<vmem>>
          %dma_wait3A_159 = tpu.memref_squeeze %dma_wait3A_158 : memref<1x32x128xf32, #tpu.memory_space<vmem>> -> memref<32x128xf32, #tpu.memory_space<vmem>>
          %dma_wait3A_160 = tpu.memref_slice %arg8[%mul3A_114] : memref<320xi32, #tpu.memory_space<vmem>> -> memref<32xi32, #tpu.memory_space<vmem>>
          %dma_wait3A_161 = arith.constant 0 : i32
          %dma_wait3A_162 = arith.constant 0 : i32
          %dma_wait3A_163 = tpu.memref_slice %arg13[%dma_wait3A_161, %dma_wait3A_162] : memref<10112x128xf32, #tpu.memory_space<vmem_shared>> -> memref<10112x128xf32, #tpu.memory_space<vmem_shared>>
          tpu.wait_indirect_dma semaphore(%run_scoped3A_147 : memref<!tpu.dma_semaphore, #tpu.memory_space<semaphore_mem>>) src(%dma_wait3A_159 : memref<32x128xf32, #tpu.memory_space<vmem>>) dst(%dma_wait3A_163 : memref<10112x128xf32, #tpu.memory_space<vmem_shared>>)
          tpu.yield
        }) : () -> ()
        %add3A_115 = arith.constant 1 : i32
        %add3A_116 = arith.addi %add3A_101, %add3A_115 : i32
        %lt3A_117 = arith.constant 10 : i32
        %lt3A_118 = arith.cmpi slt, %add3A_116, %lt3A_117 : i32
        %convert_element_type3A_119 = arith.extui %lt3A_118 : i1 to i32
        %cond3A_120 = arith.constant 0 : i32
        %cond3A_121 = arith.cmpi ne, %convert_element_type3A_119, %cond3A_120 : i32
        scf.if %cond3A_121 {
          %mul3A_147 = arith.constant 32 : i32
          %mul3A_148 = arith.muli %add3A_116, %mul3A_147 : i32
          %dma_start3A_149 = arith.constant 1 : i32
          %dma_start3A_150 = arith.constant 0 : i32
          %dma_start3A_151 = arith.constant 0 : i32
          %dma_start3A_152 = tpu.memref_slice %arg11[%dma_start3A_149, %dma_start3A_150, %dma_start3A_151] : memref<2x32x128xf32, #tpu.memory_space<vmem>> -> memref<1x32x128xf32, #tpu.memory_space<vmem>>
          %dma_start3A_153 = tpu.memref_squeeze %dma_start3A_152 : memref<1x32x128xf32, #tpu.memory_space<vmem>> -> memref<32x128xf32, #tpu.memory_space<vmem>>
          %dma_start3A_154 = tpu.memref_slice %arg7[%mul3A_148] : memref<320xi32, #tpu.memory_space<vmem>> -> memref<32xi32, #tpu.memory_space<vmem>>
          %dma_start3A_155 = arith.constant 0 : i32
          %dma_start3A_156 = arith.constant 0 : i32
          %dma_start3A_157 = tpu.memref_slice %arg12[%dma_start3A_155, %dma_start3A_156] : memref<5016x128xf32, #tpu.memory_space<vmem_shared>> -> memref<5016x128xf32, #tpu.memory_space<vmem_shared>>
          tpu.enqueue_indirect_dma source(%dma_start3A_157 : memref<5016x128xf32, #tpu.memory_space<vmem_shared>>) target(%dma_start3A_153 : memref<32x128xf32, #tpu.memory_space<vmem>>) offsets(%dma_start3A_154 : memref<32xi32, #tpu.memory_space<vmem>>) semaphore(%arg15 : memref<!tpu.dma_semaphore, #tpu.memory_space<semaphore_mem>>)
        } else {
        }
        %mul3A_122 = arith.constant 2 : i32
        %mul3A_123 = arith.muli %mul3A_122, %scan3A_97 : i32
        %add3A_124 = arith.constant 1 : i32
        %add3A_125 = arith.addi %mul3A_123, %add3A_124 : i32
        %mul3A_126 = arith.constant 32 : i32
        %mul3A_127 = arith.muli %add3A_125, %mul3A_126 : i32
        %dma_wait3A_128 = arith.constant 1 : i32
        %dma_wait3A_129 = arith.constant 0 : i32
        %dma_wait3A_130 = arith.constant 0 : i32
        %dma_wait3A_131 = tpu.memref_slice %arg11[%dma_wait3A_128, %dma_wait3A_129, %dma_wait3A_130] : memref<2x32x128xf32, #tpu.memory_space<vmem>> -> memref<1x32x128xf32, #tpu.memory_space<vmem>>
        %dma_wait3A_132 = tpu.memref_squeeze %dma_wait3A_131 : memref<1x32x128xf32, #tpu.memory_space<vmem>> -> memref<32x128xf32, #tpu.memory_space<vmem>>
        %dma_wait3A_133 = tpu.memref_slice %arg7[%mul3A_127] : memref<320xi32, #tpu.memory_space<vmem>> -> memref<32xi32, #tpu.memory_space<vmem>>
        %dma_wait3A_134 = arith.constant 0 : i32
        %dma_wait3A_135 = arith.constant 0 : i32
        %dma_wait3A_136 = tpu.memref_slice %arg12[%dma_wait3A_134, %dma_wait3A_135] : memref<5016x128xf32, #tpu.memory_space<vmem_shared>> -> memref<5016x128xf32, #tpu.memory_space<vmem_shared>>
        tpu.wait_indirect_dma semaphore(%arg15 : memref<!tpu.dma_semaphore, #tpu.memory_space<semaphore_mem>>) src(%dma_wait3A_136 : memref<5016x128xf32, #tpu.memory_space<vmem_shared>>) dst(%dma_wait3A_132 : memref<32x128xf32, #tpu.memory_space<vmem>>)
        %mul3A_137 = arith.constant 32 : i32
        %mul3A_138 = arith.muli %add3A_125, %mul3A_137 : i32
        %run_scoped3A_139 = arith.constant 1 : i32
        "tpu.region"() ({
          %run_scoped3A_147 = tpu.sem_alloc : memref<!tpu.dma_semaphore, #tpu.memory_space<semaphore_mem>>
          %dma_start3A_148 = arith.constant 0 : i32
          %dma_start3A_149 = arith.constant 0 : i32
          %dma_start3A_150 = tpu.memref_slice %arg11[%run_scoped3A_139, %dma_start3A_148, %dma_start3A_149] : memref<2x32x128xf32, #tpu.memory_space<vmem>> -> memref<1x32x128xf32, #tpu.memory_space<vmem>>
          %dma_start3A_151 = tpu.memref_squeeze %dma_start3A_150 : memref<1x32x128xf32, #tpu.memory_space<vmem>> -> memref<32x128xf32, #tpu.memory_space<vmem>>
          %dma_start3A_152 = tpu.memref_slice %arg8[%mul3A_138] : memref<320xi32, #tpu.memory_space<vmem>> -> memref<32xi32, #tpu.memory_space<vmem>>
          %dma_start3A_153 = arith.constant 0 : i32
          %dma_start3A_154 = arith.constant 0 : i32
          %dma_start3A_155 = tpu.memref_slice %arg13[%dma_start3A_153, %dma_start3A_154] : memref<10112x128xf32, #tpu.memory_space<vmem_shared>> -> memref<10112x128xf32, #tpu.memory_space<vmem_shared>>
          tpu.enqueue_indirect_dma source(%dma_start3A_151 : memref<32x128xf32, #tpu.memory_space<vmem>>) target(%dma_start3A_155 : memref<10112x128xf32, #tpu.memory_space<vmem_shared>>) offsets(%dma_start3A_152 : memref<32xi32, #tpu.memory_space<vmem>>) semaphore(%run_scoped3A_147 : memref<!tpu.dma_semaphore, #tpu.memory_space<semaphore_mem>>) {add = true}
          %dma_wait3A_156 = arith.constant 0 : i32
          %dma_wait3A_157 = arith.constant 0 : i32
          %dma_wait3A_158 = tpu.memref_slice %arg11[%run_scoped3A_139, %dma_wait3A_156, %dma_wait3A_157] : memref<2x32x128xf32, #tpu.memory_space<vmem>> -> memref<1x32x128xf32, #tpu.memory_space<vmem>>
          %dma_wait3A_159 = tpu.memref_squeeze %dma_wait3A_158 : memref<1x32x128xf32, #tpu.memory_space<vmem>> -> memref<32x128xf32, #tpu.memory_space<vmem>>
          %dma_wait3A_160 = tpu.memref_slice %arg8[%mul3A_138] : memref<320xi32, #tpu.memory_space<vmem>> -> memref<32xi32, #tpu.memory_space<vmem>>
          %dma_wait3A_161 = arith.constant 0 : i32
          %dma_wait3A_162 = arith.constant 0 : i32
          %dma_wait3A_163 = tpu.memref_slice %arg13[%dma_wait3A_161, %dma_wait3A_162] : memref<10112x128xf32, #tpu.memory_space<vmem_shared>> -> memref<10112x128xf32, #tpu.memory_space<vmem_shared>>
          tpu.wait_indirect_dma semaphore(%run_scoped3A_147 : memref<!tpu.dma_semaphore, #tpu.memory_space<semaphore_mem>>) src(%dma_wait3A_159 : memref<32x128xf32, #tpu.memory_space<vmem>>) dst(%dma_wait3A_163 : memref<10112x128xf32, #tpu.memory_space<vmem_shared>>)
          tpu.yield
        }) : () -> ()
        %add3A_140 = arith.constant 1 : i32
        %add3A_141 = arith.addi %add3A_125, %add3A_140 : i32
        %lt3A_142 = arith.constant 10 : i32
        %lt3A_143 = arith.cmpi slt, %add3A_141, %lt3A_142 : i32
        %convert_element_type3A_144 = arith.extui %lt3A_143 : i1 to i32
        %cond3A_145 = arith.constant 0 : i32
        %cond3A_146 = arith.cmpi ne, %convert_element_type3A_144, %cond3A_145 : i32
        scf.if %cond3A_146 {
          %mul3A_147 = arith.constant 32 : i32
          %mul3A_148 = arith.muli %add3A_141, %mul3A_147 : i32
          %dma_start3A_149 = arith.constant 0 : i32
          %dma_start3A_150 = arith.constant 0 : i32
          %dma_start3A_151 = arith.constant 0 : i32
          %dma_start3A_152 = tpu.memref_slice %arg11[%dma_start3A_149, %dma_start3A_150, %dma_start3A_151] : memref<2x32x128xf32, #tpu.memory_space<vmem>> -> memref<1x32x128xf32, #tpu.memory_space<vmem>>
          %dma_start3A_153 = tpu.memref_squeeze %dma_start3A_152 : memref<1x32x128xf32, #tpu.memory_space<vmem>> -> memref<32x128xf32, #tpu.memory_space<vmem>>
          %dma_start3A_154 = tpu.memref_slice %arg7[%mul3A_148] : memref<320xi32, #tpu.memory_space<vmem>> -> memref<32xi32, #tpu.memory_space<vmem>>
          %dma_start3A_155 = arith.constant 0 : i32
          %dma_start3A_156 = arith.constant 0 : i32
          %dma_start3A_157 = tpu.memref_slice %arg12[%dma_start3A_155, %dma_start3A_156] : memref<5016x128xf32, #tpu.memory_space<vmem_shared>> -> memref<5016x128xf32, #tpu.memory_space<vmem_shared>>
          tpu.enqueue_indirect_dma source(%dma_start3A_157 : memref<5016x128xf32, #tpu.memory_space<vmem_shared>>) target(%dma_start3A_153 : memref<32x128xf32, #tpu.memory_space<vmem>>) offsets(%dma_start3A_154 : memref<32xi32, #tpu.memory_space<vmem>>) semaphore(%arg14 : memref<!tpu.dma_semaphore, #tpu.memory_space<semaphore_mem>>)
        } else {
        }
      }
      %scan3A_65 = arith.constant 5 : i32
      %add3A_66 = arith.constant 1 : i32
      %add3A_67 = arith.addi %mul3A_34, %add3A_66 : i32
      %mul3A_68 = arith.constant 320 : i32
      %mul3A_69 = arith.muli %add3A_67, %mul3A_68 : i32
      %add3A_70 = arith.addi %add3A_13, %mul3A_69 : i32
      %dma_wait3A_71 = tpu.memref_slice %arg3[%add3A_70] : memref<655360xi32, #tpu.memory_space<hbm>> -> memref<320xi32, #tpu.memory_space<hbm>>
      %dma_wait3A_72 = tpu.memref_slice %arg3[%add3A_70] : memref<655360xi32, #tpu.memory_space<hbm>> -> memref<320xi32, #tpu.memory_space<hbm>>
      tpu.wait_dma2 semaphore(%arg17 : memref<!tpu.dma_semaphore, #tpu.memory_space<semaphore_mem>>) src(%dma_wait3A_72 : memref<320xi32, #tpu.memory_space<hbm>>) dst(%arg9 : memref<320xi32, #tpu.memory_space<vmem>>)
      %dma_wait3A_73 = tpu.memref_slice %arg4[%add3A_70] : memref<655360xi32, #tpu.memory_space<hbm>> -> memref<320xi32, #tpu.memory_space<hbm>>
      %dma_wait3A_74 = tpu.memref_slice %arg4[%add3A_70] : memref<655360xi32, #tpu.memory_space<hbm>> -> memref<320xi32, #tpu.memory_space<hbm>>
      tpu.wait_dma2 semaphore(%arg17 : memref<!tpu.dma_semaphore, #tpu.memory_space<semaphore_mem>>) src(%dma_wait3A_74 : memref<320xi32, #tpu.memory_space<hbm>>) dst(%arg10 : memref<320xi32, #tpu.memory_space<vmem>>)
      %add3A_75 = arith.constant 2 : i32
      %add3A_76 = arith.addi %mul3A_34, %add3A_75 : i32
      %lt3A = arith.constant 64 : i32
      %lt3A_77 = arith.cmpi slt, %add3A_76, %lt3A : i32
      %convert_element_type3A_78 = arith.extui %lt3A_77 : i1 to i32
      %cond3A_79 = arith.constant 0 : i32
      %cond3A_80 = arith.cmpi ne, %convert_element_type3A_78, %cond3A_79 : i32
      scf.if %cond3A_80 {
        %add3A_97 = arith.constant 2 : i32
        %add3A_98 = arith.addi %mul3A_34, %add3A_97 : i32
        %mul3A_99 = arith.constant 320 : i32
        %mul3A_100 = arith.muli %add3A_98, %mul3A_99 : i32
        %add3A_101 = arith.addi %add3A_13, %mul3A_100 : i32
        %dma_start3A_102 = tpu.memref_slice %arg3[%add3A_101] : memref<655360xi32, #tpu.memory_space<hbm>> -> memref<320xi32, #tpu.memory_space<hbm>>
        %dma_start3A_103 = tpu.memref_slice %arg3[%add3A_101] : memref<655360xi32, #tpu.memory_space<hbm>> -> memref<320xi32, #tpu.memory_space<hbm>>
        tpu.enqueue_dma source(%dma_start3A_103 : memref<320xi32, #tpu.memory_space<hbm>>) target(%arg7 : memref<320xi32, #tpu.memory_space<vmem>>) target_semaphore(%arg16 : memref<!tpu.dma_semaphore, #tpu.memory_space<semaphore_mem>>)
        %dma_start3A_104 = tpu.memref_slice %arg4[%add3A_101] : memref<655360xi32, #tpu.memory_space<hbm>> -> memref<320xi32, #tpu.memory_space<hbm>>
        %dma_start3A_105 = tpu.memref_slice %arg4[%add3A_101] : memref<655360xi32, #tpu.memory_space<hbm>> -> memref<320xi32, #tpu.memory_space<hbm>>
        tpu.enqueue_dma source(%dma_start3A_105 : memref<320xi32, #tpu.memory_space<hbm>>) target(%arg8 : memref<320xi32, #tpu.memory_space<vmem>>) target_semaphore(%arg16 : memref<!tpu.dma_semaphore, #tpu.memory_space<semaphore_mem>>)
      } else {
      }
      %dma_start3A_81 = arith.constant 0 : i32
      %dma_start3A_82 = arith.constant 0 : i32
      %dma_start3A_83 = arith.constant 0 : i32
      %dma_start3A_84 = tpu.memref_slice %arg11[%dma_start3A_81, %dma_start3A_82, %dma_start3A_83] : memref<2x32x128xf32, #tpu.memory_space<vmem>> -> memref<1x32x128xf32, #tpu.memory_space<vmem>>
      %dma_start3A_85 = tpu.memref_squeeze %dma_start3A_84 : memref<1x32x128xf32, #tpu.memory_space<vmem>> -> memref<32x128xf32, #tpu.memory_space<vmem>>
      %dma_start3A_86 = arith.constant 0 : i32
      %dma_start3A_87 = tpu.memref_slice %arg9[%dma_start3A_86] : memref<320xi32, #tpu.memory_space<vmem>> -> memref<32xi32, #tpu.memory_space<vmem>>
      %dma_start3A_88 = arith.constant 0 : i32
      %dma_start3A_89 = arith.constant 0 : i32
      %dma_start3A_90 = tpu.memref_slice %arg12[%dma_start3A_88, %dma_start3A_89] : memref<5016x128xf32, #tpu.memory_space<vmem_shared>> -> memref<5016x128xf32, #tpu.memory_space<vmem_shared>>
      tpu.enqueue_indirect_dma source(%dma_start3A_90 : memref<5016x128xf32, #tpu.memory_space<vmem_shared>>) target(%dma_start3A_85 : memref<32x128xf32, #tpu.memory_space<vmem>>) offsets(%dma_start3A_87 : memref<32xi32, #tpu.memory_space<vmem>>) semaphore(%arg14 : memref<!tpu.dma_semaphore, #tpu.memory_space<semaphore_mem>>)
      %scan3A_91 = arith.constant 0 : i32
      %scan3A_92 = arith.constant 0 : i32
      %scan3A_93 = arith.constant 5 : i32
      %scan3A_94 = arith.addi %scan3A_92, %scan3A_93 : i32
      %scan3A_95 = arith.constant 1 : i32
      scf.for %scan3A_97 = %scan3A_92 to %scan3A_94 step %scan3A_95  : i32 {
        %mul3A_98 = arith.constant 2 : i32
        %mul3A_99 = arith.muli %mul3A_98, %scan3A_97 : i32
        %add3A_100 = arith.constant 0 : i32
        %add3A_101 = arith.addi %mul3A_99, %add3A_100 : i32
        %mul3A_102 = arith.constant 32 : i32
        %mul3A_103 = arith.muli %add3A_101, %mul3A_102 : i32
        %dma_wait3A_104 = arith.constant 0 : i32
        %dma_wait3A_105 = arith.constant 0 : i32
        %dma_wait3A_106 = arith.constant 0 : i32
        %dma_wait3A_107 = tpu.memref_slice %arg11[%dma_wait3A_104, %dma_wait3A_105, %dma_wait3A_106] : memref<2x32x128xf32, #tpu.memory_space<vmem>> -> memref<1x32x128xf32, #tpu.memory_space<vmem>>
        %dma_wait3A_108 = tpu.memref_squeeze %dma_wait3A_107 : memref<1x32x128xf32, #tpu.memory_space<vmem>> -> memref<32x128xf32, #tpu.memory_space<vmem>>
        %dma_wait3A_109 = tpu.memref_slice %arg9[%mul3A_103] : memref<320xi32, #tpu.memory_space<vmem>> -> memref<32xi32, #tpu.memory_space<vmem>>
        %dma_wait3A_110 = arith.constant 0 : i32
        %dma_wait3A_111 = arith.constant 0 : i32
        %dma_wait3A_112 = tpu.memref_slice %arg12[%dma_wait3A_110, %dma_wait3A_111] : memref<5016x128xf32, #tpu.memory_space<vmem_shared>> -> memref<5016x128xf32, #tpu.memory_space<vmem_shared>>
        tpu.wait_indirect_dma semaphore(%arg14 : memref<!tpu.dma_semaphore, #tpu.memory_space<semaphore_mem>>) src(%dma_wait3A_112 : memref<5016x128xf32, #tpu.memory_space<vmem_shared>>) dst(%dma_wait3A_108 : memref<32x128xf32, #tpu.memory_space<vmem>>)
        %mul3A_113 = arith.constant 32 : i32
        %mul3A_114 = arith.muli %add3A_101, %mul3A_113 : i32
        %run_scoped3A = arith.constant 0 : i32
        "tpu.region"() ({
          %run_scoped3A_147 = tpu.sem_alloc : memref<!tpu.dma_semaphore, #tpu.memory_space<semaphore_mem>>
          %dma_start3A_148 = arith.constant 0 : i32
          %dma_start3A_149 = arith.constant 0 : i32
          %dma_start3A_150 = tpu.memref_slice %arg11[%run_scoped3A, %dma_start3A_148, %dma_start3A_149] : memref<2x32x128xf32, #tpu.memory_space<vmem>> -> memref<1x32x128xf32, #tpu.memory_space<vmem>>
          %dma_start3A_151 = tpu.memref_squeeze %dma_start3A_150 : memref<1x32x128xf32, #tpu.memory_space<vmem>> -> memref<32x128xf32, #tpu.memory_space<vmem>>
          %dma_start3A_152 = tpu.memref_slice %arg10[%mul3A_114] : memref<320xi32, #tpu.memory_space<vmem>> -> memref<32xi32, #tpu.memory_space<vmem>>
          %dma_start3A_153 = arith.constant 0 : i32
          %dma_start3A_154 = arith.constant 0 : i32
          %dma_start3A_155 = tpu.memref_slice %arg13[%dma_start3A_153, %dma_start3A_154] : memref<10112x128xf32, #tpu.memory_space<vmem_shared>> -> memref<10112x128xf32, #tpu.memory_space<vmem_shared>>
          tpu.enqueue_indirect_dma source(%dma_start3A_151 : memref<32x128xf32, #tpu.memory_space<vmem>>) target(%dma_start3A_155 : memref<10112x128xf32, #tpu.memory_space<vmem_shared>>) offsets(%dma_start3A_152 : memref<32xi32, #tpu.memory_space<vmem>>) semaphore(%run_scoped3A_147 : memref<!tpu.dma_semaphore, #tpu.memory_space<semaphore_mem>>) {add = true}
          %dma_wait3A_156 = arith.constant 0 : i32
          %dma_wait3A_157 = arith.constant 0 : i32
          %dma_wait3A_158 = tpu.memref_slice %arg11[%run_scoped3A, %dma_wait3A_156, %dma_wait3A_157] : memref<2x32x128xf32, #tpu.memory_space<vmem>> -> memref<1x32x128xf32, #tpu.memory_space<vmem>>
          %dma_wait3A_159 = tpu.memref_squeeze %dma_wait3A_158 : memref<1x32x128xf32, #tpu.memory_space<vmem>> -> memref<32x128xf32, #tpu.memory_space<vmem>>
          %dma_wait3A_160 = tpu.memref_slice %arg10[%mul3A_114] : memref<320xi32, #tpu.memory_space<vmem>> -> memref<32xi32, #tpu.memory_space<vmem>>
          %dma_wait3A_161 = arith.constant 0 : i32
          %dma_wait3A_162 = arith.constant 0 : i32
          %dma_wait3A_163 = tpu.memref_slice %arg13[%dma_wait3A_161, %dma_wait3A_162] : memref<10112x128xf32, #tpu.memory_space<vmem_shared>> -> memref<10112x128xf32, #tpu.memory_space<vmem_shared>>
          tpu.wait_indirect_dma semaphore(%run_scoped3A_147 : memref<!tpu.dma_semaphore, #tpu.memory_space<semaphore_mem>>) src(%dma_wait3A_159 : memref<32x128xf32, #tpu.memory_space<vmem>>) dst(%dma_wait3A_163 : memref<10112x128xf32, #tpu.memory_space<vmem_shared>>)
          tpu.yield
        }) : () -> ()
        %add3A_115 = arith.constant 1 : i32
        %add3A_116 = arith.addi %add3A_101, %add3A_115 : i32
        %lt3A_117 = arith.constant 10 : i32
        %lt3A_118 = arith.cmpi slt, %add3A_116, %lt3A_117 : i32
        %convert_element_type3A_119 = arith.extui %lt3A_118 : i1 to i32
        %cond3A_120 = arith.constant 0 : i32
        %cond3A_121 = arith.cmpi ne, %convert_element_type3A_119, %cond3A_120 : i32
        scf.if %cond3A_121 {
          %mul3A_147 = arith.constant 32 : i32
          %mul3A_148 = arith.muli %add3A_116, %mul3A_147 : i32
          %dma_start3A_149 = arith.constant 1 : i32
          %dma_start3A_150 = arith.constant 0 : i32
          %dma_start3A_151 = arith.constant 0 : i32
          %dma_start3A_152 = tpu.memref_slice %arg11[%dma_start3A_149, %dma_start3A_150, %dma_start3A_151] : memref<2x32x128xf32, #tpu.memory_space<vmem>> -> memref<1x32x128xf32, #tpu.memory_space<vmem>>
          %dma_start3A_153 = tpu.memref_squeeze %dma_start3A_152 : memref<1x32x128xf32, #tpu.memory_space<vmem>> -> memref<32x128xf32, #tpu.memory_space<vmem>>
          %dma_start3A_154 = tpu.memref_slice %arg9[%mul3A_148] : memref<320xi32, #tpu.memory_space<vmem>> -> memref<32xi32, #tpu.memory_space<vmem>>
          %dma_start3A_155 = arith.constant 0 : i32
          %dma_start3A_156 = arith.constant 0 : i32
          %dma_start3A_157 = tpu.memref_slice %arg12[%dma_start3A_155, %dma_start3A_156] : memref<5016x128xf32, #tpu.memory_space<vmem_shared>> -> memref<5016x128xf32, #tpu.memory_space<vmem_shared>>
          tpu.enqueue_indirect_dma source(%dma_start3A_157 : memref<5016x128xf32, #tpu.memory_space<vmem_shared>>) target(%dma_start3A_153 : memref<32x128xf32, #tpu.memory_space<vmem>>) offsets(%dma_start3A_154 : memref<32xi32, #tpu.memory_space<vmem>>) semaphore(%arg15 : memref<!tpu.dma_semaphore, #tpu.memory_space<semaphore_mem>>)
        } else {
        }
        %mul3A_122 = arith.constant 2 : i32
        %mul3A_123 = arith.muli %mul3A_122, %scan3A_97 : i32
        %add3A_124 = arith.constant 1 : i32
        %add3A_125 = arith.addi %mul3A_123, %add3A_124 : i32
        %mul3A_126 = arith.constant 32 : i32
        %mul3A_127 = arith.muli %add3A_125, %mul3A_126 : i32
        %dma_wait3A_128 = arith.constant 1 : i32
        %dma_wait3A_129 = arith.constant 0 : i32
        %dma_wait3A_130 = arith.constant 0 : i32
        %dma_wait3A_131 = tpu.memref_slice %arg11[%dma_wait3A_128, %dma_wait3A_129, %dma_wait3A_130] : memref<2x32x128xf32, #tpu.memory_space<vmem>> -> memref<1x32x128xf32, #tpu.memory_space<vmem>>
        %dma_wait3A_132 = tpu.memref_squeeze %dma_wait3A_131 : memref<1x32x128xf32, #tpu.memory_space<vmem>> -> memref<32x128xf32, #tpu.memory_space<vmem>>
        %dma_wait3A_133 = tpu.memref_slice %arg9[%mul3A_127] : memref<320xi32, #tpu.memory_space<vmem>> -> memref<32xi32, #tpu.memory_space<vmem>>
        %dma_wait3A_134 = arith.constant 0 : i32
        %dma_wait3A_135 = arith.constant 0 : i32
        %dma_wait3A_136 = tpu.memref_slice %arg12[%dma_wait3A_134, %dma_wait3A_135] : memref<5016x128xf32, #tpu.memory_space<vmem_shared>> -> memref<5016x128xf32, #tpu.memory_space<vmem_shared>>
        tpu.wait_indirect_dma semaphore(%arg15 : memref<!tpu.dma_semaphore, #tpu.memory_space<semaphore_mem>>) src(%dma_wait3A_136 : memref<5016x128xf32, #tpu.memory_space<vmem_shared>>) dst(%dma_wait3A_132 : memref<32x128xf32, #tpu.memory_space<vmem>>)
        %mul3A_137 = arith.constant 32 : i32
        %mul3A_138 = arith.muli %add3A_125, %mul3A_137 : i32
        %run_scoped3A_139 = arith.constant 1 : i32
        "tpu.region"() ({
          %run_scoped3A_147 = tpu.sem_alloc : memref<!tpu.dma_semaphore, #tpu.memory_space<semaphore_mem>>
          %dma_start3A_148 = arith.constant 0 : i32
          %dma_start3A_149 = arith.constant 0 : i32
          %dma_start3A_150 = tpu.memref_slice %arg11[%run_scoped3A_139, %dma_start3A_148, %dma_start3A_149] : memref<2x32x128xf32, #tpu.memory_space<vmem>> -> memref<1x32x128xf32, #tpu.memory_space<vmem>>
          %dma_start3A_151 = tpu.memref_squeeze %dma_start3A_150 : memref<1x32x128xf32, #tpu.memory_space<vmem>> -> memref<32x128xf32, #tpu.memory_space<vmem>>
          %dma_start3A_152 = tpu.memref_slice %arg10[%mul3A_138] : memref<320xi32, #tpu.memory_space<vmem>> -> memref<32xi32, #tpu.memory_space<vmem>>
          %dma_start3A_153 = arith.constant 0 : i32
          %dma_start3A_154 = arith.constant 0 : i32
          %dma_start3A_155 = tpu.memref_slice %arg13[%dma_start3A_153, %dma_start3A_154] : memref<10112x128xf32, #tpu.memory_space<vmem_shared>> -> memref<10112x128xf32, #tpu.memory_space<vmem_shared>>
          tpu.enqueue_indirect_dma source(%dma_start3A_151 : memref<32x128xf32, #tpu.memory_space<vmem>>) target(%dma_start3A_155 : memref<10112x128xf32, #tpu.memory_space<vmem_shared>>) offsets(%dma_start3A_152 : memref<32xi32, #tpu.memory_space<vmem>>) semaphore(%run_scoped3A_147 : memref<!tpu.dma_semaphore, #tpu.memory_space<semaphore_mem>>) {add = true}
          %dma_wait3A_156 = arith.constant 0 : i32
          %dma_wait3A_157 = arith.constant 0 : i32
          %dma_wait3A_158 = tpu.memref_slice %arg11[%run_scoped3A_139, %dma_wait3A_156, %dma_wait3A_157] : memref<2x32x128xf32, #tpu.memory_space<vmem>> -> memref<1x32x128xf32, #tpu.memory_space<vmem>>
          %dma_wait3A_159 = tpu.memref_squeeze %dma_wait3A_158 : memref<1x32x128xf32, #tpu.memory_space<vmem>> -> memref<32x128xf32, #tpu.memory_space<vmem>>
          %dma_wait3A_160 = tpu.memref_slice %arg10[%mul3A_138] : memref<320xi32, #tpu.memory_space<vmem>> -> memref<32xi32, #tpu.memory_space<vmem>>
          %dma_wait3A_161 = arith.constant 0 : i32
          %dma_wait3A_162 = arith.constant 0 : i32
          %dma_wait3A_163 = tpu.memref_slice %arg13[%dma_wait3A_161, %dma_wait3A_162] : memref<10112x128xf32, #tpu.memory_space<vmem_shared>> -> memref<10112x128xf32, #tpu.memory_space<vmem_shared>>
          tpu.wait_indirect_dma semaphore(%run_scoped3A_147 : memref<!tpu.dma_semaphore, #tpu.memory_space<semaphore_mem>>) src(%dma_wait3A_159 : memref<32x128xf32, #tpu.memory_space<vmem>>) dst(%dma_wait3A_163 : memref<10112x128xf32, #tpu.memory_space<vmem_shared>>)
          tpu.yield
        }) : () -> ()
        %add3A_140 = arith.constant 1 : i32
        %add3A_141 = arith.addi %add3A_125, %add3A_140 : i32
        %lt3A_142 = arith.constant 10 : i32
        %lt3A_143 = arith.cmpi slt, %add3A_141, %lt3A_142 : i32
        %convert_element_type3A_144 = arith.extui %lt3A_143 : i1 to i32
        %cond3A_145 = arith.constant 0 : i32
        %cond3A_146 = arith.cmpi ne, %convert_element_type3A_144, %cond3A_145 : i32
        scf.if %cond3A_146 {
          %mul3A_147 = arith.constant 32 : i32
          %mul3A_148 = arith.muli %add3A_141, %mul3A_147 : i32
          %dma_start3A_149 = arith.constant 0 : i32
          %dma_start3A_150 = arith.constant 0 : i32
          %dma_start3A_151 = arith.constant 0 : i32
          %dma_start3A_152 = tpu.memref_slice %arg11[%dma_start3A_149, %dma_start3A_150, %dma_start3A_151] : memref<2x32x128xf32, #tpu.memory_space<vmem>> -> memref<1x32x128xf32, #tpu.memory_space<vmem>>
          %dma_start3A_153 = tpu.memref_squeeze %dma_start3A_152 : memref<1x32x128xf32, #tpu.memory_space<vmem>> -> memref<32x128xf32, #tpu.memory_space<vmem>>
          %dma_start3A_154 = tpu.memref_slice %arg9[%mul3A_148] : memref<320xi32, #tpu.memory_space<vmem>> -> memref<32xi32, #tpu.memory_space<vmem>>
          %dma_start3A_155 = arith.constant 0 : i32
          %dma_start3A_156 = arith.constant 0 : i32
          %dma_start3A_157 = tpu.memref_slice %arg12[%dma_start3A_155, %dma_start3A_156] : memref<5016x128xf32, #tpu.memory_space<vmem_shared>> -> memref<5016x128xf32, #tpu.memory_space<vmem_shared>>
          tpu.enqueue_indirect_dma source(%dma_start3A_157 : memref<5016x128xf32, #tpu.memory_space<vmem_shared>>) target(%dma_start3A_153 : memref<32x128xf32, #tpu.memory_space<vmem>>) offsets(%dma_start3A_154 : memref<32xi32, #tpu.memory_space<vmem>>) semaphore(%arg14 : memref<!tpu.dma_semaphore, #tpu.memory_space<semaphore_mem>>)
        } else {
        }
      }
      %scan3A_96 = arith.constant 5 : i32
    }
    %scan3A_23 = arith.constant 32 : i32
    %barrier3A_24 = arith.constant 0 : index
    tpu.barrier barrier_id(%barrier3A_24)
    %mul3A_25 = arith.constant 632 : i32
    %mul3A_26 = arith.muli %arg1, %mul3A_25 : i32
    %mul3A_27 = arith.constant 10112 : i32
    %mul3A_28 = arith.muli %arg0, %mul3A_27 : i32
    %mul3A_29 = arith.constant 632 : i32
    %mul3A_30 = arith.muli %arg1, %mul3A_29 : i32
    %add3A_31 = arith.addi %mul3A_28, %mul3A_30 : i32
    "tpu.region"() ({
      %run_scoped3A = tpu.sem_alloc : memref<!tpu.dma_semaphore, #tpu.memory_space<semaphore_mem>>
      %dma_start3A_32 = arith.constant 0 : i32
      %dma_start3A_33 = tpu.memref_slice %arg6[%add3A_31, %dma_start3A_32] : memref<20224x128xf32, #tpu.memory_space<hbm>> -> memref<632x128xf32, #tpu.memory_space<hbm>>
      %dma_start3A_34 = arith.constant 0 : i32
      %dma_start3A_35 = tpu.memref_slice %arg13[%mul3A_26, %dma_start3A_34] : memref<10112x128xf32, #tpu.memory_space<vmem_shared>> -> memref<632x128xf32, #tpu.memory_space<vmem_shared>>
      tpu.enqueue_dma source(%dma_start3A_35 : memref<632x128xf32, #tpu.memory_space<vmem_shared>>) target(%dma_start3A_33 : memref<632x128xf32, #tpu.memory_space<hbm>>) target_semaphore(%run_scoped3A : memref<!tpu.dma_semaphore, #tpu.memory_space<semaphore_mem>>)
      %dma_wait3A = arith.constant 0 : i32
      %dma_wait3A_36 = tpu.memref_slice %arg6[%add3A_31, %dma_wait3A] : memref<20224x128xf32, #tpu.memory_space<hbm>> -> memref<632x128xf32, #tpu.memory_space<hbm>>
      %dma_wait3A_37 = arith.constant 0 : i32
      %dma_wait3A_38 = tpu.memref_slice %arg13[%mul3A_26, %dma_wait3A_37] : memref<10112x128xf32, #tpu.memory_space<vmem_shared>> -> memref<632x128xf32, #tpu.memory_space<vmem_shared>>
      tpu.wait_dma2 semaphore(%run_scoped3A : memref<!tpu.dma_semaphore, #tpu.memory_space<semaphore_mem>>) src(%dma_wait3A_38 : memref<632x128xf32, #tpu.memory_space<vmem_shared>>) dst(%dma_wait3A_36 : memref<632x128xf32, #tpu.memory_space<hbm>>)
      tpu.yield
    }) : () -> ()
    return
  }
}

module attributes {stable_mosaic.version = 14 : i64} {
  func.func @_tc_layer_body(%arg0: i32, %arg1: memref<1000x128xf32, #tpu.memory_space<vmem>>, %arg2: memref<1000x128xf32, #tpu.memory_space<vmem>>, %arg3: memref<1000x128xf32, #tpu.memory_space<vmem>>, %arg4: memref<128x128xf32, #tpu.memory_space<vmem>>, %arg5: memref<128x128xf32, #tpu.memory_space<vmem>>, %arg6: memref<1x128xf32, #tpu.memory_space<vmem>>, %arg7: memref<1000x128xf32, #tpu.memory_space<vmem>>) attributes {dimension_semantics = [#tpu.dimension_semantics<arbitrary>], iteration_bounds = array<i64: 10>, scalar_prefetch = 0 : i64, scratch_operands = 0 : i64, tpu.core_type = #tpu.core_type<tc>, window_params = [{transform_indices = @transform_0, window_bounds = array<i64: 1000, 128>}, {transform_indices = @transform_1, window_bounds = array<i64: 1000, 128>}, {transform_indices = @transform_2, window_bounds = array<i64: 1000, 128>}, {pipeline_mode = #tpu.pipeline_mode<synchronous>, transform_indices = @transform_3, window_bounds = array<i64: 128, 128>}, {pipeline_mode = #tpu.pipeline_mode<synchronous>, transform_indices = @transform_4, window_bounds = array<i64: 128, 128>}, {pipeline_mode = #tpu.pipeline_mode<synchronous>, transform_indices = @transform_5, window_bounds = array<i64: 1, 128>}, {transform_indices = @transform_6, window_bounds = array<i64: 1000, 128>}]} {
    %get3A = arith.constant 0 : index
    %get3A_0 = arith.constant 0 : index
    %get3A_1 = vector.load %arg1[%get3A, %get3A_0] : memref<1000x128xf32, #tpu.memory_space<vmem>>, vector<1000x128xf32>
    %get3A_2 = arith.constant 0 : index
    %get3A_3 = arith.constant 0 : index
    %get3A_4 = vector.load %arg2[%get3A_2, %get3A_3] : memref<1000x128xf32, #tpu.memory_space<vmem>>, vector<1000x128xf32>
    %add3A = arith.addf %get3A_1, %get3A_4 : vector<1000x128xf32>
    %get3A_5 = arith.constant 0 : index
    %get3A_6 = arith.constant 0 : index
    %get3A_7 = vector.load %arg4[%get3A_5, %get3A_6] : memref<128x128xf32, #tpu.memory_space<vmem>>, vector<128x128xf32>
    %dot_general3A = arith.constant dense<0.000000e+00> : vector<1000x128xf32>
    %dot_general3A_8 = tpu.matmul %add3A, %get3A_7, %dot_general3A {dimension_numbers = #tpu.dot_dimension_numbers<[1], [0], [0], [1], [0, 0, 1, 1], [], []>, transpose_lhs_hint = false} : vector<1000x128xf32>, vector<128x128xf32>, vector<1000x128xf32> -> vector<1000x128xf32>
    %get3A_9 = arith.constant 0 : index
    %get3A_10 = arith.constant 0 : index
    %get3A_11 = vector.load %arg3[%get3A_9, %get3A_10] : memref<1000x128xf32, #tpu.memory_space<vmem>>, vector<1000x128xf32>
    %get3A_12 = arith.constant 0 : index
    %get3A_13 = arith.constant 0 : index
    %get3A_14 = vector.load %arg5[%get3A_12, %get3A_13] : memref<128x128xf32, #tpu.memory_space<vmem>>, vector<128x128xf32>
    %dot_general3A_15 = arith.constant dense<0.000000e+00> : vector<1000x128xf32>
    %dot_general3A_16 = tpu.matmul %get3A_11, %get3A_14, %dot_general3A_15 {dimension_numbers = #tpu.dot_dimension_numbers<[1], [0], [0], [1], [0, 0, 1, 1], [], []>, transpose_lhs_hint = false} : vector<1000x128xf32>, vector<128x128xf32>, vector<1000x128xf32> -> vector<1000x128xf32>
    %add3A_17 = arith.addf %dot_general3A_8, %dot_general3A_16 : vector<1000x128xf32>
    %get3A_18 = arith.constant 0 : index
    %get3A_19 = arith.constant 0 : index
    %get3A_20 = vector.load %arg6[%get3A_18, %get3A_19] : memref<1x128xf32, #tpu.memory_space<vmem>>, vector<1x128xf32>
    %add3A_21 = vector.broadcast %get3A_20 : vector<1x128xf32> to vector<1000x128xf32>
    %add3A_22 = arith.addf %add3A_17, %add3A_21 : vector<1000x128xf32>
    %max3A = arith.constant 0.000000e+00 : f32
    %max3A_23 = vector.broadcast %max3A : f32 to vector<1000x128xf32>
    %max3A_24 = arith.maximumf %add3A_22, %max3A_23 : vector<1000x128xf32>
    %swap3A = arith.constant 0 : index
    %swap3A_25 = arith.constant 0 : index
    %swap3A_26 = vector.load %arg7[%swap3A, %swap3A_25] : memref<1000x128xf32, #tpu.memory_space<vmem>>, vector<1000x128xf32>
    tpu.vector_store %arg7[%swap3A, %swap3A_25], %max3A_24 {strides = array<i32>} : memref<1000x128xf32, #tpu.memory_space<vmem>>, vector<1000x128xf32>,
    return
  }
  func.func @transform_0(%arg0: i32) -> (i32, i32) {
    %c0_i32 = arith.constant 0 : i32
    %c0_i32_0 = arith.constant 0 : i32
    return %arg0, %c0_i32 : i32, i32
  }
  func.func @transform_1(%arg0: i32) -> (i32, i32) {
    %c0_i32 = arith.constant 0 : i32
    %c0_i32_0 = arith.constant 0 : i32
    return %arg0, %c0_i32 : i32, i32
  }
  func.func @transform_2(%arg0: i32) -> (i32, i32) {
    %c0_i32 = arith.constant 0 : i32
    %c0_i32_0 = arith.constant 0 : i32
    return %arg0, %c0_i32 : i32, i32
  }
  func.func @transform_3(%arg0: i32) -> (i32, i32) {
    %c0_i32 = arith.constant 0 : i32
    %c0_i32_0 = arith.constant 0 : i32
    %c0_i32_1 = arith.constant 0 : i32
    return %c0_i32, %c0_i32_0 : i32, i32
  }
  func.func @transform_4(%arg0: i32) -> (i32, i32) {
    %c0_i32 = arith.constant 0 : i32
    %c0_i32_0 = arith.constant 0 : i32
    %c0_i32_1 = arith.constant 0 : i32
    return %c0_i32, %c0_i32_0 : i32, i32
  }
  func.func @transform_5(%arg0: i32) -> (i32, i32) {
    %c0_i32 = arith.constant 0 : i32
    %c0_i32_0 = arith.constant 0 : i32
    %c0_i32_1 = arith.constant 0 : i32
    return %c0_i32, %c0_i32_0 : i32, i32
  }
  func.func @transform_6(%arg0: i32) -> (i32, i32) {
    %c0_i32 = arith.constant 0 : i32
    %c0_i32_0 = arith.constant 0 : i32
    return %arg0, %c0_i32 : i32, i32
  }
}

module attributes {stable_mosaic.version = 14 : i64} {
  func.func @_tc_final_body(%arg0: i32, %arg1: memref<1000x128xf32, #tpu.memory_space<vmem>>, %arg2: memref<1000x128xf32, #tpu.memory_space<vmem>>, %arg3: memref<1000x128xf32, #tpu.memory_space<vmem>>, %arg4: memref<128x128xf32, #tpu.memory_space<vmem>>, %arg5: memref<128x128xf32, #tpu.memory_space<vmem>>, %arg6: memref<1x128xf32, #tpu.memory_space<vmem>>, %arg7: memref<128x128xf32, #tpu.memory_space<vmem>>, %arg8: memref<1x128xf32, #tpu.memory_space<vmem>>, %arg9: memref<128x64xf32, #tpu.memory_space<vmem>>, %arg10: memref<1x64xf32, #tpu.memory_space<vmem>>, %arg11: memref<1000x64xf32, #tpu.memory_space<vmem>>) attributes {dimension_semantics = [#tpu.dimension_semantics<arbitrary>], iteration_bounds = array<i64: 10>, scalar_prefetch = 0 : i64, scratch_operands = 0 : i64, tpu.core_type = #tpu.core_type<tc>, window_params = [{transform_indices = @transform_0, window_bounds = array<i64: 1000, 128>}, {transform_indices = @transform_1, window_bounds = array<i64: 1000, 128>}, {transform_indices = @transform_2, window_bounds = array<i64: 1000, 128>}, {pipeline_mode = #tpu.pipeline_mode<synchronous>, transform_indices = @transform_3, window_bounds = array<i64: 128, 128>}, {pipeline_mode = #tpu.pipeline_mode<synchronous>, transform_indices = @transform_4, window_bounds = array<i64: 128, 128>}, {pipeline_mode = #tpu.pipeline_mode<synchronous>, transform_indices = @transform_5, window_bounds = array<i64: 1, 128>}, {pipeline_mode = #tpu.pipeline_mode<synchronous>, transform_indices = @transform_6, window_bounds = array<i64: 128, 128>}, {pipeline_mode = #tpu.pipeline_mode<synchronous>, transform_indices = @transform_7, window_bounds = array<i64: 1, 128>}, {pipeline_mode = #tpu.pipeline_mode<synchronous>, transform_indices = @transform_8, window_bounds = array<i64: 128, 64>}, {pipeline_mode = #tpu.pipeline_mode<synchronous>, transform_indices = @transform_9, window_bounds = array<i64: 1, 64>}, {transform_indices = @transform_10, window_bounds = array<i64: 1000, 64>}]} {
    %get3A = arith.constant 0 : index
    %get3A_0 = arith.constant 0 : index
    %get3A_1 = vector.load %arg1[%get3A, %get3A_0] : memref<1000x128xf32, #tpu.memory_space<vmem>>, vector<1000x128xf32>
    %get3A_2 = arith.constant 0 : index
    %get3A_3 = arith.constant 0 : index
    %get3A_4 = vector.load %arg2[%get3A_2, %get3A_3] : memref<1000x128xf32, #tpu.memory_space<vmem>>, vector<1000x128xf32>
    %add3A = arith.addf %get3A_1, %get3A_4 : vector<1000x128xf32>
    %get3A_5 = arith.constant 0 : index
    %get3A_6 = arith.constant 0 : index
    %get3A_7 = vector.load %arg4[%get3A_5, %get3A_6] : memref<128x128xf32, #tpu.memory_space<vmem>>, vector<128x128xf32>
    %dot_general3A = arith.constant dense<0.000000e+00> : vector<1000x128xf32>
    %dot_general3A_8 = tpu.matmul %add3A, %get3A_7, %dot_general3A {dimension_numbers = #tpu.dot_dimension_numbers<[1], [0], [0], [1], [0, 0, 1, 1], [], []>, transpose_lhs_hint = false} : vector<1000x128xf32>, vector<128x128xf32>, vector<1000x128xf32> -> vector<1000x128xf32>
    %get3A_9 = arith.constant 0 : index
    %get3A_10 = arith.constant 0 : index
    %get3A_11 = vector.load %arg3[%get3A_9, %get3A_10] : memref<1000x128xf32, #tpu.memory_space<vmem>>, vector<1000x128xf32>
    %get3A_12 = arith.constant 0 : index
    %get3A_13 = arith.constant 0 : index
    %get3A_14 = vector.load %arg5[%get3A_12, %get3A_13] : memref<128x128xf32, #tpu.memory_space<vmem>>, vector<128x128xf32>
    %dot_general3A_15 = arith.constant dense<0.000000e+00> : vector<1000x128xf32>
    %dot_general3A_16 = tpu.matmul %get3A_11, %get3A_14, %dot_general3A_15 {dimension_numbers = #tpu.dot_dimension_numbers<[1], [0], [0], [1], [0, 0, 1, 1], [], []>, transpose_lhs_hint = false} : vector<1000x128xf32>, vector<128x128xf32>, vector<1000x128xf32> -> vector<1000x128xf32>
    %add3A_17 = arith.addf %dot_general3A_8, %dot_general3A_16 : vector<1000x128xf32>
    %get3A_18 = arith.constant 0 : index
    %get3A_19 = arith.constant 0 : index
    %get3A_20 = vector.load %arg6[%get3A_18, %get3A_19] : memref<1x128xf32, #tpu.memory_space<vmem>>, vector<1x128xf32>
    %add3A_21 = vector.broadcast %get3A_20 : vector<1x128xf32> to vector<1000x128xf32>
    %add3A_22 = arith.addf %add3A_17, %add3A_21 : vector<1000x128xf32>
    %max3A = arith.constant 0.000000e+00 : f32
    %max3A_23 = vector.broadcast %max3A : f32 to vector<1000x128xf32>
    %max3A_24 = arith.maximumf %add3A_22, %max3A_23 : vector<1000x128xf32>
    %get3A_25 = arith.constant 0 : index
    %get3A_26 = arith.constant 0 : index
    %get3A_27 = vector.load %arg7[%get3A_25, %get3A_26] : memref<128x128xf32, #tpu.memory_space<vmem>>, vector<128x128xf32>
    %dot_general3A_28 = arith.constant dense<0.000000e+00> : vector<1000x128xf32>
    %dot_general3A_29 = tpu.matmul %max3A_24, %get3A_27, %dot_general3A_28 {dimension_numbers = #tpu.dot_dimension_numbers<[1], [0], [0], [1], [0, 0, 1, 1], [], []>, transpose_lhs_hint = false} : vector<1000x128xf32>, vector<128x128xf32>, vector<1000x128xf32> -> vector<1000x128xf32>
    %get3A_30 = arith.constant 0 : index
    %get3A_31 = arith.constant 0 : index
    %get3A_32 = vector.load %arg8[%get3A_30, %get3A_31] : memref<1x128xf32, #tpu.memory_space<vmem>>, vector<1x128xf32>
    %add3A_33 = vector.broadcast %get3A_32 : vector<1x128xf32> to vector<1000x128xf32>
    %add3A_34 = arith.addf %dot_general3A_29, %add3A_33 : vector<1000x128xf32>
    %max3A_35 = arith.constant 0.000000e+00 : f32
    %max3A_36 = vector.broadcast %max3A_35 : f32 to vector<1000x128xf32>
    %max3A_37 = arith.maximumf %add3A_34, %max3A_36 : vector<1000x128xf32>
    %get3A_38 = arith.constant 0 : index
    %get3A_39 = arith.constant 0 : index
    %get3A_40 = vector.load %arg9[%get3A_38, %get3A_39] : memref<128x64xf32, #tpu.memory_space<vmem>>, vector<128x64xf32>
    %dot_general3A_41 = arith.constant dense<0.000000e+00> : vector<1000x64xf32>
    %dot_general3A_42 = tpu.matmul %max3A_37, %get3A_40, %dot_general3A_41 {dimension_numbers = #tpu.dot_dimension_numbers<[1], [0], [0], [1], [0, 0, 1, 1], [], []>, transpose_lhs_hint = false} : vector<1000x128xf32>, vector<128x64xf32>, vector<1000x64xf32> -> vector<1000x64xf32>
    %get3A_43 = arith.constant 0 : index
    %get3A_44 = arith.constant 0 : index
    %get3A_45 = vector.load %arg10[%get3A_43, %get3A_44] : memref<1x64xf32, #tpu.memory_space<vmem>>, vector<1x64xf32>
    %add3A_46 = vector.broadcast %get3A_45 : vector<1x64xf32> to vector<1000x64xf32>
    %add3A_47 = arith.addf %dot_general3A_42, %add3A_46 : vector<1000x64xf32>
    %swap3A = arith.constant 0 : index
    %swap3A_48 = arith.constant 0 : index
    %swap3A_49 = vector.load %arg11[%swap3A, %swap3A_48] : memref<1000x64xf32, #tpu.memory_space<vmem>>, vector<1000x64xf32>
    tpu.vector_store %arg11[%swap3A, %swap3A_48], %add3A_47 {strides = array<i32>} : memref<1000x64xf32, #tpu.memory_space<vmem>>, vector<1000x64xf32>,
    return
  }
  func.func @transform_0(%arg0: i32) -> (i32, i32) {
    %c0_i32 = arith.constant 0 : i32
    %c0_i32_0 = arith.constant 0 : i32
    return %arg0, %c0_i32 : i32, i32
  }
  func.func @transform_1(%arg0: i32) -> (i32, i32) {
    %c0_i32 = arith.constant 0 : i32
    %c0_i32_0 = arith.constant 0 : i32
    return %arg0, %c0_i32 : i32, i32
  }
  func.func @transform_2(%arg0: i32) -> (i32, i32) {
    %c0_i32 = arith.constant 0 : i32
    %c0_i32_0 = arith.constant 0 : i32
    return %arg0, %c0_i32 : i32, i32
  }
  func.func @transform_3(%arg0: i32) -> (i32, i32) {
    %c0_i32 = arith.constant 0 : i32
    %c0_i32_0 = arith.constant 0 : i32
    %c0_i32_1 = arith.constant 0 : i32
    return %c0_i32, %c0_i32_0 : i32, i32
  }
  func.func @transform_4(%arg0: i32) -> (i32, i32) {
    %c0_i32 = arith.constant 0 : i32
    %c0_i32_0 = arith.constant 0 : i32
    %c0_i32_1 = arith.constant 0 : i32
    return %c0_i32, %c0_i32_0 : i32, i32
  }
  func.func @transform_5(%arg0: i32) -> (i32, i32) {
    %c0_i32 = arith.constant 0 : i32
    %c0_i32_0 = arith.constant 0 : i32
    %c0_i32_1 = arith.constant 0 : i32
    return %c0_i32, %c0_i32_0 : i32, i32
  }
  func.func @transform_6(%arg0: i32) -> (i32, i32) {
    %c0_i32 = arith.constant 0 : i32
    %c0_i32_0 = arith.constant 0 : i32
    %c0_i32_1 = arith.constant 0 : i32
    return %c0_i32, %c0_i32_0 : i32, i32
  }
  func.func @transform_7(%arg0: i32) -> (i32, i32) {
    %c0_i32 = arith.constant 0 : i32
    %c0_i32_0 = arith.constant 0 : i32
    %c0_i32_1 = arith.constant 0 : i32
    return %c0_i32, %c0_i32_0 : i32, i32
  }
  func.func @transform_8(%arg0: i32) -> (i32, i32) {
    %c0_i32 = arith.constant 0 : i32
    %c0_i32_0 = arith.constant 0 : i32
    %c0_i32_1 = arith.constant 0 : i32
    return %c0_i32, %c0_i32_0 : i32, i32
  }
  func.func @transform_9(%arg0: i32) -> (i32, i32) {
    %c0_i32 = arith.constant 0 : i32
    %c0_i32_0 = arith.constant 0 : i32
    %c0_i32_1 = arith.constant 0 : i32
    return %c0_i32, %c0_i32_0 : i32, i32
  }
  func.func @transform_10(%arg0: i32) -> (i32, i32) {
    %c0_i32 = arith.constant 0 : i32
    %c0_i32_0 = arith.constant 0 : i32
    return %arg0, %c0_i32 : i32, i32
  }
}

</mosaic_0001>

<sc_bundles>
// kernel: kernel.11.cloned.1.call-start
scs
__scs_entry_jumppad:
0x0: {  	(pc) =	sbr.rel $0x88, $3  }
0x1: {  	(tag) =	ssettag $0x0;
	lr =	simm.s32 $0x1  }
0x2: {  	[smem:$0x3F92] =	sst lr;
	_ =	strace $0xD0000000  }
0x3: {  	_ = 	snop  }
0x4: {  	_ = 	snop  }
0x5: {  	_ = 	snop  }
0x6: {  	_ = 	snop  }
0x7: {  	_ = 	snop  }
__scs_overlays_trampoline_lowered:
0x8: {  	[smem:$0x3FA1] =	sst s0  }
0x9: {  	[smem:$0x3FA2] =	sst s1  }
0xa: {  	[smem:$0x3FA3] =	sst s2  }
0xb: {  	[smem:$0x3FA4] =	sst s3  }
0xc: {  	[smem:$0x3FA5] =	sst s4  }
0xd: {  	[smem:$0x3FA6] =	sst s5  }
0xe: {  	[smem:$0x3FA7] =	sst s6  }
0xf: {  	[smem:$0x3FA8] =	sst s7  }
0x10: {  	[smem:$0x3FA9] =	sst s8  }
0x11: {  	[smem:$0x3FAA] =	sst s9;
	s0 =	simm.s32 @!p0 $0x0  }
0x12: {  	s1 =	sld [smem:$0x3F90];
	s0 =	simm.s32 @p0 $0x1  }
0x13: {  	[smem:$0x3FAB] =	sst s0;
	s0 =	simm.s32 @!p1 $0x0  }
0x14: {  	s2 =	sld [smem:$0x3F8F];
	s0 =	simm.s32 @p1 $0x1  }
0x15: {  	[smem:$0x3FAC] =	sst s0;
	s0 =	simm.s32 @!p2 $0x0  }
0x16: {  	s3 =	sld [smem:$0x3FDB];
	s0 =	simm.s32 @p2 $0x1  }
0x17: {  	s4 =	simm.s32 $0x1BF5;
	[smem:$0x3FAE] =	sst s0  }
0x18: {  	s0 =	sld [smem:$0x3F91];
	_ =	swait.ge [sflag:s4], $0x0  }
0x19: {  	s7 =	sld [smem:$0x3F92]  }
0x1a: {  	s8 =	sadd.s32 $0xFFFFE003, lr  }
0x1b: {  	s9 =	sadd.s32 $0xFFFFFEF7, lr;
	s5 =	simm.s32 $0xFFFFFFFF;
	p2 =	slt.u32 s8, $0xFFFFF086  }
0x1c: {  	p1 =	slt.u32 s9, $0xF7A;
	s5 =	simm.s32 @!p2 $0x0  }
0x1d: {  	s5 =	simm.s32 @p1 $0x1;
	p0 =	seq.s32 s7, s2  }
0x1e: {  	s7 =	smul.u32 @!p0 $0xF7A, s2;
	p2 =	seq.s32 @!p0 s5, $0x0  }
0x1f: {  	s9 =	smul.u32 $0xF7A, s1;
	s8 =	simm.s32 @!p0 $0x1BF5;
	p2 =	por !p2, p0  }
0x20: {  	[sflag:s8] =	ssyncset.s32 @!p0 $0xFFFFF086;
	s6 =	sadd.s32 @!p0 s3, s7;
	s7 =	simm.s32 @!p0 $0x108  }
0x21: {  	s3 =	sadd.s32 s3, s9;
	s6 =	sadd.s32 @!p0 $0x88, s6;
	s7 =	simm.s32 @p2 $0x1082  }
0x22: {  	[simem:s7], [sflag:s8] =	dma.local @!p0 [hbm:s6], $0xF7A  }
0x23: {  	s9 =	sor.u32 $0xD0000000, s2;
	s6 =	simm.s32 $0x108;
	_ =	swait.ge @!p0 [sflag:s8], $0x0  }
0x24: {  	s3 =	sadd.s32 $0x88, s3;
	s6 =	simm.s32 @!p1 $0x1082;
	[sflag:s4] =	ssyncset.s32 $0xFFFFF086  }
0x25: {  	[simem:s6], [sflag:s4] =	dma.local [hbm:s3], $0xF7A  }
0x26: {  	[smem:$0x3F92] =	sst s1;
	(tag) =	ssettag s2;
	_ =	strace s9  }
0x27: {  	s1 =	sld [smem:$0x3FA2]  }
0x28: {  	s2 =	sld [smem:$0x3FA3]  }
0x29: {  	s4 =	sld [smem:$0x3FA5]  }
0x2a: {  	p0 =	seq.s32 s5, $0x0;
	s5 =	sld [smem:$0x3FA6]  }
0x2b: {  	s6 =	sld [smem:$0x3FA7]  }
0x2c: {  	s7 =	sld [smem:$0x3FA8]  }
0x2d: {  	s3 =	simm.s32 $0x108;
	s8 =	sld [smem:$0x3FA9]  }
0x2e: {  	s3 =	simm.s32 @!p0 $0x1082;
	s9 =	sld [smem:$0x3FAA]  }
0x2f: {  	lr =	sadd.s32 s0, s3;
	s0 =	sld [smem:$0x3FA1]  }
0x30: {  	s3 =	sld [smem:$0x3FA4]  }
0x31: {  	[smem:$0x3FAD] =	sst s10  }
0x32: {  	s10 =	sld [smem:$0x3FAB];
	_ =	sdelay $0x3  }
0x33: {  	p0 =	seq.s32 s10, $0x1;
	s10 =	sld [smem:$0x3FAD];
	_ =	sdelay $0x3  }
0x34: {  	[smem:$0x3FAD] =	sst s10  }
0x35: {  	s10 =	sld [smem:$0x3FAC];
	_ =	sdelay $0x3  }
0x36: {  	p1 =	seq.s32 s10, $0x1;
	s10 =	sld [smem:$0x3FAD];
	_ =	sdelay $0x3  }
0x37: {  	[smem:$0x3FAD] =	sst s10  }
0x38: {  	s10 =	sld [smem:$0x3FAE]  }
0x39: {  	_ = 	snop;
	(pc) =	sbr.ind lr, $3  }
0x3a: {  	_ = 	snop  }
0x3b: {  	_ = 	snop  }
0x3c: {  	p2 =	seq.s32 s10, $0x1;
	s10 =	sld [smem:$0x3FAD]  }
0x3d: {  	_ =	shalt  }
0x3e: {  	_ =	shalt  }
0x3f: {  	_ =	shalt  }
0x40: {  	_ =	shalt  }
0x41: {  	_ =	shalt  }
0x42: {  	_ =	shalt  }
0x43: {  	_ =	shalt  }
0x44: {  	_ =	shalt  }
0x45: {  	_ =	shalt  }
0x46: {  	_ =	shalt  }
0x47: {  	_ =	shalt  }
0x48: {  	_ =	shalt  }
0x49: {  	_ =	shalt  }
0x4a: {  	_ =	shalt  }
0x4b: {  	_ =	shalt  }
0x4c: {  	_ =	shalt  }
0x4d: {  	_ =	shalt  }
0x4e: {  	_ =	shalt  }
0x4f: {  	_ =	shalt  }
0x50: {  	_ =	shalt  }
0x51: {  	_ =	shalt  }
0x52: {  	_ =	shalt  }
0x53: {  	_ =	shalt  }
0x54: {  	_ =	shalt  }
0x55: {  	_ =	shalt  }
0x56: {  	_ =	shalt  }
0x57: {  	_ =	shalt  }
0x58: {  	_ =	shalt  }
0x59: {  	_ =	shalt  }
0x5a: {  	_ =	shalt  }
0x5b: {  	_ =	shalt  }
0x5c: {  	_ =	shalt  }
0x5d: {  	_ =	shalt  }
0x5e: {  	_ =	shalt  }
0x5f: {  	_ =	shalt  }
0x60: {  	_ =	shalt  }
0x61: {  	_ =	shalt  }
0x62: {  	_ =	shalt  }
0x63: {  	_ =	shalt  }
0x64: {  	_ =	shalt  }
0x65: {  	_ =	shalt  }
0x66: {  	_ =	shalt  }
0x67: {  	_ =	shalt  }
0x68: {  	_ =	shalt  }
0x69: {  	_ =	shalt  }
0x6a: {  	_ =	shalt  }
0x6b: {  	_ =	shalt  }
0x6c: {  	_ =	shalt  }
0x6d: {  	_ =	shalt  }
0x6e: {  	_ =	shalt  }
0x6f: {  	_ =	shalt  }
0x70: {  	_ =	shalt  }
0x71: {  	_ =	shalt  }
0x72: {  	_ =	shalt  }
0x73: {  	_ =	shalt  }
0x74: {  	_ =	shalt  }
0x75: {  	_ =	shalt  }
0x76: {  	_ =	shalt  }
0x77: {  	_ =	shalt  }
0x78: {  	_ =	shalt  }
0x79: {  	_ =	shalt  }
0x7a: {  	_ =	shalt  }
0x7b: {  	_ =	shalt  }
0x7c: {  	_ =	shalt  }
0x7d: {  	_ =	shalt  }
0x7e: {  	_ =	shalt  }
0x7f: {  	_ =	shalt  }
0x80: {  	_ =	shalt  }
0x81: {  	_ =	shalt  }
0x82: {  	_ =	shalt  }
0x83: {  	_ =	shalt  }
0x84: {  	_ =	shalt  }
0x85: {  	_ =	shalt  }
0x86: {  	_ =	shalt  }
0x87: {  	_ =	shalt  }
.Lfunc_end0:
.L_simem_size_0:
called_computation.1_lowered:
.L_overlay_start_0:
0x88: {  	s2 =	sld [smem:$0x3FD9]  }
0x89: {  	s3 =	sld [smem:$0x3FFE];
	_ =	sdelay $0x1  }
0x8a: {  	s1 =	srdreg.scid  }
0x8b: {  	s0 =	sand.u32 $0x1, s1  }
0x8c: {  	s17 =	sshll.u32 s0, $0xA;
	s2 =	sadd.s32 s3, s2  }
0x8d: {  	s2 =	sadd.s32 s2, s17  }
0x8e: {  	[smem:$0x3FB9] =	sst s2  }
0x8f: {  	_ = 	snop  }
0x90: {  	s2 =	sld [smem:$0x3FD0];
	(tm) =	ssettm $0x1  }
0x91: {  	s18 =	sld [smem:$0x3FFB];
	_ =	sdelay $0x3  }
0x92: {  	_ =	strace s18  }
0x93: {  	s3 =	sld [smem:$0x3FFC];
	_ =	sdelay $0x3  }
0x94: {  	_ =	strace s3  }
0x95: {  	s3 =	sld [smem:$0x3FFD];
	_ =	sdelay $0x3  }
0x96: {  	_ =	strace s3  }
0x97: {  	_ =	strace $0x8FFFFFFF  }
0x98: {  	s19 =	sld [smem:$0x3FDB];
	_ =	sdelay $0x1  }
0x99: {  	s4 =	simm.s32 $_scs_section_size  }
0x9a: {  	s5 =	simm.s32 $_size__tile_overlayer_lowered;
	s6 =	simm.s32 $_tile_overlayer_lowered  }
0x9b: {  	s22 =	simm.s32 $0x1BFF;
	s21 =	sshll.u32 s6, $0x1;
	s3 =	sadd.s32 s4, s19  }
0x9c: {  	s7 =	simm.s32 $0x0;
	s20 =	sshll.u32 s5, $0x1;
	s5 =	sadd.s32 s21, s3  }
0x9d: {  	[timem:s7], [sflag:s22] =	dma.local [hbm:s5], s20  }
0x9e: {  	_ =	swait.ge [sflag:s22], s20  }
0x9f: {  	s4 =	ssub.s32 $0x0, s20;
	[sflag:s22] =	ssyncset.done $0x0  }
0xa0: {  	[sflag:s22] =	ssyncadd.s32 s4;
	_ =	sdelay $0x1  }
0xa1: {  	s23 =	simm.s32 $0x1B8B  }
0xa2: {  	_ =	swait.ge [sflag:s23], $0x1  }
0xa3: {  	[sflag:s23] =	ssyncset.done $0x0  }
0xa4: {  	s25 =	simm.s32 $0x1B8E;
	s24 =	sld [smem:$0x3FFE];
	[sflag:s23] =	ssyncadd.s32 $0xFFFFFFFF  }
0xa5: {  	s26 =	simm.s32 $execute0_lowered;
	[smem:$0x3FD2] =	sst s25  }
0xa6: {  	s5 =	sshll.u32 s26, $0x1;
	_ =	strace $0x80000049;
	[dreg:$0x1] =	wrdreg $0xFFFFFFFF  }
0xa7: {  	s28 =	simm.s32 $_size_execute0_lowered;
	s3 =	sadd.s32 s3, s5;
	[dreg:$0x0] =	wrdreg $0x0  }
0xa8: {  	s5 =	sshll.u32 s28, $0x1;
	[dreg:$0x2] =	wrdreg s3  }
0xa9: {  	[dreg:$0x3] =	wrdreg s5  }
0xaa: {  	[dreg:$0x4] =	wrdreg $0xC0  }
0xab: {  	_ =	task [dreg:s7], $0x5FFFF  }
0xac: {  	[dreg:$0x1] =	wrdreg $0xFFFFFFFF  }
0xad: {  	[dreg:$0x0] =	wrdreg $0x60  }
0xae: {  	[dreg:$0x2] =	wrdreg s24  }
0xaf: {  	[dreg:$0x3] =	wrdreg s2  }
0xb0: {  	[dreg:$0x4] =	wrdreg $0x26000  }
0xb1: {  	[dreg:$0x5] =	wrdreg $0xC2C00  }
0xb2: {  	[dreg:$0x6] =	wrdreg $0x9  }
0xb3: {  	_ =	task.clear_ibuf [dreg:s7], $0x7FFFF;
	_ =	strace $0x90000049  }
0xb4: {  	s29 =	simm.s32 $0x9;
	_ =	strace $0x8000004B  }
0xb5: {  	_ =	swait.ge [sflag:s29], $0x1  }
0xb6: {  	[sflag:s29] =	ssyncadd.s32 $0xFFFFFFFF  }
0xb7: {  	_ =	strace $0x9000004B  }
0xb8: {  	_ =	sfence  }
0xb9: {  	s30 =	sld [smem:$0x0];
	_ =	sdelay $0x2  }
0xba: {  	s31 =	sshll.u32 s1, $0xD;
	s1 =	sshrl.u32 s1, $0x2  }
0xbb: {  	s3 =	sand.u32 $0x4000, s31;
	s1 =	sadd.s32 s1, s30  }
0xbc: {  	s0 =	sor.u32 s3, s0;
	s1 =	sshll.u32 s1, $0x11  }
0xbd: {  	s0 =	sor.u32 s1, s0  }
0xbe: {  	s0 =	sadd.s32 $0x8F2B, s0  }
0xbf: {  	[sflag:s0] =	ssyncadd.remote.s32 $0x1  }
0xc0: {  	_ =	sfence.sel $0xFFFF  }
0xc1: {  	[dreg:$0x0] =	wrdreg $0xFFFFFFFF;
	(pc) =	sbr.abs _section_cstart, $3  }
0xc2: {  	[dreg:$0x1] =	wrdreg $0xFFFFFFFF  }
0xc3: {  	_ =	task.clear_ibuf [dreg:s7], $0x2FFFF;
	_ =	strace $0x9FFFFFFF  }
0xc4: {  	(tm) =	ssettm $0x7FFFFFFF  }
0xc5: {  	_ =	shalt  }
tec
execute0_lowered:
.L_overlay_start_1:
0x0: {  	(tag) =	ssettag $0x1  }
0x1: {  	s1 =	rddreg [dreg:$0x0]  }
0x2: {  	s2 =	rddreg [dreg:$0x2];
	s0 =	stileid.u32  }
0x3: {  	s3 =	rddreg [dreg:$0x3];
	s13 =	smul.u32 $0x2780, s0  }
0x4: {  	s5 =	srdreg.scid;
	s4 =	simm.s32 $0x0;
	s8 =	smul.u32 $0x4F000, s0  }
0x5: {  	s24 =	simm.s32 $0x1A0;
	s26 =	simm.s32 $0x40;
	s12 =	smul.u32 $0x5000, s0  }
0x6: {  	s6 =	sand.u32 $0x1, s5;
	[smem:$0x7FF] =	sst s4;
	s18 =	smul.u32 $0x27000, s0  }
0x7: {  	s9 =	sadd.s32 $0x2CA00, s1;
	s10 =	sadd.s32 $0x18A00, s1;
	s7 =	smul.u32 $0x27800, s6  }
0x8: {  	_ =	strace $0x8000004A;
	s11 =	smul.u32 $0x50000, s6;
	[dreg:$0x9] =	wrdreg s24  }
0x9: {  	s14 =	ssub.s32 $0x2, s6;
	s21 =	smul.u32 $0x13800, s6;
	[dreg:$0xa] =	wrdreg s26  }
0xa: {  	s6 =	smul.u32 $0x9C000, s6;
	s24 =	simm.s32 $0xC0;
	s26 =	simm.s32 $0xE0  }
0xb: {  	s15 =	sshrl.u32 s14, $0x1;
	s16 =	sshrl.u32 s8, $0x2;
	[dreg:$0x12] =	wrdreg s24  }
0xc: {  	[dreg:$0x14] =	wrdreg s26;
	s24 =	simm.s32 $0x4E0;
	s26 =	simm.s32 $0x500  }
0xd: {  	s5 =	sadd.s32 s13, s7;
	s13 =	sadd.s32 $0x4A00, s1;
	s7 =	ssub.s32 s14, s15  }
0xe: {  	s8 =	sadd.s32 s12, s11;
	s15 =	sadd.s32 s16, s3;
	s12 =	sshrl.u32 s18, $0x2  }
0xf: {  	s18 =	simm.s32 $0x1E0;
	s6 =	sshrl.u32 s6, $0x3;
	[dreg:$0x1f] =	wrdreg s24  }
0x10: {  	[smem:$0x7FC] =	sst s26;
	s1 =	sadd.s32 s5, s1;
	s16 =	sor.u32 $0x140, s8  }
0x11: {  	[dreg:$0xd] =	wrdreg s18;
	s6 =	sadd.s32 s9, s6;
	s18 =	simm.s32 $0x2A0  }
0x12: {  	s20 =	sshrl.u32 s16, $0x3;
	s16 =	simm.s32 $0x1C0;
	[dreg:$0x19] =	wrdreg s18  }
0x13: {  	s14 =	sor.u32 $0x280, s8;
	s6 =	sadd.s32 $0x13800, s6;
	[dreg:$0xb] =	wrdreg s16  }
0x14: {  	s19 =	sshrl.u32 s14, $0x3;
	s1 =	sadd.s32 $0x53C00, s1;
	[smem:$0x7F4] =	sst s6  }
0x15: {  	s17 =	sshll.u32 s0, $0x6;
	s14 =	sadd.s32 s19, s13;
	[smem:$0x7F7] =	sst s1  }
0x16: {  	s5 =	sor.u32 $0x1C05, s17;
	s11 =	sadd.s32 s19, s10;
	[dreg:$0x5] =	wrdreg s14  }
0x17: {  	s17 =	smul.u32 $0x1380, s0;
	s22 =	sadd.s32 s20, s13;
	[dreg:$0x6] =	wrdreg s11  }
0x18: {  	s23 =	sadd.s32 s20, s10;
	[dreg:$0x7] =	wrdreg s22  }
0x19: {  	s25 =	sadd.s32 s17, s21;
	s17 =	simm.s32 $0x60;
	[dreg:$0x8] =	wrdreg s23  }
0x1a: {  	s19 =	simm.s32 $0x80;
	[dreg:$0xc] =	wrdreg s17  }
0x1b: {  	s28 =	simm.s32 $0x520;
	s20 =	simm.s32 $0x200;
	[dreg:$0xe] =	wrdreg s19  }
0x1c: {  	s8 =	sshrl.u32 s8, $0x3;
	s21 =	simm.s32 $0xA0;
	[dreg:$0xf] =	wrdreg s20  }
0x1d: {  	s14 =	sadd.s32 s12, s2;
	s12 =	sadd.s32 s9, s25;
	[dreg:$0x10] =	wrdreg s21  }
0x1e: {  	s29 =	simm.s32 $0x3C0;
	s23 =	sadd.s32 s10, s8;
	[smem:$0x7F3] =	sst s12  }
0x1f: {  	s30 =	simm.s32 $0x540;
	s22 =	simm.s32 $0x220;
	[smem:$0x7F5] =	sst s23  }
0x20: {  	s31 =	simm.s32 $0x3E0;
	s8 =	sadd.s32 s13, s8;
	[dreg:$0x11] =	wrdreg s22  }
0x21: {  	p0 =	sne.s32 s0, $0x0;
	s25 =	simm.s32 $0x240;
	[smem:$0x7F6] =	sst s8  }
0x22: {  	s24 =	simm.s32 $0x2;
	s9 =	simm.s32 $0x260;
	[dreg:$0x13] =	wrdreg s25  }
0x23: {  	s16 =	sadd.s32 $0x9C000, s2;
	s10 =	simm.s32 $0x100;
	[dreg:$0x15] =	wrdreg s9  }
0x24: {  	s11 =	sshrl.u32 s15, $0x3;
	s15 =	simm.s32 $0x120;
	[dreg:$0x16] =	wrdreg s10  }
0x25: {  	s26 =	simm.s32 $0x3A0;
	s1 =	sshrl.u32 @!p0 s16, $0x3;
	[dreg:$0x18] =	wrdreg s15  }
0x26: {  	s0 =	simm.s32 $0x560;
	s19 =	simm.s32 $0x320;
	[smem:$0x7FA] =	sst s1  }
0x27: {  	s18 =	simm.s32 $0x300;
	s20 =	simm.s32 $0x4A0;
	[dreg:$0x1a] =	wrdreg s19  }
0x28: {  	s6 =	simm.s32 $0x580;
	s21 =	simm.s32 $0x340;
	[dreg:$0x1b] =	wrdreg s20  }
0x29: {  	s13 =	simm.s32 $0x5;
	s16 =	simm.s32 $0x180;
	[dreg:$0x1c] =	wrdreg s21  }
0x2a: {  	s8 =	smax.u32 s7, $0x1;
	s12 =	simm.s32 $0x280;
	[smem:$0x7FD] =	sst s11  }
0x2b: {  	s17 =	sshrl.u32 s14, $0x3;
	s22 =	simm.s32 $0x4C0;
	[smem:$0x7F8] =	sst s8  }
0x2c: {  	s19 =	simm.s32 $0x480;
	s23 =	simm.s32 $0x360;
	[dreg:$0x17] =	wrdreg s12  }
0x2d: {  	s20 =	simm.s32 $0x20;
	s21 =	simm.s32 $0x600;
	[smem:$0x7F9] =	sst s17  }
0x2e: {  	s25 =	simm.s32 $0x380;
	s1 =	simm.s32 $0x400;
	[dreg:$0x1d] =	wrdreg s22  }
0x2f: {  	s7 =	simm.s32 $0x420;
	s9 =	simm.s32 $0x0;
	[dreg:$0x1e] =	wrdreg s23  }
0x30: {  	s17 =	simm.s32 $0x3;
	s22 =	simm.s32 $0x1;
	[smem:$0x7FB] =	sst s25  }
0x31: {  	s23 =	simm.s32 $0x1600;
	s25 =	simm.s32 $0x4;
	s8 =	simm.s32 $0x5A0  }
.LBB2_1:
0x32: {  	s10 =	rddreg [dreg:$0x1]  }
0x33: {  	[spmem:s11], [sflag:s5] =	dma.local [hbm:s10], $0x2780  }
0x34: {  	_ =	swait.ge [sflag:s13], $0x2780  }
0x35: {  	s11 =	sld [smem:$0x7F3]  }
0x36: {  	s12 =	sld [smem:$0x7F9]  }
0x37: {  	[sflag:s13] =	ssyncset.done $0x0  }
0x38: {  	[sflag:s13] =	ssyncadd.s32 $0xFFFFD880  }
0x39: {  	[spmem:s12], [sflag:s5] =	dma.local [hbm:s11], $0x1380  }
0x3a: {  	_ =	swait.ge [sflag:s13], $0x1380  }
0x3b: {  	s10 =	sld [smem:$0x7F4]  }
0x3c: {  	s11 =	sld [smem:$0x7FA]  }
0x3d: {  	[sflag:s13] =	ssyncset.done $0x0  }
0x3e: {  	[sflag:s13] =	ssyncadd.s32 $0xFFFFEC80  }
0x3f: {  	[spmem:s11], [sflag:s5] =	dma.local @!p0 [hbm:s10], $0x100  }
0x40: {  	s10 =	simm.s32 @!p0 $0x5  }
0x41: {  	_ =	swait.ge @!p0 [sflag:s10], $0x100  }
0x42: {  	[sflag:s10] =	ssyncset.done @!p0 $0x0  }
0x43: {  	[sflag:s10] =	ssyncadd.s32 @!p0 $0xFFFFFF00  }
0x44: {  	[bflag:$0x0] =	sbarrier.arrive $0xFFFF  }
0x45: {  	s14 =	sld [smem:$0x7F5];
	_ =	sdelay $0x1  }
0x46: {  	s15 =	sld [smem:$0x7F6]  }
0x47: {  	[tilespmem:s4], [sflag:$0x3] =	stream.linear.gather [hbm4b:s14+s4], $0x140, $0x38;
	[tilespmem:$0x1FEC0] =	vst v63  }
0x48: {  	_ = 	snop  }
0x49: {  	[tilespmem:s16], [sflag:$0x3] =	stream.linear.gather [hbm4b:s15+s4], $0x140, $0x38;
	[tilespmem:$0x1FEC0] =	vst v63  }
0x4a: {  	_ =	swait.ge [sflag:s17], $0x140  }
0x4b: {  	[sflag:s17] =	ssyncset.done $0x0  }
0x4c: {  	[sflag:s17] =	ssyncadd.s32 $0xFFFFFEC0  }
0x4d: {  	_ =	swait.ge [sflag:s17], $0x140  }
0x4e: {  	s11 =	rddreg [dreg:$0x8];
	[sflag:s17] =	ssyncset.done $0x0  }
0x4f: {  	s12 =	rddreg [dreg:$0x7];
	[sflag:s17] =	ssyncadd.s32 $0xFFFFFEC0;
	s10 =	sadd.s32 $0x0, s11  }
0x50: {  	[tilespmem:s18], [sflag:$0x4] =	stream.linear.gather [hbm4b:s10+s4], $0x140, $0x38;
	[tilespmem:$0x1FEC0] =	vst v63  }
0x51: {  	s14 =	sadd.s32 $0x0, s12  }
0x52: {  	[tilespmem:s19], [sflag:$0x4] =	stream.linear.gather [hbm4b:s14+s4], $0x140, $0x38;
	[tilespmem:$0x1FEC0] =	vst v63  }
0x53: {  	_ = 	snop  }
0x54: {  	[tilespmem:s21], [sflag:$0x1] =	stream.indirect.gather [spmem:s2], $0x80, s4, s20, $0xb8;
	[tilespmem:$0x1FEC0] =	vst v63  }
0x55: {  	_ =	swait.ge [sflag:s22], $0x1000  }
0x56: {  	[sflag:s22] =	ssyncset.done $0x0  }
0x57: {  	[sflag:s22] =	ssyncadd.s32 $0xFFFFF000  }
0x58: {  	[spmem:s3] =	stream.indirect.scatter.add.f32 [tilespmem:s21], [sflag:$0x5], $0x80, s16, s20, $0xb8;
	[tilespmem:$0x1FEC0] =	vst v63  }
0x59: {  	_ =	swait.ge [sflag:s13], $0x1000  }
0x5a: {  	[sflag:s13] =	ssyncset.done $0x0  }
0x5b: {  	[sflag:s13] =	ssyncadd.s32 $0xFFFFF000  }
0x5c: {  	[tilespmem:s23], [sflag:$0x2] =	stream.indirect.gather [spmem:s2], $0x80, s20, s20, $0xb8;
	[tilespmem:$0x1FEC0] =	vst v63  }
0x5d: {  	_ =	swait.ge [sflag:s24], $0x1000  }
0x5e: {  	[sflag:s24] =	ssyncset.done $0x0  }
0x5f: {  	s15 =	rddreg [dreg:$0x9];
	[sflag:s24] =	ssyncadd.s32 $0xFFFFF000  }
0x60: {  	[spmem:s3] =	stream.indirect.scatter.add.f32 [tilespmem:s23], [sflag:$0x5], $0x80, s15, s20, $0xb8;
	[tilespmem:$0x1FEC0] =	vst v63  }
0x61: {  	_ =	swait.ge [sflag:s13], $0x1000  }
0x62: {  	[sflag:s13] =	ssyncset.done $0x0  }
0x63: {  	s11 =	rddreg [dreg:$0xa];
	[sflag:s13] =	ssyncadd.s32 $0xFFFFF000  }
0x64: {  	[tilespmem:s21], [sflag:$0x1] =	stream.indirect.gather [spmem:s2], $0x80, s11, s20, $0xb8;
	[tilespmem:$0x1FEC0] =	vst v63  }
0x65: {  	_ =	swait.ge [sflag:s22], $0x1000  }
0x66: {  	[sflag:s22] =	ssyncset.done $0x0  }
0x67: {  	s12 =	rddreg [dreg:$0xb];
	[sflag:s22] =	ssyncadd.s32 $0xFFFFF000  }
0x68: {  	[spmem:s3] =	stream.indirect.scatter.add.f32 [tilespmem:s21], [sflag:$0x5], $0x80, s12, s20, $0xb8;
	[tilespmem:$0x1FEC0] =	vst v63  }
0x69: {  	_ =	swait.ge [sflag:s13], $0x1000  }
0x6a: {  	[sflag:s13] =	ssyncset.done $0x0  }
0x6b: {  	s14 =	rddreg [dreg:$0xc];
	[sflag:s13] =	ssyncadd.s32 $0xFFFFF000  }
0x6c: {  	[tilespmem:s23], [sflag:$0x2] =	stream.indirect.gather [spmem:s2], $0x80, s14, s20, $0xb8;
	[tilespmem:$0x1FEC0] =	vst v63  }
0x6d: {  	_ =	swait.ge [sflag:s24], $0x1000  }
0x6e: {  	[sflag:s24] =	ssyncset.done $0x0  }
0x6f: {  	s15 =	rddreg [dreg:$0xd];
	[sflag:s24] =	ssyncadd.s32 $0xFFFFF000  }
0x70: {  	[spmem:s3] =	stream.indirect.scatter.add.f32 [tilespmem:s23], [sflag:$0x5], $0x80, s15, s20, $0xb8;
	[tilespmem:$0x1FEC0] =	vst v63  }
0x71: {  	_ =	swait.ge [sflag:s13], $0x1000  }
0x72: {  	[sflag:s13] =	ssyncset.done $0x0  }
0x73: {  	s11 =	rddreg [dreg:$0xe];
	[sflag:s13] =	ssyncadd.s32 $0xFFFFF000  }
0x74: {  	[tilespmem:s21], [sflag:$0x1] =	stream.indirect.gather [spmem:s2], $0x80, s11, s20, $0xb8;
	[tilespmem:$0x1FEC0] =	vst v63  }
0x75: {  	_ =	swait.ge [sflag:s22], $0x1000  }
0x76: {  	[sflag:s22] =	ssyncset.done $0x0  }
0x77: {  	s12 =	rddreg [dreg:$0xf];
	[sflag:s22] =	ssyncadd.s32 $0xFFFFF000  }
0x78: {  	[spmem:s3] =	stream.indirect.scatter.add.f32 [tilespmem:s21], [sflag:$0x5], $0x80, s12, s20, $0xb8;
	[tilespmem:$0x1FEC0] =	vst v63  }
0x79: {  	_ =	swait.ge [sflag:s13], $0x1000  }
0x7a: {  	[sflag:s13] =	ssyncset.done $0x0  }
0x7b: {  	s14 =	rddreg [dreg:$0x10];
	[sflag:s13] =	ssyncadd.s32 $0xFFFFF000  }
0x7c: {  	[tilespmem:s23], [sflag:$0x2] =	stream.indirect.gather [spmem:s2], $0x80, s14, s20, $0xb8;
	[tilespmem:$0x1FEC0] =	vst v63  }
0x7d: {  	_ =	swait.ge [sflag:s24], $0x1000  }
0x7e: {  	[sflag:s24] =	ssyncset.done $0x0  }
0x7f: {  	s15 =	rddreg [dreg:$0x11];
	[sflag:s24] =	ssyncadd.s32 $0xFFFFF000  }
0x80: {  	[spmem:s3] =	stream.indirect.scatter.add.f32 [tilespmem:s23], [sflag:$0x5], $0x80, s15, s20, $0xb8;
	[tilespmem:$0x1FEC0] =	vst v63  }
0x81: {  	_ =	swait.ge [sflag:s13], $0x1000  }
0x82: {  	[sflag:s13] =	ssyncset.done $0x0  }
0x83: {  	s11 =	rddreg [dreg:$0x12];
	[sflag:s13] =	ssyncadd.s32 $0xFFFFF000  }
0x84: {  	[tilespmem:s21], [sflag:$0x1] =	stream.indirect.gather [spmem:s2], $0x80, s11, s20, $0xb8;
	[tilespmem:$0x1FEC0] =	vst v63  }
0x85: {  	_ =	swait.ge [sflag:s22], $0x1000  }
0x86: {  	[sflag:s22] =	ssyncset.done $0x0  }
0x87: {  	s12 =	rddreg [dreg:$0x13];
	[sflag:s22] =	ssyncadd.s32 $0xFFFFF000  }
0x88: {  	[spmem:s3] =	stream.indirect.scatter.add.f32 [tilespmem:s21], [sflag:$0x5], $0x80, s12, s20, $0xb8;
	[tilespmem:$0x1FEC0] =	vst v63  }
0x89: {  	_ =	swait.ge [sflag:s13], $0x1000  }
0x8a: {  	[sflag:s13] =	ssyncset.done $0x0  }
0x8b: {  	s14 =	rddreg [dreg:$0x14];
	[sflag:s13] =	ssyncadd.s32 $0xFFFFF000  }
0x8c: {  	[tilespmem:s23], [sflag:$0x2] =	stream.indirect.gather [spmem:s2], $0x80, s14, s20, $0xb8;
	[tilespmem:$0x1FEC0] =	vst v63  }
0x8d: {  	_ =	swait.ge [sflag:s24], $0x1000  }
0x8e: {  	[sflag:s24] =	ssyncset.done $0x0  }
0x8f: {  	s15 =	rddreg [dreg:$0x15];
	[sflag:s24] =	ssyncadd.s32 $0xFFFFF000  }
0x90: {  	[spmem:s3] =	stream.indirect.scatter.add.f32 [tilespmem:s23], [sflag:$0x5], $0x80, s15, s20, $0xb8;
	[tilespmem:$0x1FEC0] =	vst v63  }
0x91: {  	_ =	swait.ge [sflag:s13], $0x1000  }
0x92: {  	[sflag:s13] =	ssyncset.done $0x0  }
0x93: {  	s11 =	rddreg [dreg:$0x16];
	[sflag:s13] =	ssyncadd.s32 $0xFFFFF000  }
0x94: {  	[tilespmem:s21], [sflag:$0x1] =	stream.indirect.gather [spmem:s2], $0x80, s11, s20, $0xb8;
	[tilespmem:$0x1FEC0] =	vst v63  }
0x95: {  	_ =	swait.ge [sflag:s22], $0x1000  }
0x96: {  	[sflag:s22] =	ssyncset.done $0x0  }
0x97: {  	s12 =	rddreg [dreg:$0x17];
	[sflag:s22] =	ssyncadd.s32 $0xFFFFF000  }
0x98: {  	[spmem:s3] =	stream.indirect.scatter.add.f32 [tilespmem:s21], [sflag:$0x5], $0x80, s12, s20, $0xb8;
	[tilespmem:$0x1FEC0] =	vst v63  }
0x99: {  	_ =	swait.ge [sflag:s13], $0x1000  }
0x9a: {  	[sflag:s13] =	ssyncset.done $0x0  }
0x9b: {  	s14 =	rddreg [dreg:$0x18];
	[sflag:s13] =	ssyncadd.s32 $0xFFFFF000  }
0x9c: {  	[tilespmem:s23], [sflag:$0x2] =	stream.indirect.gather [spmem:s2], $0x80, s14, s20, $0xb8;
	[tilespmem:$0x1FEC0] =	vst v63  }
0x9d: {  	_ =	swait.ge [sflag:s24], $0x1000  }
0x9e: {  	[sflag:s24] =	ssyncset.done $0x0  }
0x9f: {  	s15 =	rddreg [dreg:$0x19];
	[sflag:s24] =	ssyncadd.s32 $0xFFFFF000  }
0xa0: {  	[spmem:s3] =	stream.indirect.scatter.add.f32 [tilespmem:s23], [sflag:$0x5], $0x80, s15, s20, $0xb8;
	[tilespmem:$0x1FEC0] =	vst v63  }
0xa1: {  	_ =	swait.ge [sflag:s13], $0x1000  }
0xa2: {  	[sflag:s13] =	ssyncset.done $0x0  }
0xa3: {  	[sflag:s13] =	ssyncadd.s32 $0xFFFFF000  }
0xa4: {  	_ =	swait.ge [sflag:s25], $0x140  }
0xa5: {  	[sflag:s25] =	ssyncset.done $0x0  }
0xa6: {  	[sflag:s25] =	ssyncadd.s32 $0xFFFFFEC0  }
0xa7: {  	p1 =	por $0x0, $0x0;
	_ =	swait.ge [sflag:s25], $0x140  }
0xa8: {  	s14 =	simm.s32 @!p1 $0x0;
	s10 =	rddreg [dreg:$0x6];
	[sflag:s25] =	ssyncset.done $0x0  }
0xa9: {  	s11 =	rddreg [dreg:$0x5];
	[sflag:s25] =	ssyncadd.s32 $0xFFFFFEC0;
	s10 =	sadd.s32 @!p1 $0x0, s10  }
0xaa: {  	[tilespmem:s14], [sflag:$0x3] =	stream.linear.gather @!p1 [hbm4b:s10+s14], $0x140, $0x38;
	[tilespmem:$0x1FEC0] =	vst v63  }
0xab: {  	s10 =	sadd.s32 @!p1 $0x0, s11;
	s11 =	simm.s32 @!p1 $0x180  }
0xac: {  	[tilespmem:s11], [sflag:$0x3] =	stream.linear.gather @!p1 [hbm4b:s10+s14], $0x140, $0x38;
	[tilespmem:$0x1FEC0] =	vst v63  }
0xad: {  	_ = 	snop  }
0xae: {  	[tilespmem:s21], [sflag:$0x1] =	stream.indirect.gather [spmem:s2], $0x80, s18, s20, $0xb8;
	[tilespmem:$0x1FEC0] =	vst v63  }
0xaf: {  	_ =	swait.ge [sflag:s22], $0x1000  }
0xb0: {  	[sflag:s22] =	ssyncset.done $0x0  }
0xb1: {  	[sflag:s22] =	ssyncadd.s32 $0xFFFFF000  }
0xb2: {  	[spmem:s3] =	stream.indirect.scatter.add.f32 [tilespmem:s21], [sflag:$0x5], $0x80, s19, s20, $0xb8;
	[tilespmem:$0x1FEC0] =	vst v63  }
0xb3: {  	_ =	swait.ge [sflag:s13], $0x1000  }
0xb4: {  	[sflag:s13] =	ssyncset.done $0x0  }
0xb5: {  	s11 =	rddreg [dreg:$0x1a];
	[sflag:s13] =	ssyncadd.s32 $0xFFFFF000  }
0xb6: {  	[tilespmem:s23], [sflag:$0x2] =	stream.indirect.gather [spmem:s2], $0x80, s11, s20, $0xb8;
	[tilespmem:$0x1FEC0] =	vst v63  }
0xb7: {  	_ =	swait.ge [sflag:s24], $0x1000  }
0xb8: {  	[sflag:s24] =	ssyncset.done $0x0  }
0xb9: {  	s12 =	rddreg [dreg:$0x1b];
	[sflag:s24] =	ssyncadd.s32 $0xFFFFF000  }
0xba: {  	[spmem:s3] =	stream.indirect.scatter.add.f32 [tilespmem:s23], [sflag:$0x5], $0x80, s12, s20, $0xb8;
	[tilespmem:$0x1FEC0] =	vst v63  }
0xbb: {  	_ =	swait.ge [sflag:s13], $0x1000  }
0xbc: {  	[sflag:s13] =	ssyncset.done $0x0  }
0xbd: {  	s14 =	rddreg [dreg:$0x1c];
	[sflag:s13] =	ssyncadd.s32 $0xFFFFF000  }
0xbe: {  	[tilespmem:s21], [sflag:$0x1] =	stream.indirect.gather [spmem:s2], $0x80, s14, s20, $0xb8;
	[tilespmem:$0x1FEC0] =	vst v63  }
0xbf: {  	_ =	swait.ge [sflag:s22], $0x1000  }
0xc0: {  	[sflag:s22] =	ssyncset.done $0x0  }
0xc1: {  	s15 =	rddreg [dreg:$0x1d];
	[sflag:s22] =	ssyncadd.s32 $0xFFFFF000  }
0xc2: {  	[spmem:s3] =	stream.indirect.scatter.add.f32 [tilespmem:s21], [sflag:$0x5], $0x80, s15, s20, $0xb8;
	[tilespmem:$0x1FEC0] =	vst v63  }
0xc3: {  	_ =	swait.ge [sflag:s13], $0x1000  }
0xc4: {  	[sflag:s13] =	ssyncset.done $0x0  }
0xc5: {  	s11 =	rddreg [dreg:$0x1e];
	[sflag:s13] =	ssyncadd.s32 $0xFFFFF000  }
0xc6: {  	[tilespmem:s23], [sflag:$0x2] =	stream.indirect.gather [spmem:s2], $0x80, s11, s20, $0xb8;
	[tilespmem:$0x1FEC0] =	vst v63  }
0xc7: {  	_ =	swait.ge [sflag:s24], $0x1000  }
0xc8: {  	[sflag:s24] =	ssyncset.done $0x0  }
0xc9: {  	s12 =	rddreg [dreg:$0x1f];
	[sflag:s24] =	ssyncadd.s32 $0xFFFFF000  }
0xca: {  	[spmem:s3] =	stream.indirect.scatter.add.f32 [tilespmem:s23], [sflag:$0x5], $0x80, s12, s20, $0xb8;
	[tilespmem:$0x1FEC0] =	vst v63  }
0xcb: {  	_ =	swait.ge [sflag:s13], $0x1000  }
0xcc: {  	s14 =	sld [smem:$0x7FB]  }
0xcd: {  	[sflag:s13] =	ssyncset.done $0x0  }
0xce: {  	[sflag:s13] =	ssyncadd.s32 $0xFFFFF000  }
0xcf: {  	[tilespmem:s21], [sflag:$0x1] =	stream.indirect.gather [spmem:s2], $0x80, s14, s20, $0xb8;
	[tilespmem:$0x1FEC0] =	vst v63  }
0xd0: {  	_ =	swait.ge [sflag:s22], $0x1000  }
0xd1: {  	s15 =	sld [smem:$0x7FC]  }
0xd2: {  	[sflag:s22] =	ssyncset.done $0x0  }
0xd3: {  	[sflag:s22] =	ssyncadd.s32 $0xFFFFF000  }
0xd4: {  	[spmem:s3] =	stream.indirect.scatter.add.f32 [tilespmem:s21], [sflag:$0x5], $0x80, s15, s20, $0xb8;
	[tilespmem:$0x1FEC0] =	vst v63  }
0xd5: {  	_ =	swait.ge [sflag:s13], $0x1000  }
0xd6: {  	[sflag:s13] =	ssyncset.done $0x0  }
0xd7: {  	[sflag:s13] =	ssyncadd.s32 $0xFFFFF000  }
0xd8: {  	[tilespmem:s23], [sflag:$0x2] =	stream.indirect.gather [spmem:s2], $0x80, s26, s20, $0xb8;
	[tilespmem:$0x1FEC0] =	vst v63  }
0xd9: {  	_ =	swait.ge [sflag:s24], $0x1000  }
0xda: {  	[sflag:s24] =	ssyncset.done $0x0  }
0xdb: {  	[sflag:s24] =	ssyncadd.s32 $0xFFFFF000  }
0xdc: {  	[spmem:s3] =	stream.indirect.scatter.add.f32 [tilespmem:s23], [sflag:$0x5], $0x80, s28, s20, $0xb8;
	[tilespmem:$0x1FEC0] =	vst v63  }
0xdd: {  	_ =	swait.ge [sflag:s13], $0x1000  }
0xde: {  	[sflag:s13] =	ssyncset.done $0x0  }
0xdf: {  	[sflag:s13] =	ssyncadd.s32 $0xFFFFF000  }
0xe0: {  	[tilespmem:s21], [sflag:$0x1] =	stream.indirect.gather [spmem:s2], $0x80, s29, s20, $0xb8;
	[tilespmem:$0x1FEC0] =	vst v63  }
0xe1: {  	_ =	swait.ge [sflag:s22], $0x1000  }
0xe2: {  	[sflag:s22] =	ssyncset.done $0x0  }
0xe3: {  	[sflag:s22] =	ssyncadd.s32 $0xFFFFF000  }
0xe4: {  	[spmem:s3] =	stream.indirect.scatter.add.f32 [tilespmem:s21], [sflag:$0x5], $0x80, s30, s20, $0xb8;
	[tilespmem:$0x1FEC0] =	vst v63  }
0xe5: {  	_ =	swait.ge [sflag:s13], $0x1000  }
0xe6: {  	[sflag:s13] =	ssyncset.done $0x0  }
0xe7: {  	[sflag:s13] =	ssyncadd.s32 $0xFFFFF000  }
0xe8: {  	[tilespmem:s23], [sflag:$0x2] =	stream.indirect.gather [spmem:s2], $0x80, s31, s20, $0xb8;
	[tilespmem:$0x1FEC0] =	vst v63  }
0xe9: {  	_ =	swait.ge [sflag:s24], $0x1000  }
0xea: {  	[sflag:s24] =	ssyncset.done $0x0  }
0xeb: {  	[sflag:s24] =	ssyncadd.s32 $0xFFFFF000  }
0xec: {  	[spmem:s3] =	stream.indirect.scatter.add.f32 [tilespmem:s23], [sflag:$0x5], $0x80, s0, s20, $0xb8;
	[tilespmem:$0x1FEC0] =	vst v63  }
0xed: {  	_ =	swait.ge [sflag:s13], $0x1000  }
0xee: {  	[sflag:s13] =	ssyncset.done $0x0  }
0xef: {  	[sflag:s13] =	ssyncadd.s32 $0xFFFFF000  }
0xf0: {  	[tilespmem:s21], [sflag:$0x1] =	stream.indirect.gather [spmem:s2], $0x80, s1, s20, $0xb8;
	[tilespmem:$0x1FEC0] =	vst v63  }
0xf1: {  	_ =	swait.ge [sflag:s22], $0x1000  }
0xf2: {  	[sflag:s22] =	ssyncset.done $0x0  }
0xf3: {  	[sflag:s22] =	ssyncadd.s32 $0xFFFFF000  }
0xf4: {  	[spmem:s3] =	stream.indirect.scatter.add.f32 [tilespmem:s21], [sflag:$0x5], $0x80, s6, s20, $0xb8;
	[tilespmem:$0x1FEC0] =	vst v63  }
0xf5: {  	_ =	swait.ge [sflag:s13], $0x1000  }
0xf6: {  	[sflag:s13] =	ssyncset.done $0x0  }
0xf7: {  	[sflag:s13] =	ssyncadd.s32 $0xFFFFF000  }
0xf8: {  	[tilespmem:s23], [sflag:$0x2] =	stream.indirect.gather [spmem:s2], $0x80, s7, s20, $0xb8;
	[tilespmem:$0x1FEC0] =	vst v63  }
0xf9: {  	_ =	swait.ge [sflag:s24], $0x1000  }
0xfa: {  	[sflag:s24] =	ssyncset.done $0x0  }
0xfb: {  	[sflag:s24] =	ssyncadd.s32 $0xFFFFF000  }
0xfc: {  	[spmem:s3] =	stream.indirect.scatter.add.f32 [tilespmem:s23], [sflag:$0x5], $0x80, s8, s20, $0xb8;
	[tilespmem:$0x1FEC0] =	vst v63  }
0xfd: {  	_ =	swait.ge [sflag:s13], $0x1000  }
0xfe: {  	s10 =	simm.s32 $0x50;
	[sflag:s13] =	ssyncset.done $0x0  }
.LBB2_2:
0xff: {  	[sflag:s13] =	ssyncadd.s32 $0xFFFFF000  }
0x100: {  	_ =	swait.ge [sflag:s17], $0x140  }
0x101: {  	[sflag:s17] =	ssyncset.done $0x0  }
0x102: {  	[sflag:s17] =	ssyncadd.s32 $0xFFFFFEC0  }
0x103: {  	_ =	swait.ge [sflag:s17], $0x140  }
0x104: {  	s11 =	smov.u32 s10;
	s14 =	rddreg [dreg:$0x8];
	[sflag:s17] =	ssyncset.done $0x0  }
0x105: {  	s15 =	rddreg [dreg:$0x7];
	[sflag:s17] =	ssyncadd.s32 $0xFFFFFEC0;
	s14 =	sadd.s32 s11, s14  }
0x106: {  	[tilespmem:s18], [sflag:$0x4] =	stream.linear.gather [hbm4b:s14+s4], $0x140, $0x38;
	[tilespmem:$0x1FEC0] =	vst v63  }
0x107: {  	s15 =	sadd.s32 s11, s15  }
0x108: {  	[tilespmem:s19], [sflag:$0x4] =	stream.linear.gather [hbm4b:s15+s4], $0x140, $0x38;
	[tilespmem:$0x1FEC0] =	vst v63  }
0x109: {  	_ = 	snop  }
0x10a: {  	[tilespmem:s21], [sflag:$0x1] =	stream.indirect.gather [spmem:s2], $0x80, s4, s20, $0xb8;
	[tilespmem:$0x1FEC0] =	vst v63  }
0x10b: {  	_ =	swait.ge [sflag:s22], $0x1000  }
0x10c: {  	[sflag:s22] =	ssyncset.done $0x0  }
0x10d: {  	[sflag:s22] =	ssyncadd.s32 $0xFFFFF000  }
0x10e: {  	[spmem:s3] =	stream.indirect.scatter.add.f32 [tilespmem:s21], [sflag:$0x5], $0x80, s16, s20, $0xb8;
	[tilespmem:$0x1FEC0] =	vst v63  }
0x10f: {  	_ =	swait.ge [sflag:s13], $0x1000  }
0x110: {  	[sflag:s13] =	ssyncset.done $0x0  }
0x111: {  	[sflag:s13] =	ssyncadd.s32 $0xFFFFF000  }
0x112: {  	[tilespmem:s23], [sflag:$0x2] =	stream.indirect.gather [spmem:s2], $0x80, s20, s20, $0xb8;
	[tilespmem:$0x1FEC0] =	vst v63  }
0x113: {  	_ =	swait.ge [sflag:s24], $0x1000  }
0x114: {  	[sflag:s24] =	ssyncset.done $0x0  }
0x115: {  	s12 =	rddreg [dreg:$0x9];
	[sflag:s24] =	ssyncadd.s32 $0xFFFFF000  }
0x116: {  	[spmem:s3] =	stream.indirect.scatter.add.f32 [tilespmem:s23], [sflag:$0x5], $0x80, s12, s20, $0xb8;
	[tilespmem:$0x1FEC0] =	vst v63  }
0x117: {  	_ =	swait.ge [sflag:s13], $0x1000  }
0x118: {  	[sflag:s13] =	ssyncset.done $0x0  }
0x119: {  	s15 =	rddreg [dreg:$0xa];
	[sflag:s13] =	ssyncadd.s32 $0xFFFFF000  }
0x11a: {  	[tilespmem:s21], [sflag:$0x1] =	stream.indirect.gather [spmem:s2], $0x80, s15, s20, $0xb8;
	[tilespmem:$0x1FEC0] =	vst v63  }
0x11b: {  	_ =	swait.ge [sflag:s22], $0x1000  }
0x11c: {  	[sflag:s22] =	ssyncset.done $0x0  }
0x11d: {  	s12 =	rddreg [dreg:$0xb];
	[sflag:s22] =	ssyncadd.s32 $0xFFFFF000  }
0x11e: {  	[spmem:s3] =	stream.indirect.scatter.add.f32 [tilespmem:s21], [sflag:$0x5], $0x80, s12, s20, $0xb8;
	[tilespmem:$0x1FEC0] =	vst v63  }
0x11f: {  	_ =	swait.ge [sflag:s13], $0x1000  }
0x120: {  	[sflag:s13] =	ssyncset.done $0x0  }
0x121: {  	s15 =	rddreg [dreg:$0xc];
	[sflag:s13] =	ssyncadd.s32 $0xFFFFF000  }
0x122: {  	[tilespmem:s23], [sflag:$0x2] =	stream.indirect.gather [spmem:s2], $0x80, s15, s20, $0xb8;
	[tilespmem:$0x1FEC0] =	vst v63  }
0x123: {  	_ =	swait.ge [sflag:s24], $0x1000  }
0x124: {  	[sflag:s24] =	ssyncset.done $0x0  }
0x125: {  	s12 =	rddreg [dreg:$0xd];
	[sflag:s24] =	ssyncadd.s32 $0xFFFFF000  }
0x126: {  	[spmem:s3] =	stream.indirect.scatter.add.f32 [tilespmem:s23], [sflag:$0x5], $0x80, s12, s20, $0xb8;
	[tilespmem:$0x1FEC0] =	vst v63  }
0x127: {  	_ =	swait.ge [sflag:s13], $0x1000  }
0x128: {  	[sflag:s13] =	ssyncset.done $0x0  }
0x129: {  	s15 =	rddreg [dreg:$0xe];
	[sflag:s13] =	ssyncadd.s32 $0xFFFFF000  }
0x12a: {  	[tilespmem:s21], [sflag:$0x1] =	stream.indirect.gather [spmem:s2], $0x80, s15, s20, $0xb8;
	[tilespmem:$0x1FEC0] =	vst v63  }
0x12b: {  	_ =	swait.ge [sflag:s22], $0x1000  }
0x12c: {  	[sflag:s22] =	ssyncset.done $0x0  }
0x12d: {  	s12 =	rddreg [dreg:$0xf];
	[sflag:s22] =	ssyncadd.s32 $0xFFFFF000  }
0x12e: {  	[spmem:s3] =	stream.indirect.scatter.add.f32 [tilespmem:s21], [sflag:$0x5], $0x80, s12, s20, $0xb8;
	[tilespmem:$0x1FEC0] =	vst v63  }
0x12f: {  	_ =	swait.ge [sflag:s13], $0x1000  }
0x130: {  	[sflag:s13] =	ssyncset.done $0x0  }
0x131: {  	s15 =	rddreg [dreg:$0x10];
	[sflag:s13] =	ssyncadd.s32 $0xFFFFF000  }
0x132: {  	[tilespmem:s23], [sflag:$0x2] =	stream.indirect.gather [spmem:s2], $0x80, s15, s20, $0xb8;
	[tilespmem:$0x1FEC0] =	vst v63  }
0x133: {  	_ =	swait.ge [sflag:s24], $0x1000  }
0x134: {  	[sflag:s24] =	ssyncset.done $0x0  }
0x135: {  	s12 =	rddreg [dreg:$0x11];
	[sflag:s24] =	ssyncadd.s32 $0xFFFFF000  }
0x136: {  	[spmem:s3] =	stream.indirect.scatter.add.f32 [tilespmem:s23], [sflag:$0x5], $0x80, s12, s20, $0xb8;
	[tilespmem:$0x1FEC0] =	vst v63  }
0x137: {  	_ =	swait.ge [sflag:s13], $0x1000  }
0x138: {  	[sflag:s13] =	ssyncset.done $0x0  }
0x139: {  	s15 =	rddreg [dreg:$0x12];
	[sflag:s13] =	ssyncadd.s32 $0xFFFFF000  }
0x13a: {  	[tilespmem:s21], [sflag:$0x1] =	stream.indirect.gather [spmem:s2], $0x80, s15, s20, $0xb8;
	[tilespmem:$0x1FEC0] =	vst v63  }
0x13b: {  	_ =	swait.ge [sflag:s22], $0x1000  }
0x13c: {  	[sflag:s22] =	ssyncset.done $0x0  }
0x13d: {  	s12 =	rddreg [dreg:$0x13];
	[sflag:s22] =	ssyncadd.s32 $0xFFFFF000  }
0x13e: {  	[spmem:s3] =	stream.indirect.scatter.add.f32 [tilespmem:s21], [sflag:$0x5], $0x80, s12, s20, $0xb8;
	[tilespmem:$0x1FEC0] =	vst v63  }
0x13f: {  	_ =	swait.ge [sflag:s13], $0x1000  }
0x140: {  	[sflag:s13] =	ssyncset.done $0x0  }
0x141: {  	s15 =	rddreg [dreg:$0x14];
	[sflag:s13] =	ssyncadd.s32 $0xFFFFF000  }
0x142: {  	[tilespmem:s23], [sflag:$0x2] =	stream.indirect.gather [spmem:s2], $0x80, s15, s20, $0xb8;
	[tilespmem:$0x1FEC0] =	vst v63  }
0x143: {  	_ =	swait.ge [sflag:s24], $0x1000  }
0x144: {  	[sflag:s24] =	ssyncset.done $0x0  }
0x145: {  	s12 =	rddreg [dreg:$0x15];
	[sflag:s24] =	ssyncadd.s32 $0xFFFFF000  }
0x146: {  	[spmem:s3] =	stream.indirect.scatter.add.f32 [tilespmem:s23], [sflag:$0x5], $0x80, s12, s20, $0xb8;
	[tilespmem:$0x1FEC0] =	vst v63  }
0x147: {  	_ =	swait.ge [sflag:s13], $0x1000  }
0x148: {  	[sflag:s13] =	ssyncset.done $0x0  }
0x149: {  	s15 =	rddreg [dreg:$0x16];
	[sflag:s13] =	ssyncadd.s32 $0xFFFFF000  }
0x14a: {  	[tilespmem:s21], [sflag:$0x1] =	stream.indirect.gather [spmem:s2], $0x80, s15, s20, $0xb8;
	[tilespmem:$0x1FEC0] =	vst v63  }
0x14b: {  	_ =	swait.ge [sflag:s22], $0x1000  }
0x14c: {  	[sflag:s22] =	ssyncset.done $0x0  }
0x14d: {  	s12 =	rddreg [dreg:$0x17];
	[sflag:s22] =	ssyncadd.s32 $0xFFFFF000  }
0x14e: {  	[spmem:s3] =	stream.indirect.scatter.add.f32 [tilespmem:s21], [sflag:$0x5], $0x80, s12, s20, $0xb8;
	[tilespmem:$0x1FEC0] =	vst v63  }
0x14f: {  	_ =	swait.ge [sflag:s13], $0x1000  }
0x150: {  	[sflag:s13] =	ssyncset.done $0x0  }
0x151: {  	s15 =	rddreg [dreg:$0x18];
	[sflag:s13] =	ssyncadd.s32 $0xFFFFF000  }
0x152: {  	[tilespmem:s23], [sflag:$0x2] =	stream.indirect.gather [spmem:s2], $0x80, s15, s20, $0xb8;
	[tilespmem:$0x1FEC0] =	vst v63  }
0x153: {  	_ =	swait.ge [sflag:s24], $0x1000  }
0x154: {  	[sflag:s24] =	ssyncset.done $0x0  }
0x155: {  	s12 =	rddreg [dreg:$0x19];
	[sflag:s24] =	ssyncadd.s32 $0xFFFFF000  }
0x156: {  	[spmem:s3] =	stream.indirect.scatter.add.f32 [tilespmem:s23], [sflag:$0x5], $0x80, s12, s20, $0xb8;
	[tilespmem:$0x1FEC0] =	vst v63  }
0x157: {  	_ =	swait.ge [sflag:s13], $0x1000  }
0x158: {  	[sflag:s13] =	ssyncset.done $0x0  }
0x159: {  	[sflag:s13] =	ssyncadd.s32 $0xFFFFF000  }
0x15a: {  	_ =	swait.ge [sflag:s25], $0x140  }
0x15b: {  	[sflag:s25] =	ssyncset.done $0x0  }
0x15c: {  	[sflag:s25] =	ssyncadd.s32 $0xFFFFFEC0  }
0x15d: {  	p2 =	seq.s32 s11, $0x9B0;
	_ =	swait.ge [sflag:s25], $0x140  }
0x15e: {  	s12 =	simm.s32 @!p2 $0x0;
	s14 =	rddreg [dreg:$0x6];
	[sflag:s25] =	ssyncset.done $0x0  }
0x15f: {  	s15 =	rddreg [dreg:$0x5];
	[sflag:s25] =	ssyncadd.s32 $0xFFFFFEC0;
	s14 =	sadd.s32 @!p2 s11, s14  }
0x160: {  	[tilespmem:s12], [sflag:$0x3] =	stream.linear.gather @!p2 [hbm4b:s14+s12], $0x140, $0x38;
	[tilespmem:$0x1FEC0] =	vst v63  }
0x161: {  	s11 =	sadd.s32 @!p2 s11, s15;
	s14 =	simm.s32 @!p2 $0x180  }
0x162: {  	[tilespmem:s14], [sflag:$0x3] =	stream.linear.gather @!p2 [hbm4b:s11+s12], $0x140, $0x38;
	[tilespmem:$0x1FEC0] =	vst v63  }
0x163: {  	_ = 	snop  }
0x164: {  	[tilespmem:s21], [sflag:$0x1] =	stream.indirect.gather [spmem:s2], $0x80, s18, s20, $0xb8;
	[tilespmem:$0x1FEC0] =	vst v63  }
0x165: {  	_ =	swait.ge [sflag:s22], $0x1000  }
0x166: {  	[sflag:s22] =	ssyncset.done $0x0  }
0x167: {  	[sflag:s22] =	ssyncadd.s32 $0xFFFFF000  }
0x168: {  	[spmem:s3] =	stream.indirect.scatter.add.f32 [tilespmem:s21], [sflag:$0x5], $0x80, s19, s20, $0xb8;
	[tilespmem:$0x1FEC0] =	vst v63  }
0x169: {  	_ =	swait.ge [sflag:s13], $0x1000  }
0x16a: {  	[sflag:s13] =	ssyncset.done $0x0  }
0x16b: {  	s14 =	rddreg [dreg:$0x1a];
	[sflag:s13] =	ssyncadd.s32 $0xFFFFF000  }
0x16c: {  	[tilespmem:s23], [sflag:$0x2] =	stream.indirect.gather [spmem:s2], $0x80, s14, s20, $0xb8;
	[tilespmem:$0x1FEC0] =	vst v63  }
0x16d: {  	_ =	swait.ge [sflag:s24], $0x1000  }
0x16e: {  	[sflag:s24] =	ssyncset.done $0x0  }
0x16f: {  	s15 =	rddreg [dreg:$0x1b];
	[sflag:s24] =	ssyncadd.s32 $0xFFFFF000  }
0x170: {  	[spmem:s3] =	stream.indirect.scatter.add.f32 [tilespmem:s23], [sflag:$0x5], $0x80, s15, s20, $0xb8;
	[tilespmem:$0x1FEC0] =	vst v63  }
0x171: {  	_ =	swait.ge [sflag:s13], $0x1000  }
0x172: {  	[sflag:s13] =	ssyncset.done $0x0  }
0x173: {  	s12 =	rddreg [dreg:$0x1c];
	[sflag:s13] =	ssyncadd.s32 $0xFFFFF000  }
0x174: {  	[tilespmem:s21], [sflag:$0x1] =	stream.indirect.gather [spmem:s2], $0x80, s12, s20, $0xb8;
	[tilespmem:$0x1FEC0] =	vst v63  }
0x175: {  	_ =	swait.ge [sflag:s22], $0x1000  }
0x176: {  	[sflag:s22] =	ssyncset.done $0x0  }
0x177: {  	s14 =	rddreg [dreg:$0x1d];
	[sflag:s22] =	ssyncadd.s32 $0xFFFFF000  }
0x178: {  	[spmem:s3] =	stream.indirect.scatter.add.f32 [tilespmem:s21], [sflag:$0x5], $0x80, s14, s20, $0xb8;
	[tilespmem:$0x1FEC0] =	vst v63  }
0x179: {  	_ =	swait.ge [sflag:s13], $0x1000  }
0x17a: {  	[sflag:s13] =	ssyncset.done $0x0  }
0x17b: {  	s15 =	rddreg [dreg:$0x1e];
	[sflag:s13] =	ssyncadd.s32 $0xFFFFF000  }
0x17c: {  	[tilespmem:s23], [sflag:$0x2] =	stream.indirect.gather [spmem:s2], $0x80, s15, s20, $0xb8;
	[tilespmem:$0x1FEC0] =	vst v63  }
0x17d: {  	_ =	swait.ge [sflag:s24], $0x1000  }
0x17e: {  	[sflag:s24] =	ssyncset.done $0x0  }
0x17f: {  	s12 =	rddreg [dreg:$0x1f];
	[sflag:s24] =	ssyncadd.s32 $0xFFFFF000  }
0x180: {  	[spmem:s3] =	stream.indirect.scatter.add.f32 [tilespmem:s23], [sflag:$0x5], $0x80, s12, s20, $0xb8;
	[tilespmem:$0x1FEC0] =	vst v63  }
0x181: {  	_ =	swait.ge [sflag:s13], $0x1000  }
0x182: {  	s14 =	sld [smem:$0x7FB]  }
0x183: {  	[sflag:s13] =	ssyncset.done $0x0  }
0x184: {  	[sflag:s13] =	ssyncadd.s32 $0xFFFFF000  }
0x185: {  	[tilespmem:s21], [sflag:$0x1] =	stream.indirect.gather [spmem:s2], $0x80, s14, s20, $0xb8;
	[tilespmem:$0x1FEC0] =	vst v63  }
0x186: {  	_ =	swait.ge [sflag:s22], $0x1000  }
0x187: {  	s15 =	sld [smem:$0x7FC]  }
0x188: {  	[sflag:s22] =	ssyncset.done $0x0  }
0x189: {  	[sflag:s22] =	ssyncadd.s32 $0xFFFFF000  }
0x18a: {  	[spmem:s3] =	stream.indirect.scatter.add.f32 [tilespmem:s21], [sflag:$0x5], $0x80, s15, s20, $0xb8;
	[tilespmem:$0x1FEC0] =	vst v63  }
0x18b: {  	_ =	swait.ge [sflag:s13], $0x1000  }
0x18c: {  	[sflag:s13] =	ssyncset.done $0x0  }
0x18d: {  	[sflag:s13] =	ssyncadd.s32 $0xFFFFF000  }
0x18e: {  	[tilespmem:s23], [sflag:$0x2] =	stream.indirect.gather [spmem:s2], $0x80, s26, s20, $0xb8;
	[tilespmem:$0x1FEC0] =	vst v63  }
0x18f: {  	_ =	swait.ge [sflag:s24], $0x1000  }
0x190: {  	[sflag:s24] =	ssyncset.done $0x0  }
0x191: {  	[sflag:s24] =	ssyncadd.s32 $0xFFFFF000  }
0x192: {  	[spmem:s3] =	stream.indirect.scatter.add.f32 [tilespmem:s23], [sflag:$0x5], $0x80, s28, s20, $0xb8;
	[tilespmem:$0x1FEC0] =	vst v63  }
0x193: {  	_ =	swait.ge [sflag:s13], $0x1000  }
0x194: {  	[sflag:s13] =	ssyncset.done $0x0  }
0x195: {  	[sflag:s13] =	ssyncadd.s32 $0xFFFFF000  }
0x196: {  	[tilespmem:s21], [sflag:$0x1] =	stream.indirect.gather [spmem:s2], $0x80, s29, s20, $0xb8;
	[tilespmem:$0x1FEC0] =	vst v63  }
0x197: {  	_ =	swait.ge [sflag:s22], $0x1000  }
0x198: {  	[sflag:s22] =	ssyncset.done $0x0  }
0x199: {  	[sflag:s22] =	ssyncadd.s32 $0xFFFFF000  }
0x19a: {  	[spmem:s3] =	stream.indirect.scatter.add.f32 [tilespmem:s21], [sflag:$0x5], $0x80, s30, s20, $0xb8;
	[tilespmem:$0x1FEC0] =	vst v63  }
0x19b: {  	_ =	swait.ge [sflag:s13], $0x1000  }
0x19c: {  	[sflag:s13] =	ssyncset.done $0x0  }
0x19d: {  	[sflag:s13] =	ssyncadd.s32 $0xFFFFF000  }
0x19e: {  	[tilespmem:s23], [sflag:$0x2] =	stream.indirect.gather [spmem:s2], $0x80, s31, s20, $0xb8;
	[tilespmem:$0x1FEC0] =	vst v63  }
0x19f: {  	_ =	swait.ge [sflag:s24], $0x1000  }
0x1a0: {  	[sflag:s24] =	ssyncset.done $0x0  }
0x1a1: {  	[sflag:s24] =	ssyncadd.s32 $0xFFFFF000  }
0x1a2: {  	[spmem:s3] =	stream.indirect.scatter.add.f32 [tilespmem:s23], [sflag:$0x5], $0x80, s0, s20, $0xb8;
	[tilespmem:$0x1FEC0] =	vst v63  }
0x1a3: {  	_ =	swait.ge [sflag:s13], $0x1000  }
0x1a4: {  	[sflag:s13] =	ssyncset.done $0x0  }
0x1a5: {  	[sflag:s13] =	ssyncadd.s32 $0xFFFFF000  }
0x1a6: {  	[tilespmem:s21], [sflag:$0x1] =	stream.indirect.gather [spmem:s2], $0x80, s1, s20, $0xb8;
	[tilespmem:$0x1FEC0] =	vst v63  }
0x1a7: {  	_ =	swait.ge [sflag:s22], $0x1000  }
0x1a8: {  	[sflag:s22] =	ssyncset.done $0x0  }
0x1a9: {  	[sflag:s22] =	ssyncadd.s32 $0xFFFFF000  }
0x1aa: {  	[spmem:s3] =	stream.indirect.scatter.add.f32 [tilespmem:s21], [sflag:$0x5], $0x80, s6, s20, $0xb8;
	[tilespmem:$0x1FEC0] =	vst v63  }
0x1ab: {  	_ =	swait.ge [sflag:s13], $0x1000  }
0x1ac: {  	[sflag:s13] =	ssyncset.done $0x0  }
0x1ad: {  	s10 =	sadd.s32 $0x50, s10;
	[sflag:s13] =	ssyncadd.s32 $0xFFFFF000  }
0x1ae: {  	[tilespmem:s23], [sflag:$0x2] =	stream.indirect.gather [spmem:s2], $0x80, s7, s20, $0xb8;
	[tilespmem:$0x1FEC0] =	vst v63  }
0x1af: {  	p1 =	sne.s32 s10, $0xA00;
	_ =	swait.ge [sflag:s24], $0x1000  }
.Ltmp0:
0x1b0: {  	[sflag:s24] =	ssyncset.done $0x0;
	(pc) =	sbr.rel @p1 .LBB2_2-.Ltmp0, $4  }
0x1b1: {  	[sflag:s24] =	ssyncadd.s32 $0xFFFFF000  }
0x1b2: {  	[spmem:s3] =	stream.indirect.scatter.add.f32 [tilespmem:s23], [sflag:$0x5], $0x80, s8, s20, $0xb8;
	[tilespmem:$0x1FEC0] =	vst v63  }
0x1b3: {  	_ =	swait.ge [sflag:s13], $0x1000  }
0x1b4: {  	[sflag:s13] =	ssyncset.done $0x0  }
0x1b5: {  	[sflag:s13] =	ssyncadd.s32 $0xFFFFF000  }
0x1b6: {  	[bflag:$0x0] =	sbarrier.arrive $0xFFFF  }
0x1b7: {  	s10 =	sld [smem:$0x7F7]  }
0x1b8: {  	s11 =	sld [smem:$0x7FD];
	_ =	sdelay $0x2  }
0x1b9: {  	[hbm:s10], [sflag:s5] =	dma.local [spmem:s11], $0x2780  }
0x1ba: {  	_ =	swait.ge [sflag:s13], $0x2780  }
0x1bb: {  	s15 =	sld [smem:$0x7F8];
	_ =	sdelay $0x1  }
0x1bc: {  	s9 =	sadd.s32 $0x1, s9  }
0x1bd: {  	p1 =	sne.s32 s9, s15  }
.Ltmp1:
0x1be: {  	_ = 	snop;
	(pc) =	sbr.rel @p1 .LBB2_1-.Ltmp1, $3  }
0x1bf: {  	_ =	sdelay $0x1  }
0x1c0: {  	[sflag:s13] =	ssyncset.done $0x0  }
0x1c1: {  	[sflag:s13] =	ssyncadd.s32 $0xFFFFD880  }
0x1c2: {  	_ =	sfence.sel $0x180000  }
0x1c3: {  	[bflag:$0x0] =	sbarrier.arrive $0xFFFF  }
0x1c4: {  	_ =	strace $0x9000004A  }
0x1c5: {  	[bflag:$0x2] =	sbarrier.arrive $0xFFFF  }
0x1c6: {  	s0 =	rddreg [dreg:$0x4]  }
0x1c7: {  	s0 =	sadd.s32 @!p0 $0x100000, s0  }
0x1c8: {  	[sflag:s0] =	ssyncadd.tile.s32 @!p0 $0x1;
	_ =	shalt  }
.Lfunc_end2:
_tile_overlayer_lowered:
.L_overlay_start_2:
0x1c9: {  	(tag) =	ssettag $0x2  }
0x1ca: {  	s0 =	rddreg [dreg:$0x0];
	s2 =	stileid.u32  }
0x1cb: {  	s1 =	rddreg [dreg:$0x1];
	p0 =	sne.s32 s2, $0x0  }
0x1cc: {  	s3 =	rddreg [dreg:$0x2];
	[bflag:$0x3] =	sbarrier.arrive $0xFFFF;
	s2 =	simm.s32 @!p0 $0x1C05  }
0x1cd: {  	[timem:s3], [sflag:s2] =	dma.local @!p0 [hbm:s0], s1  }
0x1ce: {  	s0 =	simm.s32 @!p0 $0x5  }
0x1cf: {  	_ =	swait.ge @!p0 [sflag:s0], s1  }
0x1d0: {  	s1 =	ssub.s32 @!p0 $0x0, s1;
	[sflag:s0] =	ssyncset.done @!p0 $0x0  }
0x1d1: {  	[sflag:s0] =	ssyncadd.s32 @!p0 s1  }
0x1d2: {  	[bflag:$0x3] =	sbarrier.arrive $0xFFFF  }
0x1d3: {  	_ =	shalt  }

// kernel: kernel.14.cloned.1.call-start
scs
__scs_entry_jumppad:
0x0: {  	(pc) =	sbr.rel $0x88, $3  }
0x1: {  	(tag) =	ssettag $0x0;
	lr =	simm.s32 $0x1  }
0x2: {  	[smem:$0x3F92] =	sst lr;
	_ =	strace $0xD0000000  }
0x3: {  	_ = 	snop  }
0x4: {  	_ = 	snop  }
0x5: {  	_ = 	snop  }
0x6: {  	_ = 	snop  }
0x7: {  	_ = 	snop  }
__scs_overlays_trampoline_lowered:
0x8: {  	[smem:$0x3FA1] =	sst s0  }
0x9: {  	[smem:$0x3FA2] =	sst s1  }
0xa: {  	[smem:$0x3FA3] =	sst s2  }
0xb: {  	[smem:$0x3FA4] =	sst s3  }
0xc: {  	[smem:$0x3FA5] =	sst s4  }
0xd: {  	[smem:$0x3FA6] =	sst s5  }
0xe: {  	[smem:$0x3FA7] =	sst s6  }
0xf: {  	[smem:$0x3FA8] =	sst s7  }
0x10: {  	[smem:$0x3FA9] =	sst s8  }
0x11: {  	[smem:$0x3FAA] =	sst s9;
	s0 =	simm.s32 @!p0 $0x0  }
0x12: {  	s1 =	sld [smem:$0x3F90];
	s0 =	simm.s32 @p0 $0x1  }
0x13: {  	[smem:$0x3FAB] =	sst s0;
	s0 =	simm.s32 @!p1 $0x0  }
0x14: {  	s2 =	sld [smem:$0x3F8F];
	s0 =	simm.s32 @p1 $0x1  }
0x15: {  	[smem:$0x3FAC] =	sst s0;
	s0 =	simm.s32 @!p2 $0x0  }
0x16: {  	s3 =	sld [smem:$0x3FDB];
	s0 =	simm.s32 @p2 $0x1  }
0x17: {  	s4 =	simm.s32 $0x1BF5;
	[smem:$0x3FAE] =	sst s0  }
0x18: {  	s0 =	sld [smem:$0x3F91];
	_ =	swait.ge [sflag:s4], $0x0  }
0x19: {  	s7 =	sld [smem:$0x3F92]  }
0x1a: {  	s8 =	sadd.s32 $0xFFFFE003, lr  }
0x1b: {  	s9 =	sadd.s32 $0xFFFFFEF7, lr;
	s5 =	simm.s32 $0xFFFFFFFF;
	p2 =	slt.u32 s8, $0xFFFFF086  }
0x1c: {  	p1 =	slt.u32 s9, $0xF7A;
	s5 =	simm.s32 @!p2 $0x0  }
0x1d: {  	s5 =	simm.s32 @p1 $0x1;
	p0 =	seq.s32 s7, s2  }
0x1e: {  	s7 =	smul.u32 @!p0 $0xF7A, s2;
	p2 =	seq.s32 @!p0 s5, $0x0  }
0x1f: {  	s9 =	smul.u32 $0xF7A, s1;
	s8 =	simm.s32 @!p0 $0x1BF5;
	p2 =	por !p2, p0  }
0x20: {  	[sflag:s8] =	ssyncset.s32 @!p0 $0xFFFFF086;
	s6 =	sadd.s32 @!p0 s3, s7;
	s7 =	simm.s32 @!p0 $0x108  }
0x21: {  	s3 =	sadd.s32 s3, s9;
	s6 =	sadd.s32 @!p0 $0x88, s6;
	s7 =	simm.s32 @p2 $0x1082  }
0x22: {  	[simem:s7], [sflag:s8] =	dma.local @!p0 [hbm:s6], $0xF7A  }
0x23: {  	s9 =	sor.u32 $0xD0000000, s2;
	s6 =	simm.s32 $0x108;
	_ =	swait.ge @!p0 [sflag:s8], $0x0  }
0x24: {  	s3 =	sadd.s32 $0x88, s3;
	s6 =	simm.s32 @!p1 $0x1082;
	[sflag:s4] =	ssyncset.s32 $0xFFFFF086  }
0x25: {  	[simem:s6], [sflag:s4] =	dma.local [hbm:s3], $0xF7A  }
0x26: {  	[smem:$0x3F92] =	sst s1;
	(tag) =	ssettag s2;
	_ =	strace s9  }
0x27: {  	s1 =	sld [smem:$0x3FA2]  }
0x28: {  	s2 =	sld [smem:$0x3FA3]  }
0x29: {  	s4 =	sld [smem:$0x3FA5]  }
0x2a: {  	p0 =	seq.s32 s5, $0x0;
	s5 =	sld [smem:$0x3FA6]  }
0x2b: {  	s6 =	sld [smem:$0x3FA7]  }
0x2c: {  	s7 =	sld [smem:$0x3FA8]  }
0x2d: {  	s3 =	simm.s32 $0x108;
	s8 =	sld [smem:$0x3FA9]  }
0x2e: {  	s3 =	simm.s32 @!p0 $0x1082;
	s9 =	sld [smem:$0x3FAA]  }
0x2f: {  	lr =	sadd.s32 s0, s3;
	s0 =	sld [smem:$0x3FA1]  }
0x30: {  	s3 =	sld [smem:$0x3FA4]  }
0x31: {  	[smem:$0x3FAD] =	sst s10  }
0x32: {  	s10 =	sld [smem:$0x3FAB];
	_ =	sdelay $0x3  }
0x33: {  	p0 =	seq.s32 s10, $0x1;
	s10 =	sld [smem:$0x3FAD];
	_ =	sdelay $0x3  }
0x34: {  	[smem:$0x3FAD] =	sst s10  }
0x35: {  	s10 =	sld [smem:$0x3FAC];
	_ =	sdelay $0x3  }
0x36: {  	p1 =	seq.s32 s10, $0x1;
	s10 =	sld [smem:$0x3FAD];
	_ =	sdelay $0x3  }
0x37: {  	[smem:$0x3FAD] =	sst s10  }
0x38: {  	s10 =	sld [smem:$0x3FAE]  }
0x39: {  	_ = 	snop;
	(pc) =	sbr.ind lr, $3  }
0x3a: {  	_ = 	snop  }
0x3b: {  	_ = 	snop  }
0x3c: {  	p2 =	seq.s32 s10, $0x1;
	s10 =	sld [smem:$0x3FAD]  }
0x3d: {  	_ =	shalt  }
0x3e: {  	_ =	shalt  }
0x3f: {  	_ =	shalt  }
0x40: {  	_ =	shalt  }
0x41: {  	_ =	shalt  }
0x42: {  	_ =	shalt  }
0x43: {  	_ =	shalt  }
0x44: {  	_ =	shalt  }
0x45: {  	_ =	shalt  }
0x46: {  	_ =	shalt  }
0x47: {  	_ =	shalt  }
0x48: {  	_ =	shalt  }
0x49: {  	_ =	shalt  }
0x4a: {  	_ =	shalt  }
0x4b: {  	_ =	shalt  }
0x4c: {  	_ =	shalt  }
0x4d: {  	_ =	shalt  }
0x4e: {  	_ =	shalt  }
0x4f: {  	_ =	shalt  }
0x50: {  	_ =	shalt  }
0x51: {  	_ =	shalt  }
0x52: {  	_ =	shalt  }
0x53: {  	_ =	shalt  }
0x54: {  	_ =	shalt  }
0x55: {  	_ =	shalt  }
0x56: {  	_ =	shalt  }
0x57: {  	_ =	shalt  }
0x58: {  	_ =	shalt  }
0x59: {  	_ =	shalt  }
0x5a: {  	_ =	shalt  }
0x5b: {  	_ =	shalt  }
0x5c: {  	_ =	shalt  }
0x5d: {  	_ =	shalt  }
0x5e: {  	_ =	shalt  }
0x5f: {  	_ =	shalt  }
0x60: {  	_ =	shalt  }
0x61: {  	_ =	shalt  }
0x62: {  	_ =	shalt  }
0x63: {  	_ =	shalt  }
0x64: {  	_ =	shalt  }
0x65: {  	_ =	shalt  }
0x66: {  	_ =	shalt  }
0x67: {  	_ =	shalt  }
0x68: {  	_ =	shalt  }
0x69: {  	_ =	shalt  }
0x6a: {  	_ =	shalt  }
0x6b: {  	_ =	shalt  }
0x6c: {  	_ =	shalt  }
0x6d: {  	_ =	shalt  }
0x6e: {  	_ =	shalt  }
0x6f: {  	_ =	shalt  }
0x70: {  	_ =	shalt  }
0x71: {  	_ =	shalt  }
0x72: {  	_ =	shalt  }
0x73: {  	_ =	shalt  }
0x74: {  	_ =	shalt  }
0x75: {  	_ =	shalt  }
0x76: {  	_ =	shalt  }
0x77: {  	_ =	shalt  }
0x78: {  	_ =	shalt  }
0x79: {  	_ =	shalt  }
0x7a: {  	_ =	shalt  }
0x7b: {  	_ =	shalt  }
0x7c: {  	_ =	shalt  }
0x7d: {  	_ =	shalt  }
0x7e: {  	_ =	shalt  }
0x7f: {  	_ =	shalt  }
0x80: {  	_ =	shalt  }
0x81: {  	_ =	shalt  }
0x82: {  	_ =	shalt  }
0x83: {  	_ =	shalt  }
0x84: {  	_ =	shalt  }
0x85: {  	_ =	shalt  }
0x86: {  	_ =	shalt  }
0x87: {  	_ =	shalt  }
.Lfunc_end0:
.L_simem_size_0:
called_computation.2_lowered:
.L_overlay_start_0:
0x88: {  	s2 =	sld [smem:$0x3FD9]  }
0x89: {  	s3 =	sld [smem:$0x3FFE];
	_ =	sdelay $0x1  }
0x8a: {  	s1 =	srdreg.scid  }
0x8b: {  	s0 =	sand.u32 $0x1, s1  }
0x8c: {  	s17 =	sshll.u32 s0, $0xA;
	s2 =	sadd.s32 s3, s2  }
0x8d: {  	s2 =	sadd.s32 s2, s17  }
0x8e: {  	[smem:$0x3FB9] =	sst s2  }
0x8f: {  	_ = 	snop  }
0x90: {  	s2 =	sld [smem:$0x3FD0];
	(tm) =	ssettm $0x1  }
0x91: {  	s18 =	sld [smem:$0x3FFB];
	_ =	sdelay $0x3  }
0x92: {  	_ =	strace s18  }
0x93: {  	s3 =	sld [smem:$0x3FFC];
	_ =	sdelay $0x3  }
0x94: {  	_ =	strace s3  }
0x95: {  	s3 =	sld [smem:$0x3FFD];
	_ =	sdelay $0x3  }
0x96: {  	_ =	strace s3  }
0x97: {  	_ =	strace $0x8FFFFFFF  }
0x98: {  	s19 =	sld [smem:$0x3FDB];
	_ =	sdelay $0x1  }
0x99: {  	s4 =	simm.s32 $_scs_section_size  }
0x9a: {  	s5 =	simm.s32 $_size__tile_overlayer_lowered;
	s6 =	simm.s32 $_tile_overlayer_lowered  }
0x9b: {  	s22 =	simm.s32 $0x1BFF;
	s21 =	sshll.u32 s6, $0x1;
	s3 =	sadd.s32 s4, s19  }
0x9c: {  	s7 =	simm.s32 $0x0;
	s20 =	sshll.u32 s5, $0x1;
	s5 =	sadd.s32 s21, s3  }
0x9d: {  	[timem:s7], [sflag:s22] =	dma.local [hbm:s5], s20  }
0x9e: {  	_ =	swait.ge [sflag:s22], s20  }
0x9f: {  	s4 =	ssub.s32 $0x0, s20;
	[sflag:s22] =	ssyncset.done $0x0  }
0xa0: {  	[sflag:s22] =	ssyncadd.s32 s4;
	_ =	sdelay $0x1  }
0xa1: {  	s23 =	simm.s32 $0x1B8B  }
0xa2: {  	_ =	swait.ge [sflag:s23], $0x1  }
0xa3: {  	[sflag:s23] =	ssyncset.done $0x0  }
0xa4: {  	s25 =	simm.s32 $0x1B8E;
	s24 =	sld [smem:$0x3FFE];
	[sflag:s23] =	ssyncadd.s32 $0xFFFFFFFF  }
0xa5: {  	s26 =	simm.s32 $execute0_lowered;
	[smem:$0x3FD2] =	sst s25  }
0xa6: {  	s5 =	sshll.u32 s26, $0x1;
	_ =	strace $0x8000004C;
	[dreg:$0x1] =	wrdreg $0xFFFFFFFF  }
0xa7: {  	s28 =	simm.s32 $_size_execute0_lowered;
	s3 =	sadd.s32 s3, s5;
	[dreg:$0x0] =	wrdreg $0x0  }
0xa8: {  	s5 =	sshll.u32 s28, $0x1;
	[dreg:$0x2] =	wrdreg s3  }
0xa9: {  	[dreg:$0x3] =	wrdreg s5  }
0xaa: {  	[dreg:$0x4] =	wrdreg $0xC0  }
0xab: {  	_ =	task [dreg:s7], $0x5FFFF  }
0xac: {  	[dreg:$0x1] =	wrdreg $0xFFFFFFFF  }
0xad: {  	[dreg:$0x0] =	wrdreg $0x60  }
0xae: {  	[dreg:$0x2] =	wrdreg s24  }
0xaf: {  	[dreg:$0x3] =	wrdreg s2  }
0xb0: {  	[dreg:$0x4] =	wrdreg $0x26000  }
0xb1: {  	[dreg:$0x5] =	wrdreg $0xC2C00  }
0xb2: {  	[dreg:$0x6] =	wrdreg $0x9  }
0xb3: {  	_ =	task.clear_ibuf [dreg:s7], $0x7FFFF;
	_ =	strace $0x9000004C  }
0xb4: {  	s29 =	simm.s32 $0x9;
	_ =	strace $0x8000004E  }
0xb5: {  	_ =	swait.ge [sflag:s29], $0x1  }
0xb6: {  	[sflag:s29] =	ssyncadd.s32 $0xFFFFFFFF  }
0xb7: {  	_ =	strace $0x9000004E  }
0xb8: {  	_ =	sfence  }
0xb9: {  	s30 =	sld [smem:$0x0];
	_ =	sdelay $0x2  }
0xba: {  	s31 =	sshll.u32 s1, $0xD;
	s1 =	sshrl.u32 s1, $0x2  }
0xbb: {  	s3 =	sand.u32 $0x4000, s31;
	s1 =	sadd.s32 s1, s30  }
0xbc: {  	s0 =	sor.u32 s3, s0;
	s1 =	sshll.u32 s1, $0x11  }
0xbd: {  	s0 =	sor.u32 s1, s0  }
0xbe: {  	s0 =	sadd.s32 $0x8F2B, s0  }
0xbf: {  	[sflag:s0] =	ssyncadd.remote.s32 $0x1  }
0xc0: {  	_ =	sfence.sel $0xFFFF  }
0xc1: {  	[dreg:$0x0] =	wrdreg $0xFFFFFFFF;
	(pc) =	sbr.abs _section_cstart, $3  }
0xc2: {  	[dreg:$0x1] =	wrdreg $0xFFFFFFFF  }
0xc3: {  	_ =	task.clear_ibuf [dreg:s7], $0x2FFFF;
	_ =	strace $0x9FFFFFFF  }
0xc4: {  	(tm) =	ssettm $0x7FFFFFFF  }
0xc5: {  	_ =	shalt  }
tec
execute0_lowered:
.L_overlay_start_1:
0x0: {  	(tag) =	ssettag $0x1  }
0x1: {  	s1 =	rddreg [dreg:$0x0]  }
0x2: {  	s2 =	rddreg [dreg:$0x2];
	s0 =	stileid.u32  }
0x3: {  	s3 =	rddreg [dreg:$0x3];
	s13 =	smul.u32 $0x2780, s0  }
0x4: {  	s5 =	srdreg.scid;
	s4 =	simm.s32 $0x0;
	s8 =	smul.u32 $0x4F000, s0  }
0x5: {  	s24 =	simm.s32 $0x1A0;
	s26 =	simm.s32 $0x40;
	s12 =	smul.u32 $0x5000, s0  }
0x6: {  	s6 =	sand.u32 $0x1, s5;
	[smem:$0x7FF] =	sst s4;
	s18 =	smul.u32 $0x27000, s0  }
0x7: {  	s9 =	sadd.s32 $0x2CA00, s1;
	s10 =	sadd.s32 $0x18A00, s1;
	s7 =	smul.u32 $0x27800, s6  }
0x8: {  	_ =	strace $0x8000004D;
	s11 =	smul.u32 $0x50000, s6;
	[dreg:$0x9] =	wrdreg s24  }
0x9: {  	s14 =	ssub.s32 $0x2, s6;
	s21 =	smul.u32 $0x13800, s6;
	[dreg:$0xa] =	wrdreg s26  }
0xa: {  	s6 =	smul.u32 $0x9C000, s6;
	s24 =	simm.s32 $0xC0;
	s26 =	simm.s32 $0xE0  }
0xb: {  	s15 =	sshrl.u32 s14, $0x1;
	s16 =	sshrl.u32 s8, $0x2;
	[dreg:$0x12] =	wrdreg s24  }
0xc: {  	[dreg:$0x14] =	wrdreg s26;
	s24 =	simm.s32 $0x4E0;
	s26 =	simm.s32 $0x500  }
0xd: {  	s5 =	sadd.s32 s13, s7;
	s13 =	sadd.s32 $0x4A00, s1;
	s7 =	ssub.s32 s14, s15  }
0xe: {  	s8 =	sadd.s32 s12, s11;
	s15 =	sadd.s32 s16, s3;
	s12 =	sshrl.u32 s18, $0x2  }
0xf: {  	s18 =	simm.s32 $0x1E0;
	s6 =	sshrl.u32 s6, $0x3;
	[dreg:$0x1f] =	wrdreg s24  }
0x10: {  	[smem:$0x7FC] =	sst s26;
	s1 =	sadd.s32 s5, s1;
	s16 =	sor.u32 $0x140, s8  }
0x11: {  	[dreg:$0xd] =	wrdreg s18;
	s6 =	sadd.s32 s9, s6;
	s18 =	simm.s32 $0x2A0  }
0x12: {  	s20 =	sshrl.u32 s16, $0x3;
	s16 =	simm.s32 $0x1C0;
	[dreg:$0x19] =	wrdreg s18  }
0x13: {  	s14 =	sor.u32 $0x280, s8;
	s6 =	sadd.s32 $0x13800, s6;
	[dreg:$0xb] =	wrdreg s16  }
0x14: {  	s19 =	sshrl.u32 s14, $0x3;
	s1 =	sadd.s32 $0x53C00, s1;
	[smem:$0x7F4] =	sst s6  }
0x15: {  	s17 =	sshll.u32 s0, $0x6;
	s14 =	sadd.s32 s19, s13;
	[smem:$0x7F7] =	sst s1  }
0x16: {  	s5 =	sor.u32 $0x1C05, s17;
	s11 =	sadd.s32 s19, s10;
	[dreg:$0x5] =	wrdreg s14  }
0x17: {  	s17 =	smul.u32 $0x1380, s0;
	s22 =	sadd.s32 s20, s13;
	[dreg:$0x6] =	wrdreg s11  }
0x18: {  	s23 =	sadd.s32 s20, s10;
	[dreg:$0x7] =	wrdreg s22  }
0x19: {  	s25 =	sadd.s32 s17, s21;
	s17 =	simm.s32 $0x60;
	[dreg:$0x8] =	wrdreg s23  }
0x1a: {  	s19 =	simm.s32 $0x80;
	[dreg:$0xc] =	wrdreg s17  }
0x1b: {  	s28 =	simm.s32 $0x520;
	s20 =	simm.s32 $0x200;
	[dreg:$0xe] =	wrdreg s19  }
0x1c: {  	s8 =	sshrl.u32 s8, $0x3;
	s21 =	simm.s32 $0xA0;
	[dreg:$0xf] =	wrdreg s20  }
0x1d: {  	s14 =	sadd.s32 s12, s2;
	s12 =	sadd.s32 s9, s25;
	[dreg:$0x10] =	wrdreg s21  }
0x1e: {  	s29 =	simm.s32 $0x3C0;
	s23 =	sadd.s32 s10, s8;
	[smem:$0x7F3] =	sst s12  }
0x1f: {  	s30 =	simm.s32 $0x540;
	s22 =	simm.s32 $0x220;
	[smem:$0x7F5] =	sst s23  }
0x20: {  	s31 =	simm.s32 $0x3E0;
	s8 =	sadd.s32 s13, s8;
	[dreg:$0x11] =	wrdreg s22  }
0x21: {  	p0 =	sne.s32 s0, $0x0;
	s25 =	simm.s32 $0x240;
	[smem:$0x7F6] =	sst s8  }
0x22: {  	s24 =	simm.s32 $0x2;
	s9 =	simm.s32 $0x260;
	[dreg:$0x13] =	wrdreg s25  }
0x23: {  	s16 =	sadd.s32 $0x9C000, s2;
	s10 =	simm.s32 $0x100;
	[dreg:$0x15] =	wrdreg s9  }
0x24: {  	s11 =	sshrl.u32 s15, $0x3;
	s15 =	simm.s32 $0x120;
	[dreg:$0x16] =	wrdreg s10  }
0x25: {  	s26 =	simm.s32 $0x3A0;
	s1 =	sshrl.u32 @!p0 s16, $0x3;
	[dreg:$0x18] =	wrdreg s15  }
0x26: {  	s0 =	simm.s32 $0x560;
	s19 =	simm.s32 $0x320;
	[smem:$0x7FA] =	sst s1  }
0x27: {  	s18 =	simm.s32 $0x300;
	s20 =	simm.s32 $0x4A0;
	[dreg:$0x1a] =	wrdreg s19  }
0x28: {  	s6 =	simm.s32 $0x580;
	s21 =	simm.s32 $0x340;
	[dreg:$0x1b] =	wrdreg s20  }
0x29: {  	s13 =	simm.s32 $0x5;
	s16 =	simm.s32 $0x180;
	[dreg:$0x1c] =	wrdreg s21  }
0x2a: {  	s8 =	smax.u32 s7, $0x1;
	s12 =	simm.s32 $0x280;
	[smem:$0x7FD] =	sst s11  }
0x2b: {  	s17 =	sshrl.u32 s14, $0x3;
	s22 =	simm.s32 $0x4C0;
	[smem:$0x7F8] =	sst s8  }
0x2c: {  	s19 =	simm.s32 $0x480;
	s23 =	simm.s32 $0x360;
	[dreg:$0x17] =	wrdreg s12  }
0x2d: {  	s20 =	simm.s32 $0x20;
	s21 =	simm.s32 $0x600;
	[smem:$0x7F9] =	sst s17  }
0x2e: {  	s25 =	simm.s32 $0x380;
	s1 =	simm.s32 $0x400;
	[dreg:$0x1d] =	wrdreg s22  }
0x2f: {  	s7 =	simm.s32 $0x420;
	s9 =	simm.s32 $0x0;
	[dreg:$0x1e] =	wrdreg s23  }
0x30: {  	s17 =	simm.s32 $0x3;
	s22 =	simm.s32 $0x1;
	[smem:$0x7FB] =	sst s25  }
0x31: {  	s23 =	simm.s32 $0x1600;
	s25 =	simm.s32 $0x4;
	s8 =	simm.s32 $0x5A0  }
.LBB2_1:
0x32: {  	s10 =	rddreg [dreg:$0x1]  }
0x33: {  	[spmem:s11], [sflag:s5] =	dma.local [hbm:s10], $0x2780  }
0x34: {  	_ =	swait.ge [sflag:s13], $0x2780  }
0x35: {  	s11 =	sld [smem:$0x7F3]  }
0x36: {  	s12 =	sld [smem:$0x7F9]  }
0x37: {  	[sflag:s13] =	ssyncset.done $0x0  }
0x38: {  	[sflag:s13] =	ssyncadd.s32 $0xFFFFD880  }
0x39: {  	[spmem:s12], [sflag:s5] =	dma.local [hbm:s11], $0x1380  }
0x3a: {  	_ =	swait.ge [sflag:s13], $0x1380  }
0x3b: {  	s10 =	sld [smem:$0x7F4]  }
0x3c: {  	s11 =	sld [smem:$0x7FA]  }
0x3d: {  	[sflag:s13] =	ssyncset.done $0x0  }
0x3e: {  	[sflag:s13] =	ssyncadd.s32 $0xFFFFEC80  }
0x3f: {  	[spmem:s11], [sflag:s5] =	dma.local @!p0 [hbm:s10], $0x100  }
0x40: {  	s10 =	simm.s32 @!p0 $0x5  }
0x41: {  	_ =	swait.ge @!p0 [sflag:s10], $0x100  }
0x42: {  	[sflag:s10] =	ssyncset.done @!p0 $0x0  }
0x43: {  	[sflag:s10] =	ssyncadd.s32 @!p0 $0xFFFFFF00  }
0x44: {  	[bflag:$0x0] =	sbarrier.arrive $0xFFFF  }
0x45: {  	s14 =	sld [smem:$0x7F5];
	_ =	sdelay $0x1  }
0x46: {  	s15 =	sld [smem:$0x7F6]  }
0x47: {  	[tilespmem:s4], [sflag:$0x3] =	stream.linear.gather [hbm4b:s14+s4], $0x140, $0x38;
	[tilespmem:$0x1FEC0] =	vst v63  }
0x48: {  	_ = 	snop  }
0x49: {  	[tilespmem:s16], [sflag:$0x3] =	stream.linear.gather [hbm4b:s15+s4], $0x140, $0x38;
	[tilespmem:$0x1FEC0] =	vst v63  }
0x4a: {  	_ =	swait.ge [sflag:s17], $0x140  }
0x4b: {  	[sflag:s17] =	ssyncset.done $0x0  }
0x4c: {  	[sflag:s17] =	ssyncadd.s32 $0xFFFFFEC0  }
0x4d: {  	_ =	swait.ge [sflag:s17], $0x140  }
0x4e: {  	s11 =	rddreg [dreg:$0x8];
	[sflag:s17] =	ssyncset.done $0x0  }
0x4f: {  	s12 =	rddreg [dreg:$0x7];
	[sflag:s17] =	ssyncadd.s32 $0xFFFFFEC0;
	s10 =	sadd.s32 $0x0, s11  }
0x50: {  	[tilespmem:s18], [sflag:$0x4] =	stream.linear.gather [hbm4b:s10+s4], $0x140, $0x38;
	[tilespmem:$0x1FEC0] =	vst v63  }
0x51: {  	s14 =	sadd.s32 $0x0, s12  }
0x52: {  	[tilespmem:s19], [sflag:$0x4] =	stream.linear.gather [hbm4b:s14+s4], $0x140, $0x38;
	[tilespmem:$0x1FEC0] =	vst v63  }
0x53: {  	_ = 	snop  }
0x54: {  	[tilespmem:s21], [sflag:$0x1] =	stream.indirect.gather [spmem:s2], $0x80, s4, s20, $0xb8;
	[tilespmem:$0x1FEC0] =	vst v63  }
0x55: {  	_ =	swait.ge [sflag:s22], $0x1000  }
0x56: {  	[sflag:s22] =	ssyncset.done $0x0  }
0x57: {  	[sflag:s22] =	ssyncadd.s32 $0xFFFFF000  }
0x58: {  	[spmem:s3] =	stream.indirect.scatter.add.f32 [tilespmem:s21], [sflag:$0x5], $0x80, s16, s20, $0xb8;
	[tilespmem:$0x1FEC0] =	vst v63  }
0x59: {  	_ =	swait.ge [sflag:s13], $0x1000  }
0x5a: {  	[sflag:s13] =	ssyncset.done $0x0  }
0x5b: {  	[sflag:s13] =	ssyncadd.s32 $0xFFFFF000  }
0x5c: {  	[tilespmem:s23], [sflag:$0x2] =	stream.indirect.gather [spmem:s2], $0x80, s20, s20, $0xb8;
	[tilespmem:$0x1FEC0] =	vst v63  }
0x5d: {  	_ =	swait.ge [sflag:s24], $0x1000  }
0x5e: {  	[sflag:s24] =	ssyncset.done $0x0  }
0x5f: {  	s15 =	rddreg [dreg:$0x9];
	[sflag:s24] =	ssyncadd.s32 $0xFFFFF000  }
0x60: {  	[spmem:s3] =	stream.indirect.scatter.add.f32 [tilespmem:s23], [sflag:$0x5], $0x80, s15, s20, $0xb8;
	[tilespmem:$0x1FEC0] =	vst v63  }
0x61: {  	_ =	swait.ge [sflag:s13], $0x1000  }
0x62: {  	[sflag:s13] =	ssyncset.done $0x0  }
0x63: {  	s11 =	rddreg [dreg:$0xa];
	[sflag:s13] =	ssyncadd.s32 $0xFFFFF000  }
0x64: {  	[tilespmem:s21], [sflag:$0x1] =	stream.indirect.gather [spmem:s2], $0x80, s11, s20, $0xb8;
	[tilespmem:$0x1FEC0] =	vst v63  }
0x65: {  	_ =	swait.ge [sflag:s22], $0x1000  }
0x66: {  	[sflag:s22] =	ssyncset.done $0x0  }
0x67: {  	s12 =	rddreg [dreg:$0xb];
	[sflag:s22] =	ssyncadd.s32 $0xFFFFF000  }
0x68: {  	[spmem:s3] =	stream.indirect.scatter.add.f32 [tilespmem:s21], [sflag:$0x5], $0x80, s12, s20, $0xb8;
	[tilespmem:$0x1FEC0] =	vst v63  }
0x69: {  	_ =	swait.ge [sflag:s13], $0x1000  }
0x6a: {  	[sflag:s13] =	ssyncset.done $0x0  }
0x6b: {  	s14 =	rddreg [dreg:$0xc];
	[sflag:s13] =	ssyncadd.s32 $0xFFFFF000  }
0x6c: {  	[tilespmem:s23], [sflag:$0x2] =	stream.indirect.gather [spmem:s2], $0x80, s14, s20, $0xb8;
	[tilespmem:$0x1FEC0] =	vst v63  }
0x6d: {  	_ =	swait.ge [sflag:s24], $0x1000  }
0x6e: {  	[sflag:s24] =	ssyncset.done $0x0  }
0x6f: {  	s15 =	rddreg [dreg:$0xd];
	[sflag:s24] =	ssyncadd.s32 $0xFFFFF000  }
0x70: {  	[spmem:s3] =	stream.indirect.scatter.add.f32 [tilespmem:s23], [sflag:$0x5], $0x80, s15, s20, $0xb8;
	[tilespmem:$0x1FEC0] =	vst v63  }
0x71: {  	_ =	swait.ge [sflag:s13], $0x1000  }
0x72: {  	[sflag:s13] =	ssyncset.done $0x0  }
0x73: {  	s11 =	rddreg [dreg:$0xe];
	[sflag:s13] =	ssyncadd.s32 $0xFFFFF000  }
0x74: {  	[tilespmem:s21], [sflag:$0x1] =	stream.indirect.gather [spmem:s2], $0x80, s11, s20, $0xb8;
	[tilespmem:$0x1FEC0] =	vst v63  }
0x75: {  	_ =	swait.ge [sflag:s22], $0x1000  }
0x76: {  	[sflag:s22] =	ssyncset.done $0x0  }
0x77: {  	s12 =	rddreg [dreg:$0xf];
	[sflag:s22] =	ssyncadd.s32 $0xFFFFF000  }
0x78: {  	[spmem:s3] =	stream.indirect.scatter.add.f32 [tilespmem:s21], [sflag:$0x5], $0x80, s12, s20, $0xb8;
	[tilespmem:$0x1FEC0] =	vst v63  }
0x79: {  	_ =	swait.ge [sflag:s13], $0x1000  }
0x7a: {  	[sflag:s13] =	ssyncset.done $0x0  }
0x7b: {  	s14 =	rddreg [dreg:$0x10];
	[sflag:s13] =	ssyncadd.s32 $0xFFFFF000  }
0x7c: {  	[tilespmem:s23], [sflag:$0x2] =	stream.indirect.gather [spmem:s2], $0x80, s14, s20, $0xb8;
	[tilespmem:$0x1FEC0] =	vst v63  }
0x7d: {  	_ =	swait.ge [sflag:s24], $0x1000  }
0x7e: {  	[sflag:s24] =	ssyncset.done $0x0  }
0x7f: {  	s15 =	rddreg [dreg:$0x11];
	[sflag:s24] =	ssyncadd.s32 $0xFFFFF000  }
0x80: {  	[spmem:s3] =	stream.indirect.scatter.add.f32 [tilespmem:s23], [sflag:$0x5], $0x80, s15, s20, $0xb8;
	[tilespmem:$0x1FEC0] =	vst v63  }
0x81: {  	_ =	swait.ge [sflag:s13], $0x1000  }
0x82: {  	[sflag:s13] =	ssyncset.done $0x0  }
0x83: {  	s11 =	rddreg [dreg:$0x12];
	[sflag:s13] =	ssyncadd.s32 $0xFFFFF000  }
0x84: {  	[tilespmem:s21], [sflag:$0x1] =	stream.indirect.gather [spmem:s2], $0x80, s11, s20, $0xb8;
	[tilespmem:$0x1FEC0] =	vst v63  }
0x85: {  	_ =	swait.ge [sflag:s22], $0x1000  }
0x86: {  	[sflag:s22] =	ssyncset.done $0x0  }
0x87: {  	s12 =	rddreg [dreg:$0x13];
	[sflag:s22] =	ssyncadd.s32 $0xFFFFF000  }
0x88: {  	[spmem:s3] =	stream.indirect.scatter.add.f32 [tilespmem:s21], [sflag:$0x5], $0x80, s12, s20, $0xb8;
	[tilespmem:$0x1FEC0] =	vst v63  }
0x89: {  	_ =	swait.ge [sflag:s13], $0x1000  }
0x8a: {  	[sflag:s13] =	ssyncset.done $0x0  }
0x8b: {  	s14 =	rddreg [dreg:$0x14];
	[sflag:s13] =	ssyncadd.s32 $0xFFFFF000  }
0x8c: {  	[tilespmem:s23], [sflag:$0x2] =	stream.indirect.gather [spmem:s2], $0x80, s14, s20, $0xb8;
	[tilespmem:$0x1FEC0] =	vst v63  }
0x8d: {  	_ =	swait.ge [sflag:s24], $0x1000  }
0x8e: {  	[sflag:s24] =	ssyncset.done $0x0  }
0x8f: {  	s15 =	rddreg [dreg:$0x15];
	[sflag:s24] =	ssyncadd.s32 $0xFFFFF000  }
0x90: {  	[spmem:s3] =	stream.indirect.scatter.add.f32 [tilespmem:s23], [sflag:$0x5], $0x80, s15, s20, $0xb8;
	[tilespmem:$0x1FEC0] =	vst v63  }
0x91: {  	_ =	swait.ge [sflag:s13], $0x1000  }
0x92: {  	[sflag:s13] =	ssyncset.done $0x0  }
0x93: {  	s11 =	rddreg [dreg:$0x16];
	[sflag:s13] =	ssyncadd.s32 $0xFFFFF000  }
0x94: {  	[tilespmem:s21], [sflag:$0x1] =	stream.indirect.gather [spmem:s2], $0x80, s11, s20, $0xb8;
	[tilespmem:$0x1FEC0] =	vst v63  }
0x95: {  	_ =	swait.ge [sflag:s22], $0x1000  }
0x96: {  	[sflag:s22] =	ssyncset.done $0x0  }
0x97: {  	s12 =	rddreg [dreg:$0x17];
	[sflag:s22] =	ssyncadd.s32 $0xFFFFF000  }
0x98: {  	[spmem:s3] =	stream.indirect.scatter.add.f32 [tilespmem:s21], [sflag:$0x5], $0x80, s12, s20, $0xb8;
	[tilespmem:$0x1FEC0] =	vst v63  }
0x99: {  	_ =	swait.ge [sflag:s13], $0x1000  }
0x9a: {  	[sflag:s13] =	ssyncset.done $0x0  }
0x9b: {  	s14 =	rddreg [dreg:$0x18];
	[sflag:s13] =	ssyncadd.s32 $0xFFFFF000  }
0x9c: {  	[tilespmem:s23], [sflag:$0x2] =	stream.indirect.gather [spmem:s2], $0x80, s14, s20, $0xb8;
	[tilespmem:$0x1FEC0] =	vst v63  }
0x9d: {  	_ =	swait.ge [sflag:s24], $0x1000  }
0x9e: {  	[sflag:s24] =	ssyncset.done $0x0  }
0x9f: {  	s15 =	rddreg [dreg:$0x19];
	[sflag:s24] =	ssyncadd.s32 $0xFFFFF000  }
0xa0: {  	[spmem:s3] =	stream.indirect.scatter.add.f32 [tilespmem:s23], [sflag:$0x5], $0x80, s15, s20, $0xb8;
	[tilespmem:$0x1FEC0] =	vst v63  }
0xa1: {  	_ =	swait.ge [sflag:s13], $0x1000  }
0xa2: {  	[sflag:s13] =	ssyncset.done $0x0  }
0xa3: {  	[sflag:s13] =	ssyncadd.s32 $0xFFFFF000  }
0xa4: {  	_ =	swait.ge [sflag:s25], $0x140  }
0xa5: {  	[sflag:s25] =	ssyncset.done $0x0  }
0xa6: {  	[sflag:s25] =	ssyncadd.s32 $0xFFFFFEC0  }
0xa7: {  	p1 =	por $0x0, $0x0;
	_ =	swait.ge [sflag:s25], $0x140  }
0xa8: {  	s14 =	simm.s32 @!p1 $0x0;
	s10 =	rddreg [dreg:$0x6];
	[sflag:s25] =	ssyncset.done $0x0  }
0xa9: {  	s11 =	rddreg [dreg:$0x5];
	[sflag:s25] =	ssyncadd.s32 $0xFFFFFEC0;
	s10 =	sadd.s32 @!p1 $0x0, s10  }
0xaa: {  	[tilespmem:s14], [sflag:$0x3] =	stream.linear.gather @!p1 [hbm4b:s10+s14], $0x140, $0x38;
	[tilespmem:$0x1FEC0] =	vst v63  }
0xab: {  	s10 =	sadd.s32 @!p1 $0x0, s11;
	s11 =	simm.s32 @!p1 $0x180  }
0xac: {  	[tilespmem:s11], [sflag:$0x3] =	stream.linear.gather @!p1 [hbm4b:s10+s14], $0x140, $0x38;
	[tilespmem:$0x1FEC0] =	vst v63  }
0xad: {  	_ = 	snop  }
0xae: {  	[tilespmem:s21], [sflag:$0x1] =	stream.indirect.gather [spmem:s2], $0x80, s18, s20, $0xb8;
	[tilespmem:$0x1FEC0] =	vst v63  }
0xaf: {  	_ =	swait.ge [sflag:s22], $0x1000  }
0xb0: {  	[sflag:s22] =	ssyncset.done $0x0  }
0xb1: {  	[sflag:s22] =	ssyncadd.s32 $0xFFFFF000  }
0xb2: {  	[spmem:s3] =	stream.indirect.scatter.add.f32 [tilespmem:s21], [sflag:$0x5], $0x80, s19, s20, $0xb8;
	[tilespmem:$0x1FEC0] =	vst v63  }
0xb3: {  	_ =	swait.ge [sflag:s13], $0x1000  }
0xb4: {  	[sflag:s13] =	ssyncset.done $0x0  }
0xb5: {  	s11 =	rddreg [dreg:$0x1a];
	[sflag:s13] =	ssyncadd.s32 $0xFFFFF000  }
0xb6: {  	[tilespmem:s23], [sflag:$0x2] =	stream.indirect.gather [spmem:s2], $0x80, s11, s20, $0xb8;
	[tilespmem:$0x1FEC0] =	vst v63  }
0xb7: {  	_ =	swait.ge [sflag:s24], $0x1000  }
0xb8: {  	[sflag:s24] =	ssyncset.done $0x0  }
0xb9: {  	s12 =	rddreg [dreg:$0x1b];
	[sflag:s24] =	ssyncadd.s32 $0xFFFFF000  }
0xba: {  	[spmem:s3] =	stream.indirect.scatter.add.f32 [tilespmem:s23], [sflag:$0x5], $0x80, s12, s20, $0xb8;
	[tilespmem:$0x1FEC0] =	vst v63  }
0xbb: {  	_ =	swait.ge [sflag:s13], $0x1000  }
0xbc: {  	[sflag:s13] =	ssyncset.done $0x0  }
0xbd: {  	s14 =	rddreg [dreg:$0x1c];
	[sflag:s13] =	ssyncadd.s32 $0xFFFFF000  }
0xbe: {  	[tilespmem:s21], [sflag:$0x1] =	stream.indirect.gather [spmem:s2], $0x80, s14, s20, $0xb8;
	[tilespmem:$0x1FEC0] =	vst v63  }
0xbf: {  	_ =	swait.ge [sflag:s22], $0x1000  }
0xc0: {  	[sflag:s22] =	ssyncset.done $0x0  }
0xc1: {  	s15 =	rddreg [dreg:$0x1d];
	[sflag:s22] =	ssyncadd.s32 $0xFFFFF000  }
0xc2: {  	[spmem:s3] =	stream.indirect.scatter.add.f32 [tilespmem:s21], [sflag:$0x5], $0x80, s15, s20, $0xb8;
	[tilespmem:$0x1FEC0] =	vst v63  }
0xc3: {  	_ =	swait.ge [sflag:s13], $0x1000  }
0xc4: {  	[sflag:s13] =	ssyncset.done $0x0  }
0xc5: {  	s11 =	rddreg [dreg:$0x1e];
	[sflag:s13] =	ssyncadd.s32 $0xFFFFF000  }
0xc6: {  	[tilespmem:s23], [sflag:$0x2] =	stream.indirect.gather [spmem:s2], $0x80, s11, s20, $0xb8;
	[tilespmem:$0x1FEC0] =	vst v63  }
0xc7: {  	_ =	swait.ge [sflag:s24], $0x1000  }
0xc8: {  	[sflag:s24] =	ssyncset.done $0x0  }
0xc9: {  	s12 =	rddreg [dreg:$0x1f];
	[sflag:s24] =	ssyncadd.s32 $0xFFFFF000  }
0xca: {  	[spmem:s3] =	stream.indirect.scatter.add.f32 [tilespmem:s23], [sflag:$0x5], $0x80, s12, s20, $0xb8;
	[tilespmem:$0x1FEC0] =	vst v63  }
0xcb: {  	_ =	swait.ge [sflag:s13], $0x1000  }
0xcc: {  	s14 =	sld [smem:$0x7FB]  }
0xcd: {  	[sflag:s13] =	ssyncset.done $0x0  }
0xce: {  	[sflag:s13] =	ssyncadd.s32 $0xFFFFF000  }
0xcf: {  	[tilespmem:s21], [sflag:$0x1] =	stream.indirect.gather [spmem:s2], $0x80, s14, s20, $0xb8;
	[tilespmem:$0x1FEC0] =	vst v63  }
0xd0: {  	_ =	swait.ge [sflag:s22], $0x1000  }
0xd1: {  	s15 =	sld [smem:$0x7FC]  }
0xd2: {  	[sflag:s22] =	ssyncset.done $0x0  }
0xd3: {  	[sflag:s22] =	ssyncadd.s32 $0xFFFFF000  }
0xd4: {  	[spmem:s3] =	stream.indirect.scatter.add.f32 [tilespmem:s21], [sflag:$0x5], $0x80, s15, s20, $0xb8;
	[tilespmem:$0x1FEC0] =	vst v63  }
0xd5: {  	_ =	swait.ge [sflag:s13], $0x1000  }
0xd6: {  	[sflag:s13] =	ssyncset.done $0x0  }
0xd7: {  	[sflag:s13] =	ssyncadd.s32 $0xFFFFF000  }
0xd8: {  	[tilespmem:s23], [sflag:$0x2] =	stream.indirect.gather [spmem:s2], $0x80, s26, s20, $0xb8;
	[tilespmem:$0x1FEC0] =	vst v63  }
0xd9: {  	_ =	swait.ge [sflag:s24], $0x1000  }
0xda: {  	[sflag:s24] =	ssyncset.done $0x0  }
0xdb: {  	[sflag:s24] =	ssyncadd.s32 $0xFFFFF000  }
0xdc: {  	[spmem:s3] =	stream.indirect.scatter.add.f32 [tilespmem:s23], [sflag:$0x5], $0x80, s28, s20, $0xb8;
	[tilespmem:$0x1FEC0] =	vst v63  }
0xdd: {  	_ =	swait.ge [sflag:s13], $0x1000  }
0xde: {  	[sflag:s13] =	ssyncset.done $0x0  }
0xdf: {  	[sflag:s13] =	ssyncadd.s32 $0xFFFFF000  }
0xe0: {  	[tilespmem:s21], [sflag:$0x1] =	stream.indirect.gather [spmem:s2], $0x80, s29, s20, $0xb8;
	[tilespmem:$0x1FEC0] =	vst v63  }
0xe1: {  	_ =	swait.ge [sflag:s22], $0x1000  }
0xe2: {  	[sflag:s22] =	ssyncset.done $0x0  }
0xe3: {  	[sflag:s22] =	ssyncadd.s32 $0xFFFFF000  }
0xe4: {  	[spmem:s3] =	stream.indirect.scatter.add.f32 [tilespmem:s21], [sflag:$0x5], $0x80, s30, s20, $0xb8;
	[tilespmem:$0x1FEC0] =	vst v63  }
0xe5: {  	_ =	swait.ge [sflag:s13], $0x1000  }
0xe6: {  	[sflag:s13] =	ssyncset.done $0x0  }
0xe7: {  	[sflag:s13] =	ssyncadd.s32 $0xFFFFF000  }
0xe8: {  	[tilespmem:s23], [sflag:$0x2] =	stream.indirect.gather [spmem:s2], $0x80, s31, s20, $0xb8;
	[tilespmem:$0x1FEC0] =	vst v63  }
0xe9: {  	_ =	swait.ge [sflag:s24], $0x1000  }
0xea: {  	[sflag:s24] =	ssyncset.done $0x0  }
0xeb: {  	[sflag:s24] =	ssyncadd.s32 $0xFFFFF000  }
0xec: {  	[spmem:s3] =	stream.indirect.scatter.add.f32 [tilespmem:s23], [sflag:$0x5], $0x80, s0, s20, $0xb8;
	[tilespmem:$0x1FEC0] =	vst v63  }
0xed: {  	_ =	swait.ge [sflag:s13], $0x1000  }
0xee: {  	[sflag:s13] =	ssyncset.done $0x0  }
0xef: {  	[sflag:s13] =	ssyncadd.s32 $0xFFFFF000  }
0xf0: {  	[tilespmem:s21], [sflag:$0x1] =	stream.indirect.gather [spmem:s2], $0x80, s1, s20, $0xb8;
	[tilespmem:$0x1FEC0] =	vst v63  }
0xf1: {  	_ =	swait.ge [sflag:s22], $0x1000  }
0xf2: {  	[sflag:s22] =	ssyncset.done $0x0  }
0xf3: {  	[sflag:s22] =	ssyncadd.s32 $0xFFFFF000  }
0xf4: {  	[spmem:s3] =	stream.indirect.scatter.add.f32 [tilespmem:s21], [sflag:$0x5], $0x80, s6, s20, $0xb8;
	[tilespmem:$0x1FEC0] =	vst v63  }
0xf5: {  	_ =	swait.ge [sflag:s13], $0x1000  }
0xf6: {  	[sflag:s13] =	ssyncset.done $0x0  }
0xf7: {  	[sflag:s13] =	ssyncadd.s32 $0xFFFFF000  }
0xf8: {  	[tilespmem:s23], [sflag:$0x2] =	stream.indirect.gather [spmem:s2], $0x80, s7, s20, $0xb8;
	[tilespmem:$0x1FEC0] =	vst v63  }
0xf9: {  	_ =	swait.ge [sflag:s24], $0x1000  }
0xfa: {  	[sflag:s24] =	ssyncset.done $0x0  }
0xfb: {  	[sflag:s24] =	ssyncadd.s32 $0xFFFFF000  }
0xfc: {  	[spmem:s3] =	stream.indirect.scatter.add.f32 [tilespmem:s23], [sflag:$0x5], $0x80, s8, s20, $0xb8;
	[tilespmem:$0x1FEC0] =	vst v63  }
0xfd: {  	_ =	swait.ge [sflag:s13], $0x1000  }
0xfe: {  	s10 =	simm.s32 $0x50;
	[sflag:s13] =	ssyncset.done $0x0  }
.LBB2_2:
0xff: {  	[sflag:s13] =	ssyncadd.s32 $0xFFFFF000  }
0x100: {  	_ =	swait.ge [sflag:s17], $0x140  }
0x101: {  	[sflag:s17] =	ssyncset.done $0x0  }
0x102: {  	[sflag:s17] =	ssyncadd.s32 $0xFFFFFEC0  }
0x103: {  	_ =	swait.ge [sflag:s17], $0x140  }
0x104: {  	s11 =	smov.u32 s10;
	s14 =	rddreg [dreg:$0x8];
	[sflag:s17] =	ssyncset.done $0x0  }
0x105: {  	s15 =	rddreg [dreg:$0x7];
	[sflag:s17] =	ssyncadd.s32 $0xFFFFFEC0;
	s14 =	sadd.s32 s11, s14  }
0x106: {  	[tilespmem:s18], [sflag:$0x4] =	stream.linear.gather [hbm4b:s14+s4], $0x140, $0x38;
	[tilespmem:$0x1FEC0] =	vst v63  }
0x107: {  	s15 =	sadd.s32 s11, s15  }
0x108: {  	[tilespmem:s19], [sflag:$0x4] =	stream.linear.gather [hbm4b:s15+s4], $0x140, $0x38;
	[tilespmem:$0x1FEC0] =	vst v63  }
0x109: {  	_ = 	snop  }
0x10a: {  	[tilespmem:s21], [sflag:$0x1] =	stream.indirect.gather [spmem:s2], $0x80, s4, s20, $0xb8;
	[tilespmem:$0x1FEC0] =	vst v63  }
0x10b: {  	_ =	swait.ge [sflag:s22], $0x1000  }
0x10c: {  	[sflag:s22] =	ssyncset.done $0x0  }
0x10d: {  	[sflag:s22] =	ssyncadd.s32 $0xFFFFF000  }
0x10e: {  	[spmem:s3] =	stream.indirect.scatter.add.f32 [tilespmem:s21], [sflag:$0x5], $0x80, s16, s20, $0xb8;
	[tilespmem:$0x1FEC0] =	vst v63  }
0x10f: {  	_ =	swait.ge [sflag:s13], $0x1000  }
0x110: {  	[sflag:s13] =	ssyncset.done $0x0  }
0x111: {  	[sflag:s13] =	ssyncadd.s32 $0xFFFFF000  }
0x112: {  	[tilespmem:s23], [sflag:$0x2] =	stream.indirect.gather [spmem:s2], $0x80, s20, s20, $0xb8;
	[tilespmem:$0x1FEC0] =	vst v63  }
0x113: {  	_ =	swait.ge [sflag:s24], $0x1000  }
0x114: {  	[sflag:s24] =	ssyncset.done $0x0  }
0x115: {  	s12 =	rddreg [dreg:$0x9];
	[sflag:s24] =	ssyncadd.s32 $0xFFFFF000  }
0x116: {  	[spmem:s3] =	stream.indirect.scatter.add.f32 [tilespmem:s23], [sflag:$0x5], $0x80, s12, s20, $0xb8;
	[tilespmem:$0x1FEC0] =	vst v63  }
0x117: {  	_ =	swait.ge [sflag:s13], $0x1000  }
0x118: {  	[sflag:s13] =	ssyncset.done $0x0  }
0x119: {  	s15 =	rddreg [dreg:$0xa];
	[sflag:s13] =	ssyncadd.s32 $0xFFFFF000  }
0x11a: {  	[tilespmem:s21], [sflag:$0x1] =	stream.indirect.gather [spmem:s2], $0x80, s15, s20, $0xb8;
	[tilespmem:$0x1FEC0] =	vst v63  }
0x11b: {  	_ =	swait.ge [sflag:s22], $0x1000  }
0x11c: {  	[sflag:s22] =	ssyncset.done $0x0  }
0x11d: {  	s12 =	rddreg [dreg:$0xb];
	[sflag:s22] =	ssyncadd.s32 $0xFFFFF000  }
0x11e: {  	[spmem:s3] =	stream.indirect.scatter.add.f32 [tilespmem:s21], [sflag:$0x5], $0x80, s12, s20, $0xb8;
	[tilespmem:$0x1FEC0] =	vst v63  }
0x11f: {  	_ =	swait.ge [sflag:s13], $0x1000  }
0x120: {  	[sflag:s13] =	ssyncset.done $0x0  }
0x121: {  	s15 =	rddreg [dreg:$0xc];
	[sflag:s13] =	ssyncadd.s32 $0xFFFFF000  }
0x122: {  	[tilespmem:s23], [sflag:$0x2] =	stream.indirect.gather [spmem:s2], $0x80, s15, s20, $0xb8;
	[tilespmem:$0x1FEC0] =	vst v63  }
0x123: {  	_ =	swait.ge [sflag:s24], $0x1000  }
0x124: {  	[sflag:s24] =	ssyncset.done $0x0  }
0x125: {  	s12 =	rddreg [dreg:$0xd];
	[sflag:s24] =	ssyncadd.s32 $0xFFFFF000  }
0x126: {  	[spmem:s3] =	stream.indirect.scatter.add.f32 [tilespmem:s23], [sflag:$0x5], $0x80, s12, s20, $0xb8;
	[tilespmem:$0x1FEC0] =	vst v63  }
0x127: {  	_ =	swait.ge [sflag:s13], $0x1000  }
0x128: {  	[sflag:s13] =	ssyncset.done $0x0  }
0x129: {  	s15 =	rddreg [dreg:$0xe];
	[sflag:s13] =	ssyncadd.s32 $0xFFFFF000  }
0x12a: {  	[tilespmem:s21], [sflag:$0x1] =	stream.indirect.gather [spmem:s2], $0x80, s15, s20, $0xb8;
	[tilespmem:$0x1FEC0] =	vst v63  }
0x12b: {  	_ =	swait.ge [sflag:s22], $0x1000  }
0x12c: {  	[sflag:s22] =	ssyncset.done $0x0  }
0x12d: {  	s12 =	rddreg [dreg:$0xf];
	[sflag:s22] =	ssyncadd.s32 $0xFFFFF000  }
0x12e: {  	[spmem:s3] =	stream.indirect.scatter.add.f32 [tilespmem:s21], [sflag:$0x5], $0x80, s12, s20, $0xb8;
	[tilespmem:$0x1FEC0] =	vst v63  }
0x12f: {  	_ =	swait.ge [sflag:s13], $0x1000  }
0x130: {  	[sflag:s13] =	ssyncset.done $0x0  }
0x131: {  	s15 =	rddreg [dreg:$0x10];
	[sflag:s13] =	ssyncadd.s32 $0xFFFFF000  }
0x132: {  	[tilespmem:s23], [sflag:$0x2] =	stream.indirect.gather [spmem:s2], $0x80, s15, s20, $0xb8;
	[tilespmem:$0x1FEC0] =	vst v63  }
0x133: {  	_ =	swait.ge [sflag:s24], $0x1000  }
0x134: {  	[sflag:s24] =	ssyncset.done $0x0  }
0x135: {  	s12 =	rddreg [dreg:$0x11];
	[sflag:s24] =	ssyncadd.s32 $0xFFFFF000  }
0x136: {  	[spmem:s3] =	stream.indirect.scatter.add.f32 [tilespmem:s23], [sflag:$0x5], $0x80, s12, s20, $0xb8;
	[tilespmem:$0x1FEC0] =	vst v63  }
0x137: {  	_ =	swait.ge [sflag:s13], $0x1000  }
0x138: {  	[sflag:s13] =	ssyncset.done $0x0  }
0x139: {  	s15 =	rddreg [dreg:$0x12];
	[sflag:s13] =	ssyncadd.s32 $0xFFFFF000  }
0x13a: {  	[tilespmem:s21], [sflag:$0x1] =	stream.indirect.gather [spmem:s2], $0x80, s15, s20, $0xb8;
	[tilespmem:$0x1FEC0] =	vst v63  }
0x13b: {  	_ =	swait.ge [sflag:s22], $0x1000  }
0x13c: {  	[sflag:s22] =	ssyncset.done $0x0  }
0x13d: {  	s12 =	rddreg [dreg:$0x13];
	[sflag:s22] =	ssyncadd.s32 $0xFFFFF000  }
0x13e: {  	[spmem:s3] =	stream.indirect.scatter.add.f32 [tilespmem:s21], [sflag:$0x5], $0x80, s12, s20, $0xb8;
	[tilespmem:$0x1FEC0] =	vst v63  }
0x13f: {  	_ =	swait.ge [sflag:s13], $0x1000  }
0x140: {  	[sflag:s13] =	ssyncset.done $0x0  }
0x141: {  	s15 =	rddreg [dreg:$0x14];
	[sflag:s13] =	ssyncadd.s32 $0xFFFFF000  }
0x142: {  	[tilespmem:s23], [sflag:$0x2] =	stream.indirect.gather [spmem:s2], $0x80, s15, s20, $0xb8;
	[tilespmem:$0x1FEC0] =	vst v63  }
0x143: {  	_ =	swait.ge [sflag:s24], $0x1000  }
0x144: {  	[sflag:s24] =	ssyncset.done $0x0  }
0x145: {  	s12 =	rddreg [dreg:$0x15];
	[sflag:s24] =	ssyncadd.s32 $0xFFFFF000  }
0x146: {  	[spmem:s3] =	stream.indirect.scatter.add.f32 [tilespmem:s23], [sflag:$0x5], $0x80, s12, s20, $0xb8;
	[tilespmem:$0x1FEC0] =	vst v63  }
0x147: {  	_ =	swait.ge [sflag:s13], $0x1000  }
0x148: {  	[sflag:s13] =	ssyncset.done $0x0  }
0x149: {  	s15 =	rddreg [dreg:$0x16];
	[sflag:s13] =	ssyncadd.s32 $0xFFFFF000  }
0x14a: {  	[tilespmem:s21], [sflag:$0x1] =	stream.indirect.gather [spmem:s2], $0x80, s15, s20, $0xb8;
	[tilespmem:$0x1FEC0] =	vst v63  }
0x14b: {  	_ =	swait.ge [sflag:s22], $0x1000  }
0x14c: {  	[sflag:s22] =	ssyncset.done $0x0  }
0x14d: {  	s12 =	rddreg [dreg:$0x17];
	[sflag:s22] =	ssyncadd.s32 $0xFFFFF000  }
0x14e: {  	[spmem:s3] =	stream.indirect.scatter.add.f32 [tilespmem:s21], [sflag:$0x5], $0x80, s12, s20, $0xb8;
	[tilespmem:$0x1FEC0] =	vst v63  }
0x14f: {  	_ =	swait.ge [sflag:s13], $0x1000  }
0x150: {  	[sflag:s13] =	ssyncset.done $0x0  }
0x151: {  	s15 =	rddreg [dreg:$0x18];
	[sflag:s13] =	ssyncadd.s32 $0xFFFFF000  }
0x152: {  	[tilespmem:s23], [sflag:$0x2] =	stream.indirect.gather [spmem:s2], $0x80, s15, s20, $0xb8;
	[tilespmem:$0x1FEC0] =	vst v63  }
0x153: {  	_ =	swait.ge [sflag:s24], $0x1000  }
0x154: {  	[sflag:s24] =	ssyncset.done $0x0  }
0x155: {  	s12 =	rddreg [dreg:$0x19];
	[sflag:s24] =	ssyncadd.s32 $0xFFFFF000  }
0x156: {  	[spmem:s3] =	stream.indirect.scatter.add.f32 [tilespmem:s23], [sflag:$0x5], $0x80, s12, s20, $0xb8;
	[tilespmem:$0x1FEC0] =	vst v63  }
0x157: {  	_ =	swait.ge [sflag:s13], $0x1000  }
0x158: {  	[sflag:s13] =	ssyncset.done $0x0  }
0x159: {  	[sflag:s13] =	ssyncadd.s32 $0xFFFFF000  }
0x15a: {  	_ =	swait.ge [sflag:s25], $0x140  }
0x15b: {  	[sflag:s25] =	ssyncset.done $0x0  }
0x15c: {  	[sflag:s25] =	ssyncadd.s32 $0xFFFFFEC0  }
0x15d: {  	p2 =	seq.s32 s11, $0x9B0;
	_ =	swait.ge [sflag:s25], $0x140  }
0x15e: {  	s12 =	simm.s32 @!p2 $0x0;
	s14 =	rddreg [dreg:$0x6];
	[sflag:s25] =	ssyncset.done $0x0  }
0x15f: {  	s15 =	rddreg [dreg:$0x5];
	[sflag:s25] =	ssyncadd.s32 $0xFFFFFEC0;
	s14 =	sadd.s32 @!p2 s11, s14  }
0x160: {  	[tilespmem:s12], [sflag:$0x3] =	stream.linear.gather @!p2 [hbm4b:s14+s12], $0x140, $0x38;
	[tilespmem:$0x1FEC0] =	vst v63  }
0x161: {  	s11 =	sadd.s32 @!p2 s11, s15;
	s14 =	simm.s32 @!p2 $0x180  }
0x162: {  	[tilespmem:s14], [sflag:$0x3] =	stream.linear.gather @!p2 [hbm4b:s11+s12], $0x140, $0x38;
	[tilespmem:$0x1FEC0] =	vst v63  }
0x163: {  	_ = 	snop  }
0x164: {  	[tilespmem:s21], [sflag:$0x1] =	stream.indirect.gather [spmem:s2], $0x80, s18, s20, $0xb8;
	[tilespmem:$0x1FEC0] =	vst v63  }
0x165: {  	_ =	swait.ge [sflag:s22], $0x1000  }
0x166: {  	[sflag:s22] =	ssyncset.done $0x0  }
0x167: {  	[sflag:s22] =	ssyncadd.s32 $0xFFFFF000  }
0x168: {  	[spmem:s3] =	stream.indirect.scatter.add.f32 [tilespmem:s21], [sflag:$0x5], $0x80, s19, s20, $0xb8;
	[tilespmem:$0x1FEC0] =	vst v63  }
0x169: {  	_ =	swait.ge [sflag:s13], $0x1000  }
0x16a: {  	[sflag:s13] =	ssyncset.done $0x0  }
0x16b: {  	s14 =	rddreg [dreg:$0x1a];
	[sflag:s13] =	ssyncadd.s32 $0xFFFFF000  }
0x16c: {  	[tilespmem:s23], [sflag:$0x2] =	stream.indirect.gather [spmem:s2], $0x80, s14, s20, $0xb8;
	[tilespmem:$0x1FEC0] =	vst v63  }
0x16d: {  	_ =	swait.ge [sflag:s24], $0x1000  }
0x16e: {  	[sflag:s24] =	ssyncset.done $0x0  }
0x16f: {  	s15 =	rddreg [dreg:$0x1b];
	[sflag:s24] =	ssyncadd.s32 $0xFFFFF000  }
0x170: {  	[spmem:s3] =	stream.indirect.scatter.add.f32 [tilespmem:s23], [sflag:$0x5], $0x80, s15, s20, $0xb8;
	[tilespmem:$0x1FEC0] =	vst v63  }
0x171: {  	_ =	swait.ge [sflag:s13], $0x1000  }
0x172: {  	[sflag:s13] =	ssyncset.done $0x0  }
0x173: {  	s12 =	rddreg [dreg:$0x1c];
	[sflag:s13] =	ssyncadd.s32 $0xFFFFF000  }
0x174: {  	[tilespmem:s21], [sflag:$0x1] =	stream.indirect.gather [spmem:s2], $0x80, s12, s20, $0xb8;
	[tilespmem:$0x1FEC0] =	vst v63  }
0x175: {  	_ =	swait.ge [sflag:s22], $0x1000  }
0x176: {  	[sflag:s22] =	ssyncset.done $0x0  }
0x177: {  	s14 =	rddreg [dreg:$0x1d];
	[sflag:s22] =	ssyncadd.s32 $0xFFFFF000  }
0x178: {  	[spmem:s3] =	stream.indirect.scatter.add.f32 [tilespmem:s21], [sflag:$0x5], $0x80, s14, s20, $0xb8;
	[tilespmem:$0x1FEC0] =	vst v63  }
0x179: {  	_ =	swait.ge [sflag:s13], $0x1000  }
0x17a: {  	[sflag:s13] =	ssyncset.done $0x0  }
0x17b: {  	s15 =	rddreg [dreg:$0x1e];
	[sflag:s13] =	ssyncadd.s32 $0xFFFFF000  }
0x17c: {  	[tilespmem:s23], [sflag:$0x2] =	stream.indirect.gather [spmem:s2], $0x80, s15, s20, $0xb8;
	[tilespmem:$0x1FEC0] =	vst v63  }
0x17d: {  	_ =	swait.ge [sflag:s24], $0x1000  }
0x17e: {  	[sflag:s24] =	ssyncset.done $0x0  }
0x17f: {  	s12 =	rddreg [dreg:$0x1f];
	[sflag:s24] =	ssyncadd.s32 $0xFFFFF000  }
0x180: {  	[spmem:s3] =	stream.indirect.scatter.add.f32 [tilespmem:s23], [sflag:$0x5], $0x80, s12, s20, $0xb8;
	[tilespmem:$0x1FEC0] =	vst v63  }
0x181: {  	_ =	swait.ge [sflag:s13], $0x1000  }
0x182: {  	s14 =	sld [smem:$0x7FB]  }
0x183: {  	[sflag:s13] =	ssyncset.done $0x0  }
0x184: {  	[sflag:s13] =	ssyncadd.s32 $0xFFFFF000  }
0x185: {  	[tilespmem:s21], [sflag:$0x1] =	stream.indirect.gather [spmem:s2], $0x80, s14, s20, $0xb8;
	[tilespmem:$0x1FEC0] =	vst v63  }
0x186: {  	_ =	swait.ge [sflag:s22], $0x1000  }
0x187: {  	s15 =	sld [smem:$0x7FC]  }
0x188: {  	[sflag:s22] =	ssyncset.done $0x0  }
0x189: {  	[sflag:s22] =	ssyncadd.s32 $0xFFFFF000  }
0x18a: {  	[spmem:s3] =	stream.indirect.scatter.add.f32 [tilespmem:s21], [sflag:$0x5], $0x80, s15, s20, $0xb8;
	[tilespmem:$0x1FEC0] =	vst v63  }
0x18b: {  	_ =	swait.ge [sflag:s13], $0x1000  }
0x18c: {  	[sflag:s13] =	ssyncset.done $0x0  }
0x18d: {  	[sflag:s13] =	ssyncadd.s32 $0xFFFFF000  }
0x18e: {  	[tilespmem:s23], [sflag:$0x2] =	stream.indirect.gather [spmem:s2], $0x80, s26, s20, $0xb8;
	[tilespmem:$0x1FEC0] =	vst v63  }
0x18f: {  	_ =	swait.ge [sflag:s24], $0x1000  }
0x190: {  	[sflag:s24] =	ssyncset.done $0x0  }
0x191: {  	[sflag:s24] =	ssyncadd.s32 $0xFFFFF000  }
0x192: {  	[spmem:s3] =	stream.indirect.scatter.add.f32 [tilespmem:s23], [sflag:$0x5], $0x80, s28, s20, $0xb8;
	[tilespmem:$0x1FEC0] =	vst v63  }
0x193: {  	_ =	swait.ge [sflag:s13], $0x1000  }
0x194: {  	[sflag:s13] =	ssyncset.done $0x0  }
0x195: {  	[sflag:s13] =	ssyncadd.s32 $0xFFFFF000  }
0x196: {  	[tilespmem:s21], [sflag:$0x1] =	stream.indirect.gather [spmem:s2], $0x80, s29, s20, $0xb8;
	[tilespmem:$0x1FEC0] =	vst v63  }
0x197: {  	_ =	swait.ge [sflag:s22], $0x1000  }
0x198: {  	[sflag:s22] =	ssyncset.done $0x0  }
0x199: {  	[sflag:s22] =	ssyncadd.s32 $0xFFFFF000  }
0x19a: {  	[spmem:s3] =	stream.indirect.scatter.add.f32 [tilespmem:s21], [sflag:$0x5], $0x80, s30, s20, $0xb8;
	[tilespmem:$0x1FEC0] =	vst v63  }
0x19b: {  	_ =	swait.ge [sflag:s13], $0x1000  }
0x19c: {  	[sflag:s13] =	ssyncset.done $0x0  }
0x19d: {  	[sflag:s13] =	ssyncadd.s32 $0xFFFFF000  }
0x19e: {  	[tilespmem:s23], [sflag:$0x2] =	stream.indirect.gather [spmem:s2], $0x80, s31, s20, $0xb8;
	[tilespmem:$0x1FEC0] =	vst v63  }
0x19f: {  	_ =	swait.ge [sflag:s24], $0x1000  }
0x1a0: {  	[sflag:s24] =	ssyncset.done $0x0  }
0x1a1: {  	[sflag:s24] =	ssyncadd.s32 $0xFFFFF000  }
0x1a2: {  	[spmem:s3] =	stream.indirect.scatter.add.f32 [tilespmem:s23], [sflag:$0x5], $0x80, s0, s20, $0xb8;
	[tilespmem:$0x1FEC0] =	vst v63  }
0x1a3: {  	_ =	swait.ge [sflag:s13], $0x1000  }
0x1a4: {  	[sflag:s13] =	ssyncset.done $0x0  }
0x1a5: {  	[sflag:s13] =	ssyncadd.s32 $0xFFFFF000  }
0x1a6: {  	[tilespmem:s21], [sflag:$0x1] =	stream.indirect.gather [spmem:s2], $0x80, s1, s20, $0xb8;
	[tilespmem:$0x1FEC0] =	vst v63  }
0x1a7: {  	_ =	swait.ge [sflag:s22], $0x1000  }
0x1a8: {  	[sflag:s22] =	ssyncset.done $0x0  }
0x1a9: {  	[sflag:s22] =	ssyncadd.s32 $0xFFFFF000  }
0x1aa: {  	[spmem:s3] =	stream.indirect.scatter.add.f32 [tilespmem:s21], [sflag:$0x5], $0x80, s6, s20, $0xb8;
	[tilespmem:$0x1FEC0] =	vst v63  }
0x1ab: {  	_ =	swait.ge [sflag:s13], $0x1000  }
0x1ac: {  	[sflag:s13] =	ssyncset.done $0x0  }
0x1ad: {  	s10 =	sadd.s32 $0x50, s10;
	[sflag:s13] =	ssyncadd.s32 $0xFFFFF000  }
0x1ae: {  	[tilespmem:s23], [sflag:$0x2] =	stream.indirect.gather [spmem:s2], $0x80, s7, s20, $0xb8;
	[tilespmem:$0x1FEC0] =	vst v63  }
0x1af: {  	p1 =	sne.s32 s10, $0xA00;
	_ =	swait.ge [sflag:s24], $0x1000  }
.Ltmp0:
0x1b0: {  	[sflag:s24] =	ssyncset.done $0x0;
	(pc) =	sbr.rel @p1 .LBB2_2-.Ltmp0, $4  }
0x1b1: {  	[sflag:s24] =	ssyncadd.s32 $0xFFFFF000  }
0x1b2: {  	[spmem:s3] =	stream.indirect.scatter.add.f32 [tilespmem:s23], [sflag:$0x5], $0x80, s8, s20, $0xb8;
	[tilespmem:$0x1FEC0] =	vst v63  }
0x1b3: {  	_ =	swait.ge [sflag:s13], $0x1000  }
0x1b4: {  	[sflag:s13] =	ssyncset.done $0x0  }
0x1b5: {  	[sflag:s13] =	ssyncadd.s32 $0xFFFFF000  }
0x1b6: {  	[bflag:$0x0] =	sbarrier.arrive $0xFFFF  }
0x1b7: {  	s10 =	sld [smem:$0x7F7]  }
0x1b8: {  	s11 =	sld [smem:$0x7FD];
	_ =	sdelay $0x2  }
0x1b9: {  	[hbm:s10], [sflag:s5] =	dma.local [spmem:s11], $0x2780  }
0x1ba: {  	_ =	swait.ge [sflag:s13], $0x2780  }
0x1bb: {  	s15 =	sld [smem:$0x7F8];
	_ =	sdelay $0x1  }
0x1bc: {  	s9 =	sadd.s32 $0x1, s9  }
0x1bd: {  	p1 =	sne.s32 s9, s15  }
.Ltmp1:
0x1be: {  	_ = 	snop;
	(pc) =	sbr.rel @p1 .LBB2_1-.Ltmp1, $3  }
0x1bf: {  	_ =	sdelay $0x1  }
0x1c0: {  	[sflag:s13] =	ssyncset.done $0x0  }
0x1c1: {  	[sflag:s13] =	ssyncadd.s32 $0xFFFFD880  }
0x1c2: {  	_ =	sfence.sel $0x180000  }
0x1c3: {  	[bflag:$0x0] =	sbarrier.arrive $0xFFFF  }
0x1c4: {  	_ =	strace $0x9000004D  }
0x1c5: {  	[bflag:$0x2] =	sbarrier.arrive $0xFFFF  }
0x1c6: {  	s0 =	rddreg [dreg:$0x4]  }
0x1c7: {  	s0 =	sadd.s32 @!p0 $0x100000, s0  }
0x1c8: {  	[sflag:s0] =	ssyncadd.tile.s32 @!p0 $0x1;
	_ =	shalt  }
.Lfunc_end2:
_tile_overlayer_lowered:
.L_overlay_start_2:
0x1c9: {  	(tag) =	ssettag $0x2  }
0x1ca: {  	s0 =	rddreg [dreg:$0x0];
	s2 =	stileid.u32  }
0x1cb: {  	s1 =	rddreg [dreg:$0x1];
	p0 =	sne.s32 s2, $0x0  }
0x1cc: {  	s3 =	rddreg [dreg:$0x2];
	[bflag:$0x3] =	sbarrier.arrive $0xFFFF;
	s2 =	simm.s32 @!p0 $0x1C05  }
0x1cd: {  	[timem:s3], [sflag:s2] =	dma.local @!p0 [hbm:s0], s1  }
0x1ce: {  	s0 =	simm.s32 @!p0 $0x5  }
0x1cf: {  	_ =	swait.ge @!p0 [sflag:s0], s1  }
0x1d0: {  	s1 =	ssub.s32 @!p0 $0x0, s1;
	[sflag:s0] =	ssyncset.done @!p0 $0x0  }
0x1d1: {  	[sflag:s0] =	ssyncadd.s32 @!p0 s1  }
0x1d2: {  	[bflag:$0x3] =	sbarrier.arrive $0xFFFF  }
0x1d3: {  	_ =	shalt  }

// kernel: kernel.8.cloned.1.call-start
scs
__scs_entry_jumppad:
0x0: {  	(pc) =	sbr.rel $0x88, $3  }
0x1: {  	(tag) =	ssettag $0x0;
	lr =	simm.s32 $0x1  }
0x2: {  	[smem:$0x3F92] =	sst lr;
	_ =	strace $0xD0000000  }
0x3: {  	_ = 	snop  }
0x4: {  	_ = 	snop  }
0x5: {  	_ = 	snop  }
0x6: {  	_ = 	snop  }
0x7: {  	_ = 	snop  }
__scs_overlays_trampoline_lowered:
0x8: {  	[smem:$0x3FA1] =	sst s0  }
0x9: {  	[smem:$0x3FA2] =	sst s1  }
0xa: {  	[smem:$0x3FA3] =	sst s2  }
0xb: {  	[smem:$0x3FA4] =	sst s3  }
0xc: {  	[smem:$0x3FA5] =	sst s4  }
0xd: {  	[smem:$0x3FA6] =	sst s5  }
0xe: {  	[smem:$0x3FA7] =	sst s6  }
0xf: {  	[smem:$0x3FA8] =	sst s7  }
0x10: {  	[smem:$0x3FA9] =	sst s8  }
0x11: {  	[smem:$0x3FAA] =	sst s9;
	s0 =	simm.s32 @!p0 $0x0  }
0x12: {  	s1 =	sld [smem:$0x3F90];
	s0 =	simm.s32 @p0 $0x1  }
0x13: {  	[smem:$0x3FAB] =	sst s0;
	s0 =	simm.s32 @!p1 $0x0  }
0x14: {  	s2 =	sld [smem:$0x3F8F];
	s0 =	simm.s32 @p1 $0x1  }
0x15: {  	[smem:$0x3FAC] =	sst s0;
	s0 =	simm.s32 @!p2 $0x0  }
0x16: {  	s3 =	sld [smem:$0x3FDB];
	s0 =	simm.s32 @p2 $0x1  }
0x17: {  	s4 =	simm.s32 $0x1BF5;
	[smem:$0x3FAE] =	sst s0  }
0x18: {  	s0 =	sld [smem:$0x3F91];
	_ =	swait.ge [sflag:s4], $0x0  }
0x19: {  	s7 =	sld [smem:$0x3F92]  }
0x1a: {  	s8 =	sadd.s32 $0xFFFFE003, lr  }
0x1b: {  	s9 =	sadd.s32 $0xFFFFFEF7, lr;
	s5 =	simm.s32 $0xFFFFFFFF;
	p2 =	slt.u32 s8, $0xFFFFF086  }
0x1c: {  	p1 =	slt.u32 s9, $0xF7A;
	s5 =	simm.s32 @!p2 $0x0  }
0x1d: {  	s5 =	simm.s32 @p1 $0x1;
	p0 =	seq.s32 s7, s2  }
0x1e: {  	s7 =	smul.u32 @!p0 $0xF7A, s2;
	p2 =	seq.s32 @!p0 s5, $0x0  }
0x1f: {  	s9 =	smul.u32 $0xF7A, s1;
	s8 =	simm.s32 @!p0 $0x1BF5;
	p2 =	por !p2, p0  }
0x20: {  	[sflag:s8] =	ssyncset.s32 @!p0 $0xFFFFF086;
	s6 =	sadd.s32 @!p0 s3, s7;
	s7 =	simm.s32 @!p0 $0x108  }
0x21: {  	s3 =	sadd.s32 s3, s9;
	s6 =	sadd.s32 @!p0 $0x88, s6;
	s7 =	simm.s32 @p2 $0x1082  }
0x22: {  	[simem:s7], [sflag:s8] =	dma.local @!p0 [hbm:s6], $0xF7A  }
0x23: {  	s9 =	sor.u32 $0xD0000000, s2;
	s6 =	simm.s32 $0x108;
	_ =	swait.ge @!p0 [sflag:s8], $0x0  }
0x24: {  	s3 =	sadd.s32 $0x88, s3;
	s6 =	simm.s32 @!p1 $0x1082;
	[sflag:s4] =	ssyncset.s32 $0xFFFFF086  }
0x25: {  	[simem:s6], [sflag:s4] =	dma.local [hbm:s3], $0xF7A  }
0x26: {  	[smem:$0x3F92] =	sst s1;
	(tag) =	ssettag s2;
	_ =	strace s9  }
0x27: {  	s1 =	sld [smem:$0x3FA2]  }
0x28: {  	s2 =	sld [smem:$0x3FA3]  }
0x29: {  	s4 =	sld [smem:$0x3FA5]  }
0x2a: {  	p0 =	seq.s32 s5, $0x0;
	s5 =	sld [smem:$0x3FA6]  }
0x2b: {  	s6 =	sld [smem:$0x3FA7]  }
0x2c: {  	s7 =	sld [smem:$0x3FA8]  }
0x2d: {  	s3 =	simm.s32 $0x108;
	s8 =	sld [smem:$0x3FA9]  }
0x2e: {  	s3 =	simm.s32 @!p0 $0x1082;
	s9 =	sld [smem:$0x3FAA]  }
0x2f: {  	lr =	sadd.s32 s0, s3;
	s0 =	sld [smem:$0x3FA1]  }
0x30: {  	s3 =	sld [smem:$0x3FA4]  }
0x31: {  	[smem:$0x3FAD] =	sst s10  }
0x32: {  	s10 =	sld [smem:$0x3FAB];
	_ =	sdelay $0x3  }
0x33: {  	p0 =	seq.s32 s10, $0x1;
	s10 =	sld [smem:$0x3FAD];
	_ =	sdelay $0x3  }
0x34: {  	[smem:$0x3FAD] =	sst s10  }
0x35: {  	s10 =	sld [smem:$0x3FAC];
	_ =	sdelay $0x3  }
0x36: {  	p1 =	seq.s32 s10, $0x1;
	s10 =	sld [smem:$0x3FAD];
	_ =	sdelay $0x3  }
0x37: {  	[smem:$0x3FAD] =	sst s10  }
0x38: {  	s10 =	sld [smem:$0x3FAE]  }
0x39: {  	_ = 	snop;
	(pc) =	sbr.ind lr, $3  }
0x3a: {  	_ = 	snop  }
0x3b: {  	_ = 	snop  }
0x3c: {  	p2 =	seq.s32 s10, $0x1;
	s10 =	sld [smem:$0x3FAD]  }
0x3d: {  	_ =	shalt  }
0x3e: {  	_ =	shalt  }
0x3f: {  	_ =	shalt  }
0x40: {  	_ =	shalt  }
0x41: {  	_ =	shalt  }
0x42: {  	_ =	shalt  }
0x43: {  	_ =	shalt  }
0x44: {  	_ =	shalt  }
0x45: {  	_ =	shalt  }
0x46: {  	_ =	shalt  }
0x47: {  	_ =	shalt  }
0x48: {  	_ =	shalt  }
0x49: {  	_ =	shalt  }
0x4a: {  	_ =	shalt  }
0x4b: {  	_ =	shalt  }
0x4c: {  	_ =	shalt  }
0x4d: {  	_ =	shalt  }
0x4e: {  	_ =	shalt  }
0x4f: {  	_ =	shalt  }
0x50: {  	_ =	shalt  }
0x51: {  	_ =	shalt  }
0x52: {  	_ =	shalt  }
0x53: {  	_ =	shalt  }
0x54: {  	_ =	shalt  }
0x55: {  	_ =	shalt  }
0x56: {  	_ =	shalt  }
0x57: {  	_ =	shalt  }
0x58: {  	_ =	shalt  }
0x59: {  	_ =	shalt  }
0x5a: {  	_ =	shalt  }
0x5b: {  	_ =	shalt  }
0x5c: {  	_ =	shalt  }
0x5d: {  	_ =	shalt  }
0x5e: {  	_ =	shalt  }
0x5f: {  	_ =	shalt  }
0x60: {  	_ =	shalt  }
0x61: {  	_ =	shalt  }
0x62: {  	_ =	shalt  }
0x63: {  	_ =	shalt  }
0x64: {  	_ =	shalt  }
0x65: {  	_ =	shalt  }
0x66: {  	_ =	shalt  }
0x67: {  	_ =	shalt  }
0x68: {  	_ =	shalt  }
0x69: {  	_ =	shalt  }
0x6a: {  	_ =	shalt  }
0x6b: {  	_ =	shalt  }
0x6c: {  	_ =	shalt  }
0x6d: {  	_ =	shalt  }
0x6e: {  	_ =	shalt  }
0x6f: {  	_ =	shalt  }
0x70: {  	_ =	shalt  }
0x71: {  	_ =	shalt  }
0x72: {  	_ =	shalt  }
0x73: {  	_ =	shalt  }
0x74: {  	_ =	shalt  }
0x75: {  	_ =	shalt  }
0x76: {  	_ =	shalt  }
0x77: {  	_ =	shalt  }
0x78: {  	_ =	shalt  }
0x79: {  	_ =	shalt  }
0x7a: {  	_ =	shalt  }
0x7b: {  	_ =	shalt  }
0x7c: {  	_ =	shalt  }
0x7d: {  	_ =	shalt  }
0x7e: {  	_ =	shalt  }
0x7f: {  	_ =	shalt  }
0x80: {  	_ =	shalt  }
0x81: {  	_ =	shalt  }
0x82: {  	_ =	shalt  }
0x83: {  	_ =	shalt  }
0x84: {  	_ =	shalt  }
0x85: {  	_ =	shalt  }
0x86: {  	_ =	shalt  }
0x87: {  	_ =	shalt  }
.Lfunc_end0:
.L_simem_size_0:
called_computation_lowered:
.L_overlay_start_0:
0x88: {  	s2 =	sld [smem:$0x3FD9]  }
0x89: {  	s3 =	sld [smem:$0x3FFE];
	_ =	sdelay $0x1  }
0x8a: {  	s1 =	srdreg.scid  }
0x8b: {  	s0 =	sand.u32 $0x1, s1  }
0x8c: {  	s17 =	sshll.u32 s0, $0xA;
	s2 =	sadd.s32 s3, s2  }
0x8d: {  	s2 =	sadd.s32 s2, s17  }
0x8e: {  	[smem:$0x3FB9] =	sst s2  }
0x8f: {  	_ = 	snop  }
0x90: {  	s2 =	sld [smem:$0x3FC9]  }
0x91: {  	s18 =	sld [smem:$0x3FD0];
	(tm) =	ssettm $0x1  }
0x92: {  	s4 =	sld [smem:$0x3FFB];
	_ =	sdelay $0x3  }
0x93: {  	_ =	strace s4  }
0x94: {  	s4 =	sld [smem:$0x3FFC];
	_ =	sdelay $0x3  }
0x95: {  	_ =	strace s4  }
0x96: {  	s4 =	sld [smem:$0x3FFD];
	_ =	sdelay $0x3  }
0x97: {  	_ =	strace s4  }
0x98: {  	_ =	strace $0x8FFFFFFF  }
0x99: {  	s19 =	sld [smem:$0x3FDB];
	_ =	sdelay $0x1  }
0x9a: {  	s5 =	simm.s32 $_scs_section_size  }
0x9b: {  	s6 =	simm.s32 $_size__tile_overlayer_lowered;
	s7 =	simm.s32 $_tile_overlayer_lowered  }
0x9c: {  	s22 =	simm.s32 $0x1BFF;
	s21 =	sshll.u32 s7, $0x1;
	s4 =	sadd.s32 s5, s19  }
0x9d: {  	s8 =	simm.s32 $0x0;
	s20 =	sshll.u32 s6, $0x1;
	s6 =	sadd.s32 s21, s4  }
0x9e: {  	[timem:s8], [sflag:s22] =	dma.local [hbm:s6], s20  }
0x9f: {  	_ =	swait.ge [sflag:s22], s20  }
0xa0: {  	s5 =	ssub.s32 $0x0, s20;
	[sflag:s22] =	ssyncset.done $0x0  }
0xa1: {  	[sflag:s22] =	ssyncadd.s32 s5;
	_ =	sdelay $0x1  }
0xa2: {  	s23 =	simm.s32 $0x1B8B  }
0xa3: {  	_ =	swait.ge [sflag:s23], $0x1  }
0xa4: {  	[sflag:s23] =	ssyncset.done $0x0  }
0xa5: {  	s25 =	simm.s32 $0x1B8E;
	s24 =	sld [smem:$0x3FFE];
	[sflag:s23] =	ssyncadd.s32 $0xFFFFFFFF  }
0xa6: {  	s26 =	simm.s32 $execute0_lowered;
	[smem:$0x3FD2] =	sst s25  }
0xa7: {  	s6 =	sshll.u32 s26, $0x1;
	_ =	strace $0x80000046;
	[dreg:$0x1] =	wrdreg $0xFFFFFFFF  }
0xa8: {  	s28 =	simm.s32 $_size_execute0_lowered;
	s4 =	sadd.s32 s4, s6;
	[dreg:$0x0] =	wrdreg $0x0  }
0xa9: {  	s6 =	sshll.u32 s28, $0x1;
	[dreg:$0x2] =	wrdreg s4  }
0xaa: {  	[dreg:$0x3] =	wrdreg s6  }
0xab: {  	[dreg:$0x4] =	wrdreg $0xC0  }
0xac: {  	_ =	task [dreg:s8], $0x5FFFF  }
0xad: {  	[dreg:$0x1] =	wrdreg $0xFFFFFFFF  }
0xae: {  	[dreg:$0x0] =	wrdreg $0x60  }
0xaf: {  	[dreg:$0x2] =	wrdreg s2  }
0xb0: {  	[dreg:$0x3] =	wrdreg s24  }
0xb1: {  	[dreg:$0x4] =	wrdreg s18  }
0xb2: {  	[dreg:$0x5] =	wrdreg $0x26000  }
0xb3: {  	[dreg:$0x6] =	wrdreg $0xC2C00  }
0xb4: {  	[dreg:$0x7] =	wrdreg $0x9  }
0xb5: {  	_ =	task.clear_ibuf [dreg:s8], $0x8FFFF;
	_ =	strace $0x90000046  }
0xb6: {  	s29 =	simm.s32 $0x9;
	_ =	strace $0x80000048  }
0xb7: {  	_ =	swait.ge [sflag:s29], $0x1  }
0xb8: {  	[sflag:s29] =	ssyncadd.s32 $0xFFFFFFFF  }
0xb9: {  	_ =	strace $0x90000048  }
0xba: {  	_ =	sfence  }
0xbb: {  	s30 =	sld [smem:$0x0];
	_ =	sdelay $0x2  }
0xbc: {  	s31 =	sshll.u32 s1, $0xD;
	s1 =	sshrl.u32 s1, $0x2  }
0xbd: {  	s3 =	sand.u32 $0x4000, s31;
	s1 =	sadd.s32 s1, s30  }
0xbe: {  	s0 =	sor.u32 s3, s0;
	s1 =	sshll.u32 s1, $0x11  }
0xbf: {  	s0 =	sor.u32 s1, s0  }
0xc0: {  	s0 =	sadd.s32 $0x8F2B, s0  }
0xc1: {  	[sflag:s0] =	ssyncadd.remote.s32 $0x1  }
0xc2: {  	_ =	sfence.sel $0xFFFF  }
0xc3: {  	[dreg:$0x0] =	wrdreg $0xFFFFFFFF;
	(pc) =	sbr.abs _section_cstart, $3  }
0xc4: {  	[dreg:$0x1] =	wrdreg $0xFFFFFFFF  }
0xc5: {  	_ =	task.clear_ibuf [dreg:s8], $0x2FFFF;
	_ =	strace $0x9FFFFFFF  }
0xc6: {  	(tm) =	ssettm $0x7FFFFFFF  }
0xc7: {  	_ =	shalt  }
tec
execute0_lowered:
.L_overlay_start_1:
0x0: {  	(tag) =	ssettag $0x1  }
0x1: {  	s2 =	rddreg [dreg:$0x0]  }
0x2: {  	s5 =	rddreg [dreg:$0x1]  }
0x3: {  	s1 =	rddreg [dreg:$0x3];
	s4 =	srdreg.scid  }
0x4: {  	s0 =	stileid.u32;
	s3 =	rddreg [dreg:$0x4]  }
0x5: {  	s24 =	simm.s32 $0x1A0;
	s26 =	simm.s32 $0x40;
	s7 =	smul.u32 $0x2780, s0  }
0x6: {  	s28 =	simm.s32 $0x520;
	s29 =	simm.s32 $0x3C0;
	s9 =	smul.u32 $0x4F000, s0  }
0x7: {  	s30 =	simm.s32 $0x540;
	s6 =	sand.u32 $0x1, s4;
	s12 =	smul.u32 $0x5000, s0  }
0x8: {  	s4 =	simm.s32 $0x0;
	s10 =	sadd.s32 $0x18A00, s5;
	s18 =	smul.u32 $0x27000, s0  }
0x9: {  	s13 =	sadd.s32 $0x4A00, s5;
	s17 =	sshll.u32 s0, $0x6;
	s8 =	smul.u32 $0x27800, s6  }
0xa: {  	[smem:$0x7FF] =	sst s4;
	s11 =	smul.u32 $0x50000, s6;
	s14 =	ssub.s32 $0x2, s6  }
0xb: {  	_ =	strace $0x80000047;
	s15 =	sshrl.u32 s14, $0x1;
	[dreg:$0xa] =	wrdreg s24  }
0xc: {  	s16 =	sshrl.u32 s9, $0x2;
	[dreg:$0xb] =	wrdreg s26;
	s24 =	simm.s32 $0xC0  }
0xd: {  	s7 =	sadd.s32 s7, s8;
	s8 =	ssub.s32 s14, s15;
	s9 =	sadd.s32 s12, s11  }
0xe: {  	s12 =	sshrl.u32 s18, $0x2;
	s18 =	simm.s32 $0x1E0;
	[dreg:$0x13] =	wrdreg s24  }
0xf: {  	s15 =	sadd.s32 s16, s3;
	s24 =	simm.s32 $0x4E0;
	[dreg:$0xe] =	wrdreg s18  }
0x10: {  	s7 =	sadd.s32 s7, s5;
	s8 =	smax.u32 s8, $0x1;
	[smem:$0x7FA] =	sst s24  }
0x11: {  	s16 =	sor.u32 $0x140, s9;
	s18 =	simm.s32 $0x2A0;
	[smem:$0x7F7] =	sst s8  }
0x12: {  	s20 =	sshrl.u32 s16, $0x3;
	s16 =	simm.s32 $0x1C0;
	[dreg:$0x1a] =	wrdreg s18  }
0x13: {  	s14 =	sor.u32 $0x280, s9;
	s26 =	sadd.s32 $0x2CA00, s7;
	[dreg:$0xc] =	wrdreg s16  }
0x14: {  	s19 =	sshrl.u32 s14, $0x3;
	s7 =	simm.s32 $0xE0;
	[smem:$0x7F6] =	sst s26  }
0x15: {  	s21 =	smul.u32 $0x13800, s6;
	s14 =	sadd.s32 s19, s13;
	[dreg:$0x15] =	wrdreg s7  }
0x16: {  	s5 =	sor.u32 $0x1C05, s17;
	s11 =	sadd.s32 s19, s10;
	[dreg:$0x6] =	wrdreg s14  }
0x17: {  	s17 =	smul.u32 $0x1380, s0;
	s22 =	sadd.s32 s20, s13;
	[dreg:$0x7] =	wrdreg s11  }
0x18: {  	s31 =	simm.s32 $0x3E0;
	s23 =	sadd.s32 s20, s10;
	[dreg:$0x8] =	wrdreg s22  }
0x19: {  	s25 =	sadd.s32 s17, s21;
	s17 =	simm.s32 $0x60;
	[dreg:$0x9] =	wrdreg s23  }
0x1a: {  	s6 =	smul.u32 $0x9C000, s6;
	s19 =	simm.s32 $0x80;
	[dreg:$0xd] =	wrdreg s17  }
0x1b: {  	p0 =	sne.s32 s0, $0x0;
	s20 =	simm.s32 $0x200;
	[dreg:$0xf] =	wrdreg s19  }
0x1c: {  	s6 =	sshrl.u32 s6, $0x3;
	s21 =	simm.s32 $0xA0;
	[dreg:$0x10] =	wrdreg s20  }
0x1d: {  	s24 =	simm.s32 $0x2;
	s26 =	simm.s32 $0x500;
	[dreg:$0x11] =	wrdreg s21  }
0x1e: {  	s14 =	sadd.s32 s12, s1;
	s12 =	sadd.s32 s2, s25;
	[smem:$0x7FC] =	sst s26  }
0x1f: {  	s0 =	simm.s32 $0x400;
	s23 =	simm.s32 $0x220;
	[smem:$0x7F2] =	sst s12  }
0x20: {  	s18 =	simm.s32 $0x300;
	s25 =	simm.s32 $0x240;
	[dreg:$0x12] =	wrdreg s23  }
0x21: {  	s11 =	sshrl.u32 s15, $0x3;
	s15 =	simm.s32 $0x120;
	[dreg:$0x14] =	wrdreg s25  }
0x22: {  	s8 =	simm.s32 $0x5A0;
	s19 =	simm.s32 $0x320;
	[dreg:$0x19] =	wrdreg s15  }
0x23: {  	s16 =	sadd.s32 $0x9C000, s1;
	s20 =	simm.s32 $0x4A0;
	[dreg:$0x1b] =	wrdreg s19  }
0x24: {  	s7 =	simm.s32 $0x420;
	s21 =	simm.s32 $0x340;
	[dreg:$0x1c] =	wrdreg s20  }
0x25: {  	s2 =	sadd.s32 s2, s6;
	s22 =	sshrl.u32 s9, $0x3;
	[dreg:$0x1d] =	wrdreg s21  }
0x26: {  	s26 =	simm.s32 $0x3A0;
	s2 =	sadd.s32 $0x13800, s2;
	[smem:$0x7FD] =	sst s11  }
0x27: {  	s9 =	sadd.s32 s10, s22;
	s6 =	sadd.s32 s13, s22;
	[smem:$0x7F3] =	sst s2  }
0x28: {  	s10 =	simm.s32 $0x100;
	s12 =	simm.s32 $0x280;
	[smem:$0x7F4] =	sst s9  }
0x29: {  	s13 =	simm.s32 $0x5;
	s17 =	sshrl.u32 s14, $0x3;
	[smem:$0x7F5] =	sst s6  }
0x2a: {  	s22 =	simm.s32 $0x4C0;
	s19 =	simm.s32 $0x480;
	[dreg:$0x17] =	wrdreg s10  }
0x2b: {  	s23 =	simm.s32 $0x360;
	s20 =	simm.s32 $0x20;
	[dreg:$0x18] =	wrdreg s12  }
0x2c: {  	s21 =	simm.s32 $0x600;
	s25 =	simm.s32 $0x380;
	[smem:$0x7F8] =	sst s17  }
0x2d: {  	s9 =	simm.s32 $0x260;
	s2 =	sshrl.u32 @!p0 s16, $0x3;
	[dreg:$0x1e] =	wrdreg s22  }
0x2e: {  	s16 =	simm.s32 $0x180;
	s17 =	simm.s32 $0x3;
	[dreg:$0x1f] =	wrdreg s23  }
0x2f: {  	s22 =	simm.s32 $0x1;
	[smem:$0x7FB] =	sst s25;
	s23 =	simm.s32 $0x1600  }
0x30: {  	s25 =	simm.s32 $0x4;
	s6 =	simm.s32 $0x580;
	[dreg:$0x16] =	wrdreg s9  }
0x31: {  	[smem:$0x7F9] =	sst s2;
	s2 =	simm.s32 $0x560;
	s9 =	simm.s32 $0x0  }
.LBB2_1:
0x32: {  	s10 =	rddreg [dreg:$0x2]  }
0x33: {  	[spmem:s11], [sflag:s5] =	dma.local [hbm:s10], $0x2780  }
0x34: {  	_ =	swait.ge [sflag:s13], $0x2780  }
0x35: {  	s11 =	sld [smem:$0x7F2]  }
0x36: {  	s12 =	sld [smem:$0x7F8]  }
0x37: {  	[sflag:s13] =	ssyncset.done $0x0  }
0x38: {  	[sflag:s13] =	ssyncadd.s32 $0xFFFFD880  }
0x39: {  	[spmem:s12], [sflag:s5] =	dma.local [hbm:s11], $0x1380  }
0x3a: {  	_ =	swait.ge [sflag:s13], $0x1380  }
0x3b: {  	s10 =	sld [smem:$0x7F3]  }
0x3c: {  	s11 =	sld [smem:$0x7F9]  }
0x3d: {  	[sflag:s13] =	ssyncset.done $0x0  }
0x3e: {  	[sflag:s13] =	ssyncadd.s32 $0xFFFFEC80  }
0x3f: {  	[spmem:s11], [sflag:s5] =	dma.local @!p0 [hbm:s10], $0x100  }
0x40: {  	s10 =	simm.s32 @!p0 $0x5  }
0x41: {  	_ =	swait.ge @!p0 [sflag:s10], $0x100  }
0x42: {  	[sflag:s10] =	ssyncset.done @!p0 $0x0  }
0x43: {  	[sflag:s10] =	ssyncadd.s32 @!p0 $0xFFFFFF00  }
0x44: {  	[bflag:$0x0] =	sbarrier.arrive $0xFFFF  }
0x45: {  	s14 =	sld [smem:$0x7F4];
	_ =	sdelay $0x1  }
0x46: {  	s15 =	sld [smem:$0x7F5]  }
0x47: {  	[tilespmem:s4], [sflag:$0x3] =	stream.linear.gather [hbm4b:s14+s4], $0x140, $0x38;
	[tilespmem:$0x1FEC0] =	vst v63  }
0x48: {  	_ = 	snop  }
0x49: {  	[tilespmem:s16], [sflag:$0x3] =	stream.linear.gather [hbm4b:s15+s4], $0x140, $0x38;
	[tilespmem:$0x1FEC0] =	vst v63  }
0x4a: {  	_ =	swait.ge [sflag:s17], $0x140  }
0x4b: {  	[sflag:s17] =	ssyncset.done $0x0  }
0x4c: {  	[sflag:s17] =	ssyncadd.s32 $0xFFFFFEC0  }
0x4d: {  	_ =	swait.ge [sflag:s17], $0x140  }
0x4e: {  	s11 =	rddreg [dreg:$0x9];
	[sflag:s17] =	ssyncset.done $0x0  }
0x4f: {  	s12 =	rddreg [dreg:$0x8];
	[sflag:s17] =	ssyncadd.s32 $0xFFFFFEC0;
	s10 =	sadd.s32 $0x0, s11  }
0x50: {  	[tilespmem:s18], [sflag:$0x4] =	stream.linear.gather [hbm4b:s10+s4], $0x140, $0x38;
	[tilespmem:$0x1FEC0] =	vst v63  }
0x51: {  	s14 =	sadd.s32 $0x0, s12  }
0x52: {  	[tilespmem:s19], [sflag:$0x4] =	stream.linear.gather [hbm4b:s14+s4], $0x140, $0x38;
	[tilespmem:$0x1FEC0] =	vst v63  }
0x53: {  	_ = 	snop  }
0x54: {  	[tilespmem:s21], [sflag:$0x1] =	stream.indirect.gather [spmem:s1], $0x80, s4, s20, $0xb8;
	[tilespmem:$0x1FEC0] =	vst v63  }
0x55: {  	_ =	swait.ge [sflag:s22], $0x1000  }
0x56: {  	[sflag:s22] =	ssyncset.done $0x0  }
0x57: {  	[sflag:s22] =	ssyncadd.s32 $0xFFFFF000  }
0x58: {  	[spmem:s3] =	stream.indirect.scatter.add.f32 [tilespmem:s21], [sflag:$0x5], $0x80, s16, s20, $0xb8;
	[tilespmem:$0x1FEC0] =	vst v63  }
0x59: {  	_ =	swait.ge [sflag:s13], $0x1000  }
0x5a: {  	[sflag:s13] =	ssyncset.done $0x0  }
0x5b: {  	[sflag:s13] =	ssyncadd.s32 $0xFFFFF000  }
0x5c: {  	[tilespmem:s23], [sflag:$0x2] =	stream.indirect.gather [spmem:s1], $0x80, s20, s20, $0xb8;
	[tilespmem:$0x1FEC0] =	vst v63  }
0x5d: {  	_ =	swait.ge [sflag:s24], $0x1000  }
0x5e: {  	[sflag:s24] =	ssyncset.done $0x0  }
0x5f: {  	s15 =	rddreg [dreg:$0xa];
	[sflag:s24] =	ssyncadd.s32 $0xFFFFF000  }
0x60: {  	[spmem:s3] =	stream.indirect.scatter.add.f32 [tilespmem:s23], [sflag:$0x5], $0x80, s15, s20, $0xb8;
	[tilespmem:$0x1FEC0] =	vst v63  }
0x61: {  	_ =	swait.ge [sflag:s13], $0x1000  }
0x62: {  	[sflag:s13] =	ssyncset.done $0x0  }
0x63: {  	s11 =	rddreg [dreg:$0xb];
	[sflag:s13] =	ssyncadd.s32 $0xFFFFF000  }
0x64: {  	[tilespmem:s21], [sflag:$0x1] =	stream.indirect.gather [spmem:s1], $0x80, s11, s20, $0xb8;
	[tilespmem:$0x1FEC0] =	vst v63  }
0x65: {  	_ =	swait.ge [sflag:s22], $0x1000  }
0x66: {  	[sflag:s22] =	ssyncset.done $0x0  }
0x67: {  	s12 =	rddreg [dreg:$0xc];
	[sflag:s22] =	ssyncadd.s32 $0xFFFFF000  }
0x68: {  	[spmem:s3] =	stream.indirect.scatter.add.f32 [tilespmem:s21], [sflag:$0x5], $0x80, s12, s20, $0xb8;
	[tilespmem:$0x1FEC0] =	vst v63  }
0x69: {  	_ =	swait.ge [sflag:s13], $0x1000  }
0x6a: {  	[sflag:s13] =	ssyncset.done $0x0  }
0x6b: {  	s14 =	rddreg [dreg:$0xd];
	[sflag:s13] =	ssyncadd.s32 $0xFFFFF000  }
0x6c: {  	[tilespmem:s23], [sflag:$0x2] =	stream.indirect.gather [spmem:s1], $0x80, s14, s20, $0xb8;
	[tilespmem:$0x1FEC0] =	vst v63  }
0x6d: {  	_ =	swait.ge [sflag:s24], $0x1000  }
0x6e: {  	[sflag:s24] =	ssyncset.done $0x0  }
0x6f: {  	s15 =	rddreg [dreg:$0xe];
	[sflag:s24] =	ssyncadd.s32 $0xFFFFF000  }
0x70: {  	[spmem:s3] =	stream.indirect.scatter.add.f32 [tilespmem:s23], [sflag:$0x5], $0x80, s15, s20, $0xb8;
	[tilespmem:$0x1FEC0] =	vst v63  }
0x71: {  	_ =	swait.ge [sflag:s13], $0x1000  }
0x72: {  	[sflag:s13] =	ssyncset.done $0x0  }
0x73: {  	s11 =	rddreg [dreg:$0xf];
	[sflag:s13] =	ssyncadd.s32 $0xFFFFF000  }
0x74: {  	[tilespmem:s21], [sflag:$0x1] =	stream.indirect.gather [spmem:s1], $0x80, s11, s20, $0xb8;
	[tilespmem:$0x1FEC0] =	vst v63  }
0x75: {  	_ =	swait.ge [sflag:s22], $0x1000  }
0x76: {  	[sflag:s22] =	ssyncset.done $0x0  }
0x77: {  	s12 =	rddreg [dreg:$0x10];
	[sflag:s22] =	ssyncadd.s32 $0xFFFFF000  }
0x78: {  	[spmem:s3] =	stream.indirect.scatter.add.f32 [tilespmem:s21], [sflag:$0x5], $0x80, s12, s20, $0xb8;
	[tilespmem:$0x1FEC0] =	vst v63  }
0x79: {  	_ =	swait.ge [sflag:s13], $0x1000  }
0x7a: {  	[sflag:s13] =	ssyncset.done $0x0  }
0x7b: {  	s14 =	rddreg [dreg:$0x11];
	[sflag:s13] =	ssyncadd.s32 $0xFFFFF000  }
0x7c: {  	[tilespmem:s23], [sflag:$0x2] =	stream.indirect.gather [spmem:s1], $0x80, s14, s20, $0xb8;
	[tilespmem:$0x1FEC0] =	vst v63  }
0x7d: {  	_ =	swait.ge [sflag:s24], $0x1000  }
0x7e: {  	[sflag:s24] =	ssyncset.done $0x0  }
0x7f: {  	s15 =	rddreg [dreg:$0x12];
	[sflag:s24] =	ssyncadd.s32 $0xFFFFF000  }
0x80: {  	[spmem:s3] =	stream.indirect.scatter.add.f32 [tilespmem:s23], [sflag:$0x5], $0x80, s15, s20, $0xb8;
	[tilespmem:$0x1FEC0] =	vst v63  }
0x81: {  	_ =	swait.ge [sflag:s13], $0x1000  }
0x82: {  	[sflag:s13] =	ssyncset.done $0x0  }
0x83: {  	s11 =	rddreg [dreg:$0x13];
	[sflag:s13] =	ssyncadd.s32 $0xFFFFF000  }
0x84: {  	[tilespmem:s21], [sflag:$0x1] =	stream.indirect.gather [spmem:s1], $0x80, s11, s20, $0xb8;
	[tilespmem:$0x1FEC0] =	vst v63  }
0x85: {  	_ =	swait.ge [sflag:s22], $0x1000  }
0x86: {  	[sflag:s22] =	ssyncset.done $0x0  }
0x87: {  	s12 =	rddreg [dreg:$0x14];
	[sflag:s22] =	ssyncadd.s32 $0xFFFFF000  }
0x88: {  	[spmem:s3] =	stream.indirect.scatter.add.f32 [tilespmem:s21], [sflag:$0x5], $0x80, s12, s20, $0xb8;
	[tilespmem:$0x1FEC0] =	vst v63  }
0x89: {  	_ =	swait.ge [sflag:s13], $0x1000  }
0x8a: {  	[sflag:s13] =	ssyncset.done $0x0  }
0x8b: {  	s14 =	rddreg [dreg:$0x15];
	[sflag:s13] =	ssyncadd.s32 $0xFFFFF000  }
0x8c: {  	[tilespmem:s23], [sflag:$0x2] =	stream.indirect.gather [spmem:s1], $0x80, s14, s20, $0xb8;
	[tilespmem:$0x1FEC0] =	vst v63  }
0x8d: {  	_ =	swait.ge [sflag:s24], $0x1000  }
0x8e: {  	[sflag:s24] =	ssyncset.done $0x0  }
0x8f: {  	s15 =	rddreg [dreg:$0x16];
	[sflag:s24] =	ssyncadd.s32 $0xFFFFF000  }
0x90: {  	[spmem:s3] =	stream.indirect.scatter.add.f32 [tilespmem:s23], [sflag:$0x5], $0x80, s15, s20, $0xb8;
	[tilespmem:$0x1FEC0] =	vst v63  }
0x91: {  	_ =	swait.ge [sflag:s13], $0x1000  }
0x92: {  	[sflag:s13] =	ssyncset.done $0x0  }
0x93: {  	s11 =	rddreg [dreg:$0x17];
	[sflag:s13] =	ssyncadd.s32 $0xFFFFF000  }
0x94: {  	[tilespmem:s21], [sflag:$0x1] =	stream.indirect.gather [spmem:s1], $0x80, s11, s20, $0xb8;
	[tilespmem:$0x1FEC0] =	vst v63  }
0x95: {  	_ =	swait.ge [sflag:s22], $0x1000  }
0x96: {  	[sflag:s22] =	ssyncset.done $0x0  }
0x97: {  	s12 =	rddreg [dreg:$0x18];
	[sflag:s22] =	ssyncadd.s32 $0xFFFFF000  }
0x98: {  	[spmem:s3] =	stream.indirect.scatter.add.f32 [tilespmem:s21], [sflag:$0x5], $0x80, s12, s20, $0xb8;
	[tilespmem:$0x1FEC0] =	vst v63  }
0x99: {  	_ =	swait.ge [sflag:s13], $0x1000  }
0x9a: {  	[sflag:s13] =	ssyncset.done $0x0  }
0x9b: {  	s14 =	rddreg [dreg:$0x19];
	[sflag:s13] =	ssyncadd.s32 $0xFFFFF000  }
0x9c: {  	[tilespmem:s23], [sflag:$0x2] =	stream.indirect.gather [spmem:s1], $0x80, s14, s20, $0xb8;
	[tilespmem:$0x1FEC0] =	vst v63  }
0x9d: {  	_ =	swait.ge [sflag:s24], $0x1000  }
0x9e: {  	[sflag:s24] =	ssyncset.done $0x0  }
0x9f: {  	s15 =	rddreg [dreg:$0x1a];
	[sflag:s24] =	ssyncadd.s32 $0xFFFFF000  }
0xa0: {  	[spmem:s3] =	stream.indirect.scatter.add.f32 [tilespmem:s23], [sflag:$0x5], $0x80, s15, s20, $0xb8;
	[tilespmem:$0x1FEC0] =	vst v63  }
0xa1: {  	_ =	swait.ge [sflag:s13], $0x1000  }
0xa2: {  	[sflag:s13] =	ssyncset.done $0x0  }
0xa3: {  	[sflag:s13] =	ssyncadd.s32 $0xFFFFF000  }
0xa4: {  	_ =	swait.ge [sflag:s25], $0x140  }
0xa5: {  	[sflag:s25] =	ssyncset.done $0x0  }
0xa6: {  	[sflag:s25] =	ssyncadd.s32 $0xFFFFFEC0  }
0xa7: {  	p1 =	por $0x0, $0x0;
	_ =	swait.ge [sflag:s25], $0x140  }
0xa8: {  	s14 =	simm.s32 @!p1 $0x0;
	s10 =	rddreg [dreg:$0x7];
	[sflag:s25] =	ssyncset.done $0x0  }
0xa9: {  	s11 =	rddreg [dreg:$0x6];
	[sflag:s25] =	ssyncadd.s32 $0xFFFFFEC0;
	s10 =	sadd.s32 @!p1 $0x0, s10  }
0xaa: {  	[tilespmem:s14], [sflag:$0x3] =	stream.linear.gather @!p1 [hbm4b:s10+s14], $0x140, $0x38;
	[tilespmem:$0x1FEC0] =	vst v63  }
0xab: {  	s10 =	sadd.s32 @!p1 $0x0, s11;
	s11 =	simm.s32 @!p1 $0x180  }
0xac: {  	[tilespmem:s11], [sflag:$0x3] =	stream.linear.gather @!p1 [hbm4b:s10+s14], $0x140, $0x38;
	[tilespmem:$0x1FEC0] =	vst v63  }
0xad: {  	_ = 	snop  }
0xae: {  	[tilespmem:s21], [sflag:$0x1] =	stream.indirect.gather [spmem:s1], $0x80, s18, s20, $0xb8;
	[tilespmem:$0x1FEC0] =	vst v63  }
0xaf: {  	_ =	swait.ge [sflag:s22], $0x1000  }
0xb0: {  	[sflag:s22] =	ssyncset.done $0x0  }
0xb1: {  	[sflag:s22] =	ssyncadd.s32 $0xFFFFF000  }
0xb2: {  	[spmem:s3] =	stream.indirect.scatter.add.f32 [tilespmem:s21], [sflag:$0x5], $0x80, s19, s20, $0xb8;
	[tilespmem:$0x1FEC0] =	vst v63  }
0xb3: {  	_ =	swait.ge [sflag:s13], $0x1000  }
0xb4: {  	[sflag:s13] =	ssyncset.done $0x0  }
0xb5: {  	s11 =	rddreg [dreg:$0x1b];
	[sflag:s13] =	ssyncadd.s32 $0xFFFFF000  }
0xb6: {  	[tilespmem:s23], [sflag:$0x2] =	stream.indirect.gather [spmem:s1], $0x80, s11, s20, $0xb8;
	[tilespmem:$0x1FEC0] =	vst v63  }
0xb7: {  	_ =	swait.ge [sflag:s24], $0x1000  }
0xb8: {  	[sflag:s24] =	ssyncset.done $0x0  }
0xb9: {  	s12 =	rddreg [dreg:$0x1c];
	[sflag:s24] =	ssyncadd.s32 $0xFFFFF000  }
0xba: {  	[spmem:s3] =	stream.indirect.scatter.add.f32 [tilespmem:s23], [sflag:$0x5], $0x80, s12, s20, $0xb8;
	[tilespmem:$0x1FEC0] =	vst v63  }
0xbb: {  	_ =	swait.ge [sflag:s13], $0x1000  }
0xbc: {  	[sflag:s13] =	ssyncset.done $0x0  }
0xbd: {  	s14 =	rddreg [dreg:$0x1d];
	[sflag:s13] =	ssyncadd.s32 $0xFFFFF000  }
0xbe: {  	[tilespmem:s21], [sflag:$0x1] =	stream.indirect.gather [spmem:s1], $0x80, s14, s20, $0xb8;
	[tilespmem:$0x1FEC0] =	vst v63  }
0xbf: {  	_ =	swait.ge [sflag:s22], $0x1000  }
0xc0: {  	[sflag:s22] =	ssyncset.done $0x0  }
0xc1: {  	s15 =	rddreg [dreg:$0x1e];
	[sflag:s22] =	ssyncadd.s32 $0xFFFFF000  }
0xc2: {  	[spmem:s3] =	stream.indirect.scatter.add.f32 [tilespmem:s21], [sflag:$0x5], $0x80, s15, s20, $0xb8;
	[tilespmem:$0x1FEC0] =	vst v63  }
0xc3: {  	_ =	swait.ge [sflag:s13], $0x1000  }
0xc4: {  	[sflag:s13] =	ssyncset.done $0x0  }
0xc5: {  	s11 =	rddreg [dreg:$0x1f];
	[sflag:s13] =	ssyncadd.s32 $0xFFFFF000  }
0xc6: {  	[tilespmem:s23], [sflag:$0x2] =	stream.indirect.gather [spmem:s1], $0x80, s11, s20, $0xb8;
	[tilespmem:$0x1FEC0] =	vst v63  }
0xc7: {  	_ =	swait.ge [sflag:s24], $0x1000  }
0xc8: {  	s12 =	sld [smem:$0x7FA]  }
0xc9: {  	[sflag:s24] =	ssyncset.done $0x0  }
0xca: {  	[sflag:s24] =	ssyncadd.s32 $0xFFFFF000  }
0xcb: {  	[spmem:s3] =	stream.indirect.scatter.add.f32 [tilespmem:s23], [sflag:$0x5], $0x80, s12, s20, $0xb8;
	[tilespmem:$0x1FEC0] =	vst v63  }
0xcc: {  	_ =	swait.ge [sflag:s13], $0x1000  }
0xcd: {  	s14 =	sld [smem:$0x7FB]  }
0xce: {  	[sflag:s13] =	ssyncset.done $0x0  }
0xcf: {  	[sflag:s13] =	ssyncadd.s32 $0xFFFFF000  }
0xd0: {  	[tilespmem:s21], [sflag:$0x1] =	stream.indirect.gather [spmem:s1], $0x80, s14, s20, $0xb8;
	[tilespmem:$0x1FEC0] =	vst v63  }
0xd1: {  	_ =	swait.ge [sflag:s22], $0x1000  }
0xd2: {  	s15 =	sld [smem:$0x7FC]  }
0xd3: {  	[sflag:s22] =	ssyncset.done $0x0  }
0xd4: {  	[sflag:s22] =	ssyncadd.s32 $0xFFFFF000  }
0xd5: {  	[spmem:s3] =	stream.indirect.scatter.add.f32 [tilespmem:s21], [sflag:$0x5], $0x80, s15, s20, $0xb8;
	[tilespmem:$0x1FEC0] =	vst v63  }
0xd6: {  	_ =	swait.ge [sflag:s13], $0x1000  }
0xd7: {  	[sflag:s13] =	ssyncset.done $0x0  }
0xd8: {  	[sflag:s13] =	ssyncadd.s32 $0xFFFFF000  }
0xd9: {  	[tilespmem:s23], [sflag:$0x2] =	stream.indirect.gather [spmem:s1], $0x80, s26, s20, $0xb8;
	[tilespmem:$0x1FEC0] =	vst v63  }
0xda: {  	_ =	swait.ge [sflag:s24], $0x1000  }
0xdb: {  	[sflag:s24] =	ssyncset.done $0x0  }
0xdc: {  	[sflag:s24] =	ssyncadd.s32 $0xFFFFF000  }
0xdd: {  	[spmem:s3] =	stream.indirect.scatter.add.f32 [tilespmem:s23], [sflag:$0x5], $0x80, s28, s20, $0xb8;
	[tilespmem:$0x1FEC0] =	vst v63  }
0xde: {  	_ =	swait.ge [sflag:s13], $0x1000  }
0xdf: {  	[sflag:s13] =	ssyncset.done $0x0  }
0xe0: {  	[sflag:s13] =	ssyncadd.s32 $0xFFFFF000  }
0xe1: {  	[tilespmem:s21], [sflag:$0x1] =	stream.indirect.gather [spmem:s1], $0x80, s29, s20, $0xb8;
	[tilespmem:$0x1FEC0] =	vst v63  }
0xe2: {  	_ =	swait.ge [sflag:s22], $0x1000  }
0xe3: {  	[sflag:s22] =	ssyncset.done $0x0  }
0xe4: {  	[sflag:s22] =	ssyncadd.s32 $0xFFFFF000  }
0xe5: {  	[spmem:s3] =	stream.indirect.scatter.add.f32 [tilespmem:s21], [sflag:$0x5], $0x80, s30, s20, $0xb8;
	[tilespmem:$0x1FEC0] =	vst v63  }
0xe6: {  	_ =	swait.ge [sflag:s13], $0x1000  }
0xe7: {  	[sflag:s13] =	ssyncset.done $0x0  }
0xe8: {  	[sflag:s13] =	ssyncadd.s32 $0xFFFFF000  }
0xe9: {  	[tilespmem:s23], [sflag:$0x2] =	stream.indirect.gather [spmem:s1], $0x80, s31, s20, $0xb8;
	[tilespmem:$0x1FEC0] =	vst v63  }
0xea: {  	_ =	swait.ge [sflag:s24], $0x1000  }
0xeb: {  	[sflag:s24] =	ssyncset.done $0x0  }
0xec: {  	[sflag:s24] =	ssyncadd.s32 $0xFFFFF000  }
0xed: {  	[spmem:s3] =	stream.indirect.scatter.add.f32 [tilespmem:s23], [sflag:$0x5], $0x80, s2, s20, $0xb8;
	[tilespmem:$0x1FEC0] =	vst v63  }
0xee: {  	_ =	swait.ge [sflag:s13], $0x1000  }
0xef: {  	[sflag:s13] =	ssyncset.done $0x0  }
0xf0: {  	[sflag:s13] =	ssyncadd.s32 $0xFFFFF000  }
0xf1: {  	[tilespmem:s21], [sflag:$0x1] =	stream.indirect.gather [spmem:s1], $0x80, s0, s20, $0xb8;
	[tilespmem:$0x1FEC0] =	vst v63  }
0xf2: {  	_ =	swait.ge [sflag:s22], $0x1000  }
0xf3: {  	[sflag:s22] =	ssyncset.done $0x0  }
0xf4: {  	[sflag:s22] =	ssyncadd.s32 $0xFFFFF000  }
0xf5: {  	[spmem:s3] =	stream.indirect.scatter.add.f32 [tilespmem:s21], [sflag:$0x5], $0x80, s6, s20, $0xb8;
	[tilespmem:$0x1FEC0] =	vst v63  }
0xf6: {  	_ =	swait.ge [sflag:s13], $0x1000  }
0xf7: {  	[sflag:s13] =	ssyncset.done $0x0  }
0xf8: {  	[sflag:s13] =	ssyncadd.s32 $0xFFFFF000  }
0xf9: {  	[tilespmem:s23], [sflag:$0x2] =	stream.indirect.gather [spmem:s1], $0x80, s7, s20, $0xb8;
	[tilespmem:$0x1FEC0] =	vst v63  }
0xfa: {  	_ =	swait.ge [sflag:s24], $0x1000  }
0xfb: {  	[sflag:s24] =	ssyncset.done $0x0  }
0xfc: {  	[sflag:s24] =	ssyncadd.s32 $0xFFFFF000  }
0xfd: {  	[spmem:s3] =	stream.indirect.scatter.add.f32 [tilespmem:s23], [sflag:$0x5], $0x80, s8, s20, $0xb8;
	[tilespmem:$0x1FEC0] =	vst v63  }
0xfe: {  	_ =	swait.ge [sflag:s13], $0x1000  }
0xff: {  	s10 =	simm.s32 $0x50;
	[sflag:s13] =	ssyncset.done $0x0  }
.LBB2_2:
0x100: {  	[sflag:s13] =	ssyncadd.s32 $0xFFFFF000  }
0x101: {  	_ =	swait.ge [sflag:s17], $0x140  }
0x102: {  	[sflag:s17] =	ssyncset.done $0x0  }
0x103: {  	[sflag:s17] =	ssyncadd.s32 $0xFFFFFEC0  }
0x104: {  	_ =	swait.ge [sflag:s17], $0x140  }
0x105: {  	s11 =	smov.u32 s10;
	s14 =	rddreg [dreg:$0x9];
	[sflag:s17] =	ssyncset.done $0x0  }
0x106: {  	s15 =	rddreg [dreg:$0x8];
	[sflag:s17] =	ssyncadd.s32 $0xFFFFFEC0;
	s14 =	sadd.s32 s11, s14  }
0x107: {  	[tilespmem:s18], [sflag:$0x4] =	stream.linear.gather [hbm4b:s14+s4], $0x140, $0x38;
	[tilespmem:$0x1FEC0] =	vst v63  }
0x108: {  	s15 =	sadd.s32 s11, s15  }
0x109: {  	[tilespmem:s19], [sflag:$0x4] =	stream.linear.gather [hbm4b:s15+s4], $0x140, $0x38;
	[tilespmem:$0x1FEC0] =	vst v63  }
0x10a: {  	_ = 	snop  }
0x10b: {  	[tilespmem:s21], [sflag:$0x1] =	stream.indirect.gather [spmem:s1], $0x80, s4, s20, $0xb8;
	[tilespmem:$0x1FEC0] =	vst v63  }
0x10c: {  	_ =	swait.ge [sflag:s22], $0x1000  }
0x10d: {  	[sflag:s22] =	ssyncset.done $0x0  }
0x10e: {  	[sflag:s22] =	ssyncadd.s32 $0xFFFFF000  }
0x10f: {  	[spmem:s3] =	stream.indirect.scatter.add.f32 [tilespmem:s21], [sflag:$0x5], $0x80, s16, s20, $0xb8;
	[tilespmem:$0x1FEC0] =	vst v63  }
0x110: {  	_ =	swait.ge [sflag:s13], $0x1000  }
0x111: {  	[sflag:s13] =	ssyncset.done $0x0  }
0x112: {  	[sflag:s13] =	ssyncadd.s32 $0xFFFFF000  }
0x113: {  	[tilespmem:s23], [sflag:$0x2] =	stream.indirect.gather [spmem:s1], $0x80, s20, s20, $0xb8;
	[tilespmem:$0x1FEC0] =	vst v63  }
0x114: {  	_ =	swait.ge [sflag:s24], $0x1000  }
0x115: {  	[sflag:s24] =	ssyncset.done $0x0  }
0x116: {  	s12 =	rddreg [dreg:$0xa];
	[sflag:s24] =	ssyncadd.s32 $0xFFFFF000  }
0x117: {  	[spmem:s3] =	stream.indirect.scatter.add.f32 [tilespmem:s23], [sflag:$0x5], $0x80, s12, s20, $0xb8;
	[tilespmem:$0x1FEC0] =	vst v63  }
0x118: {  	_ =	swait.ge [sflag:s13], $0x1000  }
0x119: {  	[sflag:s13] =	ssyncset.done $0x0  }
0x11a: {  	s15 =	rddreg [dreg:$0xb];
	[sflag:s13] =	ssyncadd.s32 $0xFFFFF000  }
0x11b: {  	[tilespmem:s21], [sflag:$0x1] =	stream.indirect.gather [spmem:s1], $0x80, s15, s20, $0xb8;
	[tilespmem:$0x1FEC0] =	vst v63  }
0x11c: {  	_ =	swait.ge [sflag:s22], $0x1000  }
0x11d: {  	[sflag:s22] =	ssyncset.done $0x0  }
0x11e: {  	s12 =	rddreg [dreg:$0xc];
	[sflag:s22] =	ssyncadd.s32 $0xFFFFF000  }
0x11f: {  	[spmem:s3] =	stream.indirect.scatter.add.f32 [tilespmem:s21], [sflag:$0x5], $0x80, s12, s20, $0xb8;
	[tilespmem:$0x1FEC0] =	vst v63  }
0x120: {  	_ =	swait.ge [sflag:s13], $0x1000  }
0x121: {  	[sflag:s13] =	ssyncset.done $0x0  }
0x122: {  	s15 =	rddreg [dreg:$0xd];
	[sflag:s13] =	ssyncadd.s32 $0xFFFFF000  }
0x123: {  	[tilespmem:s23], [sflag:$0x2] =	stream.indirect.gather [spmem:s1], $0x80, s15, s20, $0xb8;
	[tilespmem:$0x1FEC0] =	vst v63  }
0x124: {  	_ =	swait.ge [sflag:s24], $0x1000  }
0x125: {  	[sflag:s24] =	ssyncset.done $0x0  }
0x126: {  	s12 =	rddreg [dreg:$0xe];
	[sflag:s24] =	ssyncadd.s32 $0xFFFFF000  }
0x127: {  	[spmem:s3] =	stream.indirect.scatter.add.f32 [tilespmem:s23], [sflag:$0x5], $0x80, s12, s20, $0xb8;
	[tilespmem:$0x1FEC0] =	vst v63  }
0x128: {  	_ =	swait.ge [sflag:s13], $0x1000  }
0x129: {  	[sflag:s13] =	ssyncset.done $0x0  }
0x12a: {  	s15 =	rddreg [dreg:$0xf];
	[sflag:s13] =	ssyncadd.s32 $0xFFFFF000  }
0x12b: {  	[tilespmem:s21], [sflag:$0x1] =	stream.indirect.gather [spmem:s1], $0x80, s15, s20, $0xb8;
	[tilespmem:$0x1FEC0] =	vst v63  }
0x12c: {  	_ =	swait.ge [sflag:s22], $0x1000  }
0x12d: {  	[sflag:s22] =	ssyncset.done $0x0  }
0x12e: {  	s12 =	rddreg [dreg:$0x10];
	[sflag:s22] =	ssyncadd.s32 $0xFFFFF000  }
0x12f: {  	[spmem:s3] =	stream.indirect.scatter.add.f32 [tilespmem:s21], [sflag:$0x5], $0x80, s12, s20, $0xb8;
	[tilespmem:$0x1FEC0] =	vst v63  }
0x130: {  	_ =	swait.ge [sflag:s13], $0x1000  }
0x131: {  	[sflag:s13] =	ssyncset.done $0x0  }
0x132: {  	s15 =	rddreg [dreg:$0x11];
	[sflag:s13] =	ssyncadd.s32 $0xFFFFF000  }
0x133: {  	[tilespmem:s23], [sflag:$0x2] =	stream.indirect.gather [spmem:s1], $0x80, s15, s20, $0xb8;
	[tilespmem:$0x1FEC0] =	vst v63  }
0x134: {  	_ =	swait.ge [sflag:s24], $0x1000  }
0x135: {  	[sflag:s24] =	ssyncset.done $0x0  }
0x136: {  	s12 =	rddreg [dreg:$0x12];
	[sflag:s24] =	ssyncadd.s32 $0xFFFFF000  }
0x137: {  	[spmem:s3] =	stream.indirect.scatter.add.f32 [tilespmem:s23], [sflag:$0x5], $0x80, s12, s20, $0xb8;
	[tilespmem:$0x1FEC0] =	vst v63  }
0x138: {  	_ =	swait.ge [sflag:s13], $0x1000  }
0x139: {  	[sflag:s13] =	ssyncset.done $0x0  }
0x13a: {  	s15 =	rddreg [dreg:$0x13];
	[sflag:s13] =	ssyncadd.s32 $0xFFFFF000  }
0x13b: {  	[tilespmem:s21], [sflag:$0x1] =	stream.indirect.gather [spmem:s1], $0x80, s15, s20, $0xb8;
	[tilespmem:$0x1FEC0] =	vst v63  }
0x13c: {  	_ =	swait.ge [sflag:s22], $0x1000  }
0x13d: {  	[sflag:s22] =	ssyncset.done $0x0  }
0x13e: {  	s12 =	rddreg [dreg:$0x14];
	[sflag:s22] =	ssyncadd.s32 $0xFFFFF000  }
0x13f: {  	[spmem:s3] =	stream.indirect.scatter.add.f32 [tilespmem:s21], [sflag:$0x5], $0x80, s12, s20, $0xb8;
	[tilespmem:$0x1FEC0] =	vst v63  }
0x140: {  	_ =	swait.ge [sflag:s13], $0x1000  }
0x141: {  	[sflag:s13] =	ssyncset.done $0x0  }
0x142: {  	s15 =	rddreg [dreg:$0x15];
	[sflag:s13] =	ssyncadd.s32 $0xFFFFF000  }
0x143: {  	[tilespmem:s23], [sflag:$0x2] =	stream.indirect.gather [spmem:s1], $0x80, s15, s20, $0xb8;
	[tilespmem:$0x1FEC0] =	vst v63  }
0x144: {  	_ =	swait.ge [sflag:s24], $0x1000  }
0x145: {  	[sflag:s24] =	ssyncset.done $0x0  }
0x146: {  	s12 =	rddreg [dreg:$0x16];
	[sflag:s24] =	ssyncadd.s32 $0xFFFFF000  }
0x147: {  	[spmem:s3] =	stream.indirect.scatter.add.f32 [tilespmem:s23], [sflag:$0x5], $0x80, s12, s20, $0xb8;
	[tilespmem:$0x1FEC0] =	vst v63  }
0x148: {  	_ =	swait.ge [sflag:s13], $0x1000  }
0x149: {  	[sflag:s13] =	ssyncset.done $0x0  }
0x14a: {  	s15 =	rddreg [dreg:$0x17];
	[sflag:s13] =	ssyncadd.s32 $0xFFFFF000  }
0x14b: {  	[tilespmem:s21], [sflag:$0x1] =	stream.indirect.gather [spmem:s1], $0x80, s15, s20, $0xb8;
	[tilespmem:$0x1FEC0] =	vst v63  }
0x14c: {  	_ =	swait.ge [sflag:s22], $0x1000  }
0x14d: {  	[sflag:s22] =	ssyncset.done $0x0  }
0x14e: {  	s12 =	rddreg [dreg:$0x18];
	[sflag:s22] =	ssyncadd.s32 $0xFFFFF000  }
0x14f: {  	[spmem:s3] =	stream.indirect.scatter.add.f32 [tilespmem:s21], [sflag:$0x5], $0x80, s12, s20, $0xb8;
	[tilespmem:$0x1FEC0] =	vst v63  }
0x150: {  	_ =	swait.ge [sflag:s13], $0x1000  }
0x151: {  	[sflag:s13] =	ssyncset.done $0x0  }
0x152: {  	s15 =	rddreg [dreg:$0x19];
	[sflag:s13] =	ssyncadd.s32 $0xFFFFF000  }
0x153: {  	[tilespmem:s23], [sflag:$0x2] =	stream.indirect.gather [spmem:s1], $0x80, s15, s20, $0xb8;
	[tilespmem:$0x1FEC0] =	vst v63  }
0x154: {  	_ =	swait.ge [sflag:s24], $0x1000  }
0x155: {  	[sflag:s24] =	ssyncset.done $0x0  }
0x156: {  	s12 =	rddreg [dreg:$0x1a];
	[sflag:s24] =	ssyncadd.s32 $0xFFFFF000  }
0x157: {  	[spmem:s3] =	stream.indirect.scatter.add.f32 [tilespmem:s23], [sflag:$0x5], $0x80, s12, s20, $0xb8;
	[tilespmem:$0x1FEC0] =	vst v63  }
0x158: {  	_ =	swait.ge [sflag:s13], $0x1000  }
0x159: {  	[sflag:s13] =	ssyncset.done $0x0  }
0x15a: {  	[sflag:s13] =	ssyncadd.s32 $0xFFFFF000  }
0x15b: {  	_ =	swait.ge [sflag:s25], $0x140  }
0x15c: {  	[sflag:s25] =	ssyncset.done $0x0  }
0x15d: {  	[sflag:s25] =	ssyncadd.s32 $0xFFFFFEC0  }
0x15e: {  	p2 =	seq.s32 s11, $0x9B0;
	_ =	swait.ge [sflag:s25], $0x140  }
0x15f: {  	s12 =	simm.s32 @!p2 $0x0;
	s14 =	rddreg [dreg:$0x7];
	[sflag:s25] =	ssyncset.done $0x0  }
0x160: {  	s15 =	rddreg [dreg:$0x6];
	[sflag:s25] =	ssyncadd.s32 $0xFFFFFEC0;
	s14 =	sadd.s32 @!p2 s11, s14  }
0x161: {  	[tilespmem:s12], [sflag:$0x3] =	stream.linear.gather @!p2 [hbm4b:s14+s12], $0x140, $0x38;
	[tilespmem:$0x1FEC0] =	vst v63  }
0x162: {  	s11 =	sadd.s32 @!p2 s11, s15;
	s14 =	simm.s32 @!p2 $0x180  }
0x163: {  	[tilespmem:s14], [sflag:$0x3] =	stream.linear.gather @!p2 [hbm4b:s11+s12], $0x140, $0x38;
	[tilespmem:$0x1FEC0] =	vst v63  }
0x164: {  	_ = 	snop  }
0x165: {  	[tilespmem:s21], [sflag:$0x1] =	stream.indirect.gather [spmem:s1], $0x80, s18, s20, $0xb8;
	[tilespmem:$0x1FEC0] =	vst v63  }
0x166: {  	_ =	swait.ge [sflag:s22], $0x1000  }
0x167: {  	[sflag:s22] =	ssyncset.done $0x0  }
0x168: {  	[sflag:s22] =	ssyncadd.s32 $0xFFFFF000  }
0x169: {  	[spmem:s3] =	stream.indirect.scatter.add.f32 [tilespmem:s21], [sflag:$0x5], $0x80, s19, s20, $0xb8;
	[tilespmem:$0x1FEC0] =	vst v63  }
0x16a: {  	_ =	swait.ge [sflag:s13], $0x1000  }
0x16b: {  	[sflag:s13] =	ssyncset.done $0x0  }
0x16c: {  	s14 =	rddreg [dreg:$0x1b];
	[sflag:s13] =	ssyncadd.s32 $0xFFFFF000  }
0x16d: {  	[tilespmem:s23], [sflag:$0x2] =	stream.indirect.gather [spmem:s1], $0x80, s14, s20, $0xb8;
	[tilespmem:$0x1FEC0] =	vst v63  }
0x16e: {  	_ =	swait.ge [sflag:s24], $0x1000  }
0x16f: {  	[sflag:s24] =	ssyncset.done $0x0  }
0x170: {  	s15 =	rddreg [dreg:$0x1c];
	[sflag:s24] =	ssyncadd.s32 $0xFFFFF000  }
0x171: {  	[spmem:s3] =	stream.indirect.scatter.add.f32 [tilespmem:s23], [sflag:$0x5], $0x80, s15, s20, $0xb8;
	[tilespmem:$0x1FEC0] =	vst v63  }
0x172: {  	_ =	swait.ge [sflag:s13], $0x1000  }
0x173: {  	[sflag:s13] =	ssyncset.done $0x0  }
0x174: {  	s12 =	rddreg [dreg:$0x1d];
	[sflag:s13] =	ssyncadd.s32 $0xFFFFF000  }
0x175: {  	[tilespmem:s21], [sflag:$0x1] =	stream.indirect.gather [spmem:s1], $0x80, s12, s20, $0xb8;
	[tilespmem:$0x1FEC0] =	vst v63  }
0x176: {  	_ =	swait.ge [sflag:s22], $0x1000  }
0x177: {  	[sflag:s22] =	ssyncset.done $0x0  }
0x178: {  	s14 =	rddreg [dreg:$0x1e];
	[sflag:s22] =	ssyncadd.s32 $0xFFFFF000  }
0x179: {  	[spmem:s3] =	stream.indirect.scatter.add.f32 [tilespmem:s21], [sflag:$0x5], $0x80, s14, s20, $0xb8;
	[tilespmem:$0x1FEC0] =	vst v63  }
0x17a: {  	_ =	swait.ge [sflag:s13], $0x1000  }
0x17b: {  	[sflag:s13] =	ssyncset.done $0x0  }
0x17c: {  	s15 =	rddreg [dreg:$0x1f];
	[sflag:s13] =	ssyncadd.s32 $0xFFFFF000  }
0x17d: {  	[tilespmem:s23], [sflag:$0x2] =	stream.indirect.gather [spmem:s1], $0x80, s15, s20, $0xb8;
	[tilespmem:$0x1FEC0] =	vst v63  }
0x17e: {  	_ =	swait.ge [sflag:s24], $0x1000  }
0x17f: {  	s12 =	sld [smem:$0x7FA]  }
0x180: {  	[sflag:s24] =	ssyncset.done $0x0  }
0x181: {  	[sflag:s24] =	ssyncadd.s32 $0xFFFFF000  }
0x182: {  	[spmem:s3] =	stream.indirect.scatter.add.f32 [tilespmem:s23], [sflag:$0x5], $0x80, s12, s20, $0xb8;
	[tilespmem:$0x1FEC0] =	vst v63  }
0x183: {  	_ =	swait.ge [sflag:s13], $0x1000  }
0x184: {  	s14 =	sld [smem:$0x7FB]  }
0x185: {  	[sflag:s13] =	ssyncset.done $0x0  }
0x186: {  	[sflag:s13] =	ssyncadd.s32 $0xFFFFF000  }
0x187: {  	[tilespmem:s21], [sflag:$0x1] =	stream.indirect.gather [spmem:s1], $0x80, s14, s20, $0xb8;
	[tilespmem:$0x1FEC0] =	vst v63  }
0x188: {  	_ =	swait.ge [sflag:s22], $0x1000  }
0x189: {  	s15 =	sld [smem:$0x7FC]  }
0x18a: {  	[sflag:s22] =	ssyncset.done $0x0  }
0x18b: {  	[sflag:s22] =	ssyncadd.s32 $0xFFFFF000  }
0x18c: {  	[spmem:s3] =	stream.indirect.scatter.add.f32 [tilespmem:s21], [sflag:$0x5], $0x80, s15, s20, $0xb8;
	[tilespmem:$0x1FEC0] =	vst v63  }
0x18d: {  	_ =	swait.ge [sflag:s13], $0x1000  }
0x18e: {  	[sflag:s13] =	ssyncset.done $0x0  }
0x18f: {  	[sflag:s13] =	ssyncadd.s32 $0xFFFFF000  }
0x190: {  	[tilespmem:s23], [sflag:$0x2] =	stream.indirect.gather [spmem:s1], $0x80, s26, s20, $0xb8;
	[tilespmem:$0x1FEC0] =	vst v63  }
0x191: {  	_ =	swait.ge [sflag:s24], $0x1000  }
0x192: {  	[sflag:s24] =	ssyncset.done $0x0  }
0x193: {  	[sflag:s24] =	ssyncadd.s32 $0xFFFFF000  }
0x194: {  	[spmem:s3] =	stream.indirect.scatter.add.f32 [tilespmem:s23], [sflag:$0x5], $0x80, s28, s20, $0xb8;
	[tilespmem:$0x1FEC0] =	vst v63  }
0x195: {  	_ =	swait.ge [sflag:s13], $0x1000  }
0x196: {  	[sflag:s13] =	ssyncset.done $0x0  }
0x197: {  	[sflag:s13] =	ssyncadd.s32 $0xFFFFF000  }
0x198: {  	[tilespmem:s21], [sflag:$0x1] =	stream.indirect.gather [spmem:s1], $0x80, s29, s20, $0xb8;
	[tilespmem:$0x1FEC0] =	vst v63  }
0x199: {  	_ =	swait.ge [sflag:s22], $0x1000  }
0x19a: {  	[sflag:s22] =	ssyncset.done $0x0  }
0x19b: {  	[sflag:s22] =	ssyncadd.s32 $0xFFFFF000  }
0x19c: {  	[spmem:s3] =	stream.indirect.scatter.add.f32 [tilespmem:s21], [sflag:$0x5], $0x80, s30, s20, $0xb8;
	[tilespmem:$0x1FEC0] =	vst v63  }
0x19d: {  	_ =	swait.ge [sflag:s13], $0x1000  }
0x19e: {  	[sflag:s13] =	ssyncset.done $0x0  }
0x19f: {  	[sflag:s13] =	ssyncadd.s32 $0xFFFFF000  }
0x1a0: {  	[tilespmem:s23], [sflag:$0x2] =	stream.indirect.gather [spmem:s1], $0x80, s31, s20, $0xb8;
	[tilespmem:$0x1FEC0] =	vst v63  }
0x1a1: {  	_ =	swait.ge [sflag:s24], $0x1000  }
0x1a2: {  	[sflag:s24] =	ssyncset.done $0x0  }
0x1a3: {  	[sflag:s24] =	ssyncadd.s32 $0xFFFFF000  }
0x1a4: {  	[spmem:s3] =	stream.indirect.scatter.add.f32 [tilespmem:s23], [sflag:$0x5], $0x80, s2, s20, $0xb8;
	[tilespmem:$0x1FEC0] =	vst v63  }
0x1a5: {  	_ =	swait.ge [sflag:s13], $0x1000  }
0x1a6: {  	[sflag:s13] =	ssyncset.done $0x0  }
0x1a7: {  	[sflag:s13] =	ssyncadd.s32 $0xFFFFF000  }
0x1a8: {  	[tilespmem:s21], [sflag:$0x1] =	stream.indirect.gather [spmem:s1], $0x80, s0, s20, $0xb8;
	[tilespmem:$0x1FEC0] =	vst v63  }
0x1a9: {  	_ =	swait.ge [sflag:s22], $0x1000  }
0x1aa: {  	[sflag:s22] =	ssyncset.done $0x0  }
0x1ab: {  	[sflag:s22] =	ssyncadd.s32 $0xFFFFF000  }
0x1ac: {  	[spmem:s3] =	stream.indirect.scatter.add.f32 [tilespmem:s21], [sflag:$0x5], $0x80, s6, s20, $0xb8;
	[tilespmem:$0x1FEC0] =	vst v63  }
0x1ad: {  	_ =	swait.ge [sflag:s13], $0x1000  }
0x1ae: {  	[sflag:s13] =	ssyncset.done $0x0  }
0x1af: {  	s10 =	sadd.s32 $0x50, s10;
	[sflag:s13] =	ssyncadd.s32 $0xFFFFF000  }
0x1b0: {  	[tilespmem:s23], [sflag:$0x2] =	stream.indirect.gather [spmem:s1], $0x80, s7, s20, $0xb8;
	[tilespmem:$0x1FEC0] =	vst v63  }
0x1b1: {  	p1 =	sne.s32 s10, $0xA00;
	_ =	swait.ge [sflag:s24], $0x1000  }
.Ltmp0:
0x1b2: {  	[sflag:s24] =	ssyncset.done $0x0;
	(pc) =	sbr.rel @p1 .LBB2_2-.Ltmp0, $4  }
0x1b3: {  	[sflag:s24] =	ssyncadd.s32 $0xFFFFF000  }
0x1b4: {  	[spmem:s3] =	stream.indirect.scatter.add.f32 [tilespmem:s23], [sflag:$0x5], $0x80, s8, s20, $0xb8;
	[tilespmem:$0x1FEC0] =	vst v63  }
0x1b5: {  	_ =	swait.ge [sflag:s13], $0x1000  }
0x1b6: {  	[sflag:s13] =	ssyncset.done $0x0  }
0x1b7: {  	[sflag:s13] =	ssyncadd.s32 $0xFFFFF000  }
0x1b8: {  	[bflag:$0x0] =	sbarrier.arrive $0xFFFF  }
0x1b9: {  	s10 =	sld [smem:$0x7F6]  }
0x1ba: {  	s11 =	sld [smem:$0x7FD];
	_ =	sdelay $0x2  }
0x1bb: {  	[hbm:s10], [sflag:s5] =	dma.local [spmem:s11], $0x2780  }
0x1bc: {  	_ =	swait.ge [sflag:s13], $0x2780  }
0x1bd: {  	s15 =	sld [smem:$0x7F7];
	_ =	sdelay $0x1  }
0x1be: {  	s9 =	sadd.s32 $0x1, s9  }
0x1bf: {  	p1 =	sne.s32 s9, s15  }
.Ltmp1:
0x1c0: {  	_ = 	snop;
	(pc) =	sbr.rel @p1 .LBB2_1-.Ltmp1, $3  }
0x1c1: {  	_ =	sdelay $0x1  }
0x1c2: {  	[sflag:s13] =	ssyncset.done $0x0  }
0x1c3: {  	[sflag:s13] =	ssyncadd.s32 $0xFFFFD880  }
0x1c4: {  	_ =	sfence.sel $0x180000  }
0x1c5: {  	[bflag:$0x0] =	sbarrier.arrive $0xFFFF  }
0x1c6: {  	_ =	strace $0x90000047  }
0x1c7: {  	[bflag:$0x2] =	sbarrier.arrive $0xFFFF  }
0x1c8: {  	s0 =	rddreg [dreg:$0x5]  }
0x1c9: {  	s0 =	sadd.s32 @!p0 $0x100000, s0  }
0x1ca: {  	[sflag:s0] =	ssyncadd.tile.s32 @!p0 $0x1;
	_ =	shalt  }
.Lfunc_end2:
_tile_overlayer_lowered:
.L_overlay_start_2:
0x1cb: {  	(tag) =	ssettag $0x2  }
0x1cc: {  	s0 =	rddreg [dreg:$0x0];
	s2 =	stileid.u32  }
0x1cd: {  	s1 =	rddreg [dreg:$0x1];
	p0 =	sne.s32 s2, $0x0  }
0x1ce: {  	s3 =	rddreg [dreg:$0x2];
	[bflag:$0x3] =	sbarrier.arrive $0xFFFF;
	s2 =	simm.s32 @!p0 $0x1C05  }
0x1cf: {  	[timem:s3], [sflag:s2] =	dma.local @!p0 [hbm:s0], s1  }
0x1d0: {  	s0 =	simm.s32 @!p0 $0x5  }
0x1d1: {  	_ =	swait.ge @!p0 [sflag:s0], s1  }
0x1d2: {  	s1 =	ssub.s32 @!p0 $0x0, s1;
	[sflag:s0] =	ssyncset.done @!p0 $0x0  }
0x1d3: {  	[sflag:s0] =	ssyncadd.s32 @!p0 s1  }
0x1d4: {  	[bflag:$0x3] =	sbarrier.arrive $0xFFFF  }
0x1d5: {  	_ =	shalt  }

</sc_bundles>
